<compile_context>
chip_gen: v7x
topology: tpu7x:2x2x1
jax: 0.10.2.dev20260603
libtpu: 0.0.44.dev20260713+nightly
codegen_flags: <defaults>
</compile_context>

<pallas_src>
import functools

import jax
import jax.numpy as jnp
import numpy as np
from jax import lax
from jax.experimental import pallas as pl
from jax.experimental.pallas import tpu as pltpu
from jax.experimental.pallas import tpu_sc as plsc

_B = 4096
_N = 64
_T = 8
_C = 2
_NW = 32
_APW = _B // _NW
_LG = _APW // 16
_NB = 16
_NCH = _N // _NB

_TWO_PI = np.float32(2.0 * np.pi)
_INV_BIN_W = np.float32(1.0 / (2.0 * np.pi / 8.0))
_TAN_PI_8 = np.float32(np.tan(np.pi / 8.0))


def _sqrtv(x):
    i = lax.bitcast_convert_type(x, jnp.int32)
    y = lax.bitcast_convert_type(jnp.int32(0x5F3759DF) - (i >> 1), jnp.float32)
    xh = x * 0.5
    y = y * (1.5 - (xh * y) * y)
    y = y * (1.5 - (xh * y) * y)
    return x * y


def _direction(fx, fy):
    ax = jnp.abs(fx)
    ay = jnp.abs(fy)
    mx = jnp.maximum(ax, ay)
    mn = jnp.minimum(ax, ay)
    big = mn > _TAN_PI_8 * mx
    num = jnp.where(big, mn - mx, mn)
    den = jnp.maximum(jnp.where(big, mn + mx, mx), np.float32(1e-37))
    w = num / den
    w2 = w * w
    p = -1.0 / 11.0 + w2 * 0.0
    p = 1.0 / 9.0 + w2 * p
    p = -1.0 / 7.0 + w2 * p
    p = 1.0 / 5.0 + w2 * p
    p = -1.0 / 3.0 + w2 * p
    p = w + w * (w2 * p)
    z = jnp.where(big, np.float32(np.pi / 4.0) + p, p)
    r = jnp.where(ax > ay, np.float32(np.pi / 2.0) - z, z)
    r = jnp.where(fy < 0.0, np.float32(np.pi) - r, r)
    return jnp.where(fx < 0.0, _TWO_PI - r, r)


def _tree_sum(vs):
    vs = list(vs)
    while len(vs) > 1:
        vs = [vs[i] + vs[i + 1] for i in range(0, len(vs) - 1, 2)] + (
            [vs[-1]] if len(vs) % 2 else [])
    return vs[0]


def _sc_body(nei_hbm, out_hbm, fdir_hbm, in_v0, in_v1, out_v, fdir_v,
             vel_a, dist_a, dir_a, cnt_a, sem0, sem1):
    wid = lax.axis_index("s") * 2 + lax.axis_index("c")
    col0 = wid * _APW
    lanes = lax.iota(jnp.int32, 16)
    ones = jnp.ones((16,), jnp.float32)
    zeros = jnp.zeros((16,), jnp.float32)

    bufs = (in_v0, in_v1)
    sems = (sem0, sem1)

    def start_fetch(ci):
        return pltpu.async_copy(
            nei_hbm.at[pl.ds(ci * _NB, _NB), :, :, pl.ds(col0, _APW)],
            bufs[ci % 2], sems[ci % 2])

    pending = start_fetch(0)

    def zero_body(i, c0):
        vel_a[pl.ds(i * 16, 16)] = zeros
        dist_a[pl.ds(i * 16, 16)] = zeros
        dir_a[pl.ds(i * 16, 16)] = zeros
        cnt_a[pl.ds(i * 16, 16)] = zeros
        return c0

    lax.fori_loop(0, (8 * _APW) // 16, zero_body, 0)

    for ci in range(_NCH):
        pending.wait()
        if ci + 1 < _NCH:
            pending = start_fetch(ci + 1)
        in_v = bufs[ci % 2]

        def nei_body(it, c2, ci=ci, in_v=in_v):
            for h in range(2):
                it2 = it * 2 + h
                nl = it2 // _LG
                a0 = (it2 % _LG) * 16
                ng = ci * _NB + nl
                vals = [in_v[nl, k // 2, k % 2, pl.ds(a0, 16)]
                        for k in range(_T * _C)]
                msum = _tree_sum(vals)
                fx = vals[14]
                fy = vals[15]
                vx = fx - vals[0]
                vy = fy - vals[1]
                vel = _sqrtv(vx * vx + vy * vy)
                dist = _sqrtv(fx * fx + fy * fy)
                dirv = _direction(fx, fy)
                fdir_v[ng, pl.ds(a0, 16)] = dirv
                idx = (dirv * _INV_BIN_W).astype(jnp.int32)
                idx = jnp.where(msum != 0.0, idx, -1)
                ok = (idx >= 0) & (idx < 8)
                tgt = idx * _APW + (a0 + lanes)
                plsc.addupdate_scatter(vel_a, [tgt], vel, mask=ok)
                plsc.addupdate_scatter(dist_a, [tgt], dist, mask=ok)
                plsc.addupdate_scatter(dir_a, [tgt], dirv, mask=ok)
                plsc.addupdate_scatter(cnt_a, [tgt], ones, mask=ok)
            return c2

        lax.fori_loop(0, (_NB * _LG) // 2, nei_body, 0)

    def fin_body(lg, c3):
        a0 = lg * 16
        for p in range(8):
            s = pl.ds(p * _APW + a0, 16)
            inv = 1.0 / (cnt_a[s] + 1e-4)
            out_v[0, p, pl.ds(a0, 16)] = vel_a[s] * inv
            out_v[1, p, pl.ds(a0, 16)] = dist_a[s] * inv
            out_v[2, p, pl.ds(a0, 16)] = dir_a[s] * inv
        return c3

    lax.fori_loop(0, _LG, fin_body, 0)
    pltpu.sync_copy(out_v, out_hbm.at[:, :, pl.ds(col0, _APW)])
    pltpu.sync_copy(fdir_v, fdir_hbm.at[:, pl.ds(col0, _APW)])


@functools.lru_cache(maxsize=1)
def _sc_call():
    return pl.kernel(
        _sc_body,
        out_type=(
            jax.ShapeDtypeStruct((3, 8, _B), jnp.float32),
            jax.ShapeDtypeStruct((_N, _B), jnp.float32),
        ),
        mesh=plsc.VectorSubcoreMesh(core_axis_name="c", subcore_axis_name="s"),
        compiler_params=pltpu.CompilerParams(needs_layout_passes=False),
        scratch_types=(
            pltpu.VMEM((_NB, _T, _C, _APW), jnp.float32),
            pltpu.VMEM((_NB, _T, _C, _APW), jnp.float32),
            pltpu.VMEM((3, 8, _APW), jnp.float32),
            pltpu.VMEM((_N, _APW), jnp.float32),
            pltpu.VMEM((8 * _APW,), jnp.float32),
            pltpu.VMEM((8 * _APW,), jnp.float32),
            pltpu.VMEM((8 * _APW,), jnp.float32),
            pltpu.VMEM((8 * _APW,), jnp.float32),
            pltpu.SemaphoreType.DMA,
            pltpu.SemaphoreType.DMA,
        ),
    )


def kernel(trajs, nei_trajs):
    del trajs
    xt = jnp.transpose(nei_trajs, (1, 2, 3, 0))
    sc_t, fdir_t = _sc_call()(xt)
    return jnp.transpose(sc_t, (2, 1, 0)), jnp.transpose(fdir_t, (1, 0))

# --- scband reference (transcript-rebuilt; emitter-appended) ---
"""Pipeline reference for scband-social-circle-layer-67138928771492 (READ-ONLY COPY).

The authoritative reference and input builder live on the scoring server;
editing this copy changes nothing except your own understanding.
"""

import jax, jax.numpy as jnp
import numpy as np

PARTITIONS = 8
MAX_PARTITIONS = 8


def setup_inputs(seed: int = 0) -> dict:
    key = jax.random.key(seed)
    k1, k2 = jax.random.split(key)
    trajs = jax.random.normal(k1, (4096, 8, 2), dtype=jnp.float32)
    nei_trajs = jax.random.normal(k2, (4096, 64, 8, 2), dtype=jnp.float32)
    return {"trajs": trajs, "nei_trajs": nei_trajs}


def get_mask(x, dtype=jnp.int32):
    # padded (all-zero) neighbors are masked out
    return (x != 0).astype(dtype)


def _forward(trajs, nei_trajs):
    obs_vector = trajs[..., -1:, :] - trajs[..., 0:1, :]
    nei_vector = nei_trajs[..., -1, :] - nei_trajs[..., 0, :]
    nei_posion_vector = nei_trajs[..., -1, :]

    # use_velocity = True, relative_velocity = False
    nei_velocity = jnp.linalg.norm(nei_vector, axis=-1)
    obs_velocity = jnp.linalg.norm(obs_vector, axis=-1)  # computed but unused (rel_velocity False)
    f_velocity = nei_velocity

    # use_distance = True
    f_distance = jnp.linalg.norm(nei_posion_vector, axis=-1)

    # direction (always computed)
    f_direction = jnp.arctan2(nei_posion_vector[..., 0], nei_posion_vector[..., 1])
    f_direction = f_direction % (2.0 * np.pi)

    angle_indices = f_direction / (2.0 * np.pi / PARTITIONS)
    angle_indices = angle_indices.astype(jnp.int32)

    nei_mask = get_mask(jnp.sum(nei_trajs, axis=(-1, -2)), jnp.int32)
    angle_indices = angle_indices * nei_mask + (-1) * (1 - nei_mask)

    social_circle = []
    for ang in range(PARTITIONS):
        _mask = (angle_indices == ang).astype(jnp.float32)
        _mask_count = jnp.sum(_mask, axis=-1)
        n = _mask_count + 0.0001
        factors = []
        _velocity = jnp.sum(f_velocity * _mask, axis=-1) / n
        factors.append(_velocity)
        _distance = jnp.sum(f_distance * _mask, axis=-1) / n
        factors.append(_distance)
        _direction = jnp.sum(f_direction * _mask, axis=-1) / n
        factors.append(_direction)
        social_circle.append(jnp.stack(factors))
    social_circle = jnp.stack(social_circle)  # [partitions, dim, B]
    social_circle = jnp.transpose(social_circle, (2, 0, 1))  # [B, partitions, dim]
    if MAX_PARTITIONS is not None and MAX_PARTITIONS > PARTITIONS:
        social_circle = jnp.pad(
            social_circle,
            ((0, 0), (0, MAX_PARTITIONS - PARTITIONS), (0, 0)))
    return social_circle, f_direction


def reference(trajs, nei_trajs):
    return _forward(trajs, nei_trajs)

if __name__ == "__main__":
    import jax
    _d = setup_inputs()
    print(jax.jit(kernel)(*tuple(_d.values())))

</pallas_src>

<mosaic_0001>
#map = affine_map<(d0, d1) -> (0, 0, 0, 0)>
#map1 = affine_map<(d0, d1) -> (0, 0, 0)>
#map2 = affine_map<(d0, d1) -> (0, 0)>
module attributes {stable_mosaic.version = 14 : i64} {
  func.func @_sc_body(%arg0: i32, %arg1: i32, %arg2: memref<64x8x2x4096xf32, #tpu.memory_space<hbm>>, %arg3: memref<3x8x4096xf32, #tpu.memory_space<hbm>>, %arg4: memref<64x4096xf32, #tpu.memory_space<hbm>>, %arg5: memref<16x8x2x128xf32, #tpu.memory_space<vmem>>, %arg6: memref<16x8x2x128xf32, #tpu.memory_space<vmem>>, %arg7: memref<3x8x128xf32, #tpu.memory_space<vmem>>, %arg8: memref<64x128xf32, #tpu.memory_space<vmem>>, %arg9: memref<1024xf32, #tpu.memory_space<vmem>>, %arg10: memref<1024xf32, #tpu.memory_space<vmem>>, %arg11: memref<1024xf32, #tpu.memory_space<vmem>>, %arg12: memref<1024xf32, #tpu.memory_space<vmem>>, %arg13: memref<!tpu.dma_semaphore, #tpu.memory_space<semaphore_mem>>, %arg14: memref<!tpu.dma_semaphore, #tpu.memory_space<semaphore_mem>>) attributes {dimension_semantics = [#tpu.dimension_semantics<core_parallel>, #tpu.dimension_semantics<subcore_parallel>], iteration_bounds = array<i64: 2, 16>, scalar_prefetch = 0 : i64, scratch_operands = 10 : i64, tpu.core_type = #tpu.core_type<sc_vector_subcore>, window_params = [{transform_indices = #map}, {transform_indices = #map1}, {transform_indices = #map2}]} {
    %mul3A = arith.constant 2 : i32
    %mul3A_0 = arith.muli %arg1, %mul3A : i32
    %add3A = arith.addi %mul3A_0, %arg0 : i32
    %mul3A_1 = arith.constant 128 : i32
    %mul3A_2 = arith.muli %add3A, %mul3A_1 : i32
    %iota3A = tpu.iota {dimensions = array<i32: 0>} : vector<16xi32>
    %broadcast_in_dim3A = arith.constant 1.000000e+00 : f32
    %broadcast_in_dim3A_3 = vector.broadcast %broadcast_in_dim3A : f32 to vector<16xf32>
    %broadcast_in_dim3A_4 = arith.constant 0.000000e+00 : f32
    %broadcast_in_dim3A_5 = vector.broadcast %broadcast_in_dim3A_4 : f32 to vector<16xf32>
    %dma_start3A = arith.constant 0 : i32
    %dma_start3A_6 = arith.constant 0 : i32
    %dma_start3A_7 = arith.constant 0 : i32
    %dma_start3A_8 = tpu.memref_slice %arg2[%dma_start3A, %dma_start3A_6, %dma_start3A_7, %mul3A_2] : memref<64x8x2x4096xf32, #tpu.memory_space<hbm>> -> memref<16x8x2x128xf32, #tpu.memory_space<hbm>>
    %dma_start3A_9 = arith.constant 0 : i32
    %dma_start3A_10 = arith.constant 0 : i32
    %dma_start3A_11 = arith.constant 0 : i32
    %dma_start3A_12 = tpu.memref_slice %arg2[%dma_start3A_9, %dma_start3A_10, %dma_start3A_11, %mul3A_2] : memref<64x8x2x4096xf32, #tpu.memory_space<hbm>> -> memref<16x8x2x128xf32, #tpu.memory_space<hbm>>
    tpu.enqueue_dma source(%dma_start3A_12 : memref<16x8x2x128xf32, #tpu.memory_space<hbm>>) target(%arg5 : memref<16x8x2x128xf32, #tpu.memory_space<vmem>>) target_semaphore(%arg13 : memref<!tpu.dma_semaphore, #tpu.memory_space<semaphore_mem>>)
    %scan3A = arith.constant 0 : i32
    %scan3A_13 = arith.constant 0 : i32
    %scan3A_14 = arith.constant 64 : i32
    %scan3A_15 = arith.addi %scan3A_13, %scan3A_14 : i32
    %scan3A_16 = arith.constant 1 : i32
    scf.for %scan3A_103 = %scan3A_13 to %scan3A_15 step %scan3A_16  : i32 {
      %mul3A_104 = arith.constant 16 : i32
      %mul3A_105 = arith.muli %scan3A_103, %mul3A_104 : i32
      %swap3A = arith.index_cast %mul3A_105 : i32 to index
      %swap3A_106 = tpu.vector_load %arg9[%swap3A] {strides = array<i32>} : memref<1024xf32, #tpu.memory_space<vmem>>, vector<16xf32>,
      tpu.vector_store %arg9[%swap3A], %broadcast_in_dim3A_5 {strides = array<i32>} : memref<1024xf32, #tpu.memory_space<vmem>>, vector<16xf32>,
      %mul3A_107 = arith.constant 16 : i32
      %mul3A_108 = arith.muli %scan3A_103, %mul3A_107 : i32
      %swap3A_109 = arith.index_cast %mul3A_108 : i32 to index
      %swap3A_110 = tpu.vector_load %arg10[%swap3A_109] {strides = array<i32>} : memref<1024xf32, #tpu.memory_space<vmem>>, vector<16xf32>,
      tpu.vector_store %arg10[%swap3A_109], %broadcast_in_dim3A_5 {strides = array<i32>} : memref<1024xf32, #tpu.memory_space<vmem>>, vector<16xf32>,
      %mul3A_111 = arith.constant 16 : i32
      %mul3A_112 = arith.muli %scan3A_103, %mul3A_111 : i32
      %swap3A_113 = arith.index_cast %mul3A_112 : i32 to index
      %swap3A_114 = tpu.vector_load %arg11[%swap3A_113] {strides = array<i32>} : memref<1024xf32, #tpu.memory_space<vmem>>, vector<16xf32>,
      tpu.vector_store %arg11[%swap3A_113], %broadcast_in_dim3A_5 {strides = array<i32>} : memref<1024xf32, #tpu.memory_space<vmem>>, vector<16xf32>,
      %mul3A_115 = arith.constant 16 : i32
      %mul3A_116 = arith.muli %scan3A_103, %mul3A_115 : i32
      %swap3A_117 = arith.index_cast %mul3A_116 : i32 to index
      %swap3A_118 = tpu.vector_load %arg12[%swap3A_117] {strides = array<i32>} : memref<1024xf32, #tpu.memory_space<vmem>>, vector<16xf32>,
      tpu.vector_store %arg12[%swap3A_117], %broadcast_in_dim3A_5 {strides = array<i32>} : memref<1024xf32, #tpu.memory_space<vmem>>, vector<16xf32>,
    }
    %scan3A_17 = arith.constant 64 : i32
    %dma_wait3A = arith.constant 0 : i32
    %dma_wait3A_18 = arith.constant 0 : i32
    %dma_wait3A_19 = arith.constant 0 : i32
    %dma_wait3A_20 = tpu.memref_slice %arg2[%dma_wait3A, %dma_wait3A_18, %dma_wait3A_19, %mul3A_2] : memref<64x8x2x4096xf32, #tpu.memory_space<hbm>> -> memref<16x8x2x128xf32, #tpu.memory_space<hbm>>
    %dma_wait3A_21 = arith.constant 0 : i32
    %dma_wait3A_22 = arith.constant 0 : i32
    %dma_wait3A_23 = arith.constant 0 : i32
    %dma_wait3A_24 = tpu.memref_slice %arg2[%dma_wait3A_21, %dma_wait3A_22, %dma_wait3A_23, %mul3A_2] : memref<64x8x2x4096xf32, #tpu.memory_space<hbm>> -> memref<16x8x2x128xf32, #tpu.memory_space<hbm>>
    tpu.wait_dma2 semaphore(%arg13 : memref<!tpu.dma_semaphore, #tpu.memory_space<semaphore_mem>>) src(%dma_wait3A_24 : memref<16x8x2x128xf32, #tpu.memory_space<hbm>>) dst(%arg5 : memref<16x8x2x128xf32, #tpu.memory_space<vmem>>)
    %dma_start3A_25 = arith.constant 16 : i32
    %dma_start3A_26 = arith.constant 0 : i32
    %dma_start3A_27 = arith.constant 0 : i32
    %dma_start3A_28 = tpu.memref_slice %arg2[%dma_start3A_25, %dma_start3A_26, %dma_start3A_27, %mul3A_2] : memref<64x8x2x4096xf32, #tpu.memory_space<hbm>> -> memref<16x8x2x128xf32, #tpu.memory_space<hbm>>
    %dma_start3A_29 = arith.constant 16 : i32
    %dma_start3A_30 = arith.constant 0 : i32
    %dma_start3A_31 = arith.constant 0 : i32
    %dma_start3A_32 = tpu.memref_slice %arg2[%dma_start3A_29, %dma_start3A_30, %dma_start3A_31, %mul3A_2] : memref<64x8x2x4096xf32, #tpu.memory_space<hbm>> -> memref<16x8x2x128xf32, #tpu.memory_space<hbm>>
    tpu.enqueue_dma source(%dma_start3A_32 : memref<16x8x2x128xf32, #tpu.memory_space<hbm>>) target(%arg6 : memref<16x8x2x128xf32, #tpu.memory_space<vmem>>) target_semaphore(%arg14 : memref<!tpu.dma_semaphore, #tpu.memory_space<semaphore_mem>>)
    %scan3A_33 = arith.constant 0 : i32
    %scan3A_34 = arith.constant 0 : i32
    %scan3A_35 = arith.constant 64 : i32
    %scan3A_36 = arith.addi %scan3A_34, %scan3A_35 : i32
    %scan3A_37 = arith.constant 1 : i32
    scf.for %scan3A_103 = %scan3A_34 to %scan3A_36 step %scan3A_37  : i32 {
      %mul3A_104 = arith.constant 2 : i32
      %mul3A_105 = arith.muli %scan3A_103, %mul3A_104 : i32
      %add3A_106 = arith.constant 0 : i32
      %add3A_107 = arith.addi %mul3A_105, %add3A_106 : i32
      %jit3A = arith.constant 8 : i32
      %div3A = arith.divsi %add3A_107, %jit3A : i32
      %sign3A = arith.constant 0 : i32
      %sign3A_108 = arith.cmpi sgt, %add3A_107, %sign3A : i32
      %sign3A_109 = arith.extui %sign3A_108 : i1 to i32
      %sign3A_110 = arith.constant 0 : i32
      %sign3A_111 = arith.cmpi slt, %add3A_107, %sign3A_110 : i32
      %sign3A_112 = arith.extui %sign3A_111 : i1 to i32
      %sign3A_113 = arith.subi %sign3A_109, %sign3A_112 : i32
      %sign3A_114 = arith.constant 0 : i32
      %sign3A_115 = arith.cmpi sgt, %jit3A, %sign3A_114 : i32
      %sign3A_116 = arith.extui %sign3A_115 : i1 to i32
      %sign3A_117 = arith.constant 0 : i32
      %sign3A_118 = arith.cmpi slt, %jit3A, %sign3A_117 : i32
      %sign3A_119 = arith.extui %sign3A_118 : i1 to i32
      %sign3A_120 = arith.subi %sign3A_116, %sign3A_119 : i32
      %ne3A = arith.cmpi ne, %sign3A_113, %sign3A_120 : i32
      %rem3A = arith.remsi %add3A_107, %jit3A : i32
      %ne3A_121 = arith.constant 0 : i32
      %ne3A_122 = arith.cmpi ne, %rem3A, %ne3A_121 : i32
      %and3A = arith.andi %ne3A, %ne3A_122 : i1
      %sub3A = arith.constant 1 : i32
      %sub3A_123 = arith.subi %div3A, %sub3A : i32
      %select_n3A = arith.select %and3A, %sub3A_123, %div3A : i32
      %jit3A_124 = arith.constant 8 : i32
      %eq3A = arith.constant 0 : i32
      %eq3A_125 = arith.cmpi eq, %jit3A_124, %eq3A : i32
      %jit3A_126 = arith.constant 1 : i32
      %select_n3A_127 = arith.select %eq3A_125, %jit3A_126, %jit3A_124 : i32
      %rem3A_128 = arith.remsi %add3A_107, %select_n3A_127 : i32
      %ne3A_129 = arith.constant 0 : i32
      %ne3A_130 = arith.cmpi ne, %rem3A_128, %ne3A_129 : i32
      %lt3A = arith.constant 0 : i32
      %lt3A_131 = arith.cmpi slt, %rem3A_128, %lt3A : i32
      %lt3A_132 = arith.constant 0 : i32
      %lt3A_133 = arith.cmpi slt, %select_n3A_127, %lt3A_132 : i32
      %ne3A_134 = arith.xori %lt3A_131, %lt3A_133 : i1
      %and3A_135 = arith.andi %ne3A_134, %ne3A_130 : i1
      %add3A_136 = arith.addi %rem3A_128, %select_n3A_127 : i32
      %select_n3A_137 = arith.select %and3A_135, %add3A_136, %rem3A_128 : i32
      %mul3A_138 = arith.constant 16 : i32
      %mul3A_139 = arith.muli %select_n3A_137, %mul3A_138 : i32
      %add3A_140 = arith.constant 0 : i32
      %add3A_141 = arith.addi %add3A_140, %select_n3A : i32
      %get3A = arith.constant 0 : i32
      %get3A_142 = arith.constant 0 : i32
      %get3A_143 = arith.index_cast %select_n3A : i32 to index
      %get3A_144 = arith.index_cast %get3A : i32 to index
      %get3A_145 = arith.index_cast %get3A_142 : i32 to index
      %get3A_146 = arith.index_cast %mul3A_139 : i32 to index
      %get3A_147 = tpu.vector_load %arg5[%get3A_143, %get3A_144, %get3A_145, %get3A_146] {strides = array<i32>} : memref<16x8x2x128xf32, #tpu.memory_space<vmem>>, vector<16xf32>,
      %get3A_148 = arith.constant 0 : i32
      %get3A_149 = arith.constant 1 : i32
      %get3A_150 = arith.index_cast %select_n3A : i32 to index
      %get3A_151 = arith.index_cast %get3A_148 : i32 to index
      %get3A_152 = arith.index_cast %get3A_149 : i32 to index
      %get3A_153 = arith.index_cast %mul3A_139 : i32 to index
      %get3A_154 = tpu.vector_load %arg5[%get3A_150, %get3A_151, %get3A_152, %get3A_153] {strides = array<i32>} : memref<16x8x2x128xf32, #tpu.memory_space<vmem>>, vector<16xf32>,
      %get3A_155 = arith.constant 1 : i32
      %get3A_156 = arith.constant 0 : i32
      %get3A_157 = arith.index_cast %select_n3A : i32 to index
      %get3A_158 = arith.index_cast %get3A_155 : i32 to index
      %get3A_159 = arith.index_cast %get3A_156 : i32 to index
      %get3A_160 = arith.index_cast %mul3A_139 : i32 to index
      %get3A_161 = tpu.vector_load %arg5[%get3A_157, %get3A_158, %get3A_159, %get3A_160] {strides = array<i32>} : memref<16x8x2x128xf32, #tpu.memory_space<vmem>>, vector<16xf32>,
      %get3A_162 = arith.constant 1 : i32
      %get3A_163 = arith.constant 1 : i32
      %get3A_164 = arith.index_cast %select_n3A : i32 to index
      %get3A_165 = arith.index_cast %get3A_162 : i32 to index
      %get3A_166 = arith.index_cast %get3A_163 : i32 to index
      %get3A_167 = arith.index_cast %mul3A_139 : i32 to index
      %get3A_168 = tpu.vector_load %arg5[%get3A_164, %get3A_165, %get3A_166, %get3A_167] {strides = array<i32>} : memref<16x8x2x128xf32, #tpu.memory_space<vmem>>, vector<16xf32>,
      %get3A_169 = arith.constant 2 : i32
      %get3A_170 = arith.constant 0 : i32
      %get3A_171 = arith.index_cast %select_n3A : i32 to index
      %get3A_172 = arith.index_cast %get3A_169 : i32 to index
      %get3A_173 = arith.index_cast %get3A_170 : i32 to index
      %get3A_174 = arith.index_cast %mul3A_139 : i32 to index
      %get3A_175 = tpu.vector_load %arg5[%get3A_171, %get3A_172, %get3A_173, %get3A_174] {strides = array<i32>} : memref<16x8x2x128xf32, #tpu.memory_space<vmem>>, vector<16xf32>,
      %get3A_176 = arith.constant 2 : i32
      %get3A_177 = arith.constant 1 : i32
      %get3A_178 = arith.index_cast %select_n3A : i32 to index
      %get3A_179 = arith.index_cast %get3A_176 : i32 to index
      %get3A_180 = arith.index_cast %get3A_177 : i32 to index
      %get3A_181 = arith.index_cast %mul3A_139 : i32 to index
      %get3A_182 = tpu.vector_load %arg5[%get3A_178, %get3A_179, %get3A_180, %get3A_181] {strides = array<i32>} : memref<16x8x2x128xf32, #tpu.memory_space<vmem>>, vector<16xf32>,
      %get3A_183 = arith.constant 3 : i32
      %get3A_184 = arith.constant 0 : i32
      %get3A_185 = arith.index_cast %select_n3A : i32 to index
      %get3A_186 = arith.index_cast %get3A_183 : i32 to index
      %get3A_187 = arith.index_cast %get3A_184 : i32 to index
      %get3A_188 = arith.index_cast %mul3A_139 : i32 to index
      %get3A_189 = tpu.vector_load %arg5[%get3A_185, %get3A_186, %get3A_187, %get3A_188] {strides = array<i32>} : memref<16x8x2x128xf32, #tpu.memory_space<vmem>>, vector<16xf32>,
      %get3A_190 = arith.constant 3 : i32
      %get3A_191 = arith.constant 1 : i32
      %get3A_192 = arith.index_cast %select_n3A : i32 to index
      %get3A_193 = arith.index_cast %get3A_190 : i32 to index
      %get3A_194 = arith.index_cast %get3A_191 : i32 to index
      %get3A_195 = arith.index_cast %mul3A_139 : i32 to index
      %get3A_196 = tpu.vector_load %arg5[%get3A_192, %get3A_193, %get3A_194, %get3A_195] {strides = array<i32>} : memref<16x8x2x128xf32, #tpu.memory_space<vmem>>, vector<16xf32>,
      %get3A_197 = arith.constant 4 : i32
      %get3A_198 = arith.constant 0 : i32
      %get3A_199 = arith.index_cast %select_n3A : i32 to index
      %get3A_200 = arith.index_cast %get3A_197 : i32 to index
      %get3A_201 = arith.index_cast %get3A_198 : i32 to index
      %get3A_202 = arith.index_cast %mul3A_139 : i32 to index
      %get3A_203 = tpu.vector_load %arg5[%get3A_199, %get3A_200, %get3A_201, %get3A_202] {strides = array<i32>} : memref<16x8x2x128xf32, #tpu.memory_space<vmem>>, vector<16xf32>,
      %get3A_204 = arith.constant 4 : i32
      %get3A_205 = arith.constant 1 : i32
      %get3A_206 = arith.index_cast %select_n3A : i32 to index
      %get3A_207 = arith.index_cast %get3A_204 : i32 to index
      %get3A_208 = arith.index_cast %get3A_205 : i32 to index
      %get3A_209 = arith.index_cast %mul3A_139 : i32 to index
      %get3A_210 = tpu.vector_load %arg5[%get3A_206, %get3A_207, %get3A_208, %get3A_209] {strides = array<i32>} : memref<16x8x2x128xf32, #tpu.memory_space<vmem>>, vector<16xf32>,
      %get3A_211 = arith.constant 5 : i32
      %get3A_212 = arith.constant 0 : i32
      %get3A_213 = arith.index_cast %select_n3A : i32 to index
      %get3A_214 = arith.index_cast %get3A_211 : i32 to index
      %get3A_215 = arith.index_cast %get3A_212 : i32 to index
      %get3A_216 = arith.index_cast %mul3A_139 : i32 to index
      %get3A_217 = tpu.vector_load %arg5[%get3A_213, %get3A_214, %get3A_215, %get3A_216] {strides = array<i32>} : memref<16x8x2x128xf32, #tpu.memory_space<vmem>>, vector<16xf32>,
      %get3A_218 = arith.constant 5 : i32
      %get3A_219 = arith.constant 1 : i32
      %get3A_220 = arith.index_cast %select_n3A : i32 to index
      %get3A_221 = arith.index_cast %get3A_218 : i32 to index
      %get3A_222 = arith.index_cast %get3A_219 : i32 to index
      %get3A_223 = arith.index_cast %mul3A_139 : i32 to index
      %get3A_224 = tpu.vector_load %arg5[%get3A_220, %get3A_221, %get3A_222, %get3A_223] {strides = array<i32>} : memref<16x8x2x128xf32, #tpu.memory_space<vmem>>, vector<16xf32>,
      %get3A_225 = arith.constant 6 : i32
      %get3A_226 = arith.constant 0 : i32
      %get3A_227 = arith.index_cast %select_n3A : i32 to index
      %get3A_228 = arith.index_cast %get3A_225 : i32 to index
      %get3A_229 = arith.index_cast %get3A_226 : i32 to index
      %get3A_230 = arith.index_cast %mul3A_139 : i32 to index
      %get3A_231 = tpu.vector_load %arg5[%get3A_227, %get3A_228, %get3A_229, %get3A_230] {strides = array<i32>} : memref<16x8x2x128xf32, #tpu.memory_space<vmem>>, vector<16xf32>,
      %get3A_232 = arith.constant 6 : i32
      %get3A_233 = arith.constant 1 : i32
      %get3A_234 = arith.index_cast %select_n3A : i32 to index
      %get3A_235 = arith.index_cast %get3A_232 : i32 to index
      %get3A_236 = arith.index_cast %get3A_233 : i32 to index
      %get3A_237 = arith.index_cast %mul3A_139 : i32 to index
      %get3A_238 = tpu.vector_load %arg5[%get3A_234, %get3A_235, %get3A_236, %get3A_237] {strides = array<i32>} : memref<16x8x2x128xf32, #tpu.memory_space<vmem>>, vector<16xf32>,
      %get3A_239 = arith.constant 7 : i32
      %get3A_240 = arith.constant 0 : i32
      %get3A_241 = arith.index_cast %select_n3A : i32 to index
      %get3A_242 = arith.index_cast %get3A_239 : i32 to index
      %get3A_243 = arith.index_cast %get3A_240 : i32 to index
      %get3A_244 = arith.index_cast %mul3A_139 : i32 to index
      %get3A_245 = tpu.vector_load %arg5[%get3A_241, %get3A_242, %get3A_243, %get3A_244] {strides = array<i32>} : memref<16x8x2x128xf32, #tpu.memory_space<vmem>>, vector<16xf32>,
      %get3A_246 = arith.constant 7 : i32
      %get3A_247 = arith.constant 1 : i32
      %get3A_248 = arith.index_cast %select_n3A : i32 to index
      %get3A_249 = arith.index_cast %get3A_246 : i32 to index
      %get3A_250 = arith.index_cast %get3A_247 : i32 to index
      %get3A_251 = arith.index_cast %mul3A_139 : i32 to index
      %get3A_252 = tpu.vector_load %arg5[%get3A_248, %get3A_249, %get3A_250, %get3A_251] {strides = array<i32>} : memref<16x8x2x128xf32, #tpu.memory_space<vmem>>, vector<16xf32>,
      %add3A_253 = arith.addf %get3A_147, %get3A_154 : vector<16xf32>
      %add3A_254 = arith.addf %get3A_161, %get3A_168 : vector<16xf32>
      %add3A_255 = arith.addf %get3A_175, %get3A_182 : vector<16xf32>
      %add3A_256 = arith.addf %get3A_189, %get3A_196 : vector<16xf32>
      %add3A_257 = arith.addf %get3A_203, %get3A_210 : vector<16xf32>
      %add3A_258 = arith.addf %get3A_217, %get3A_224 : vector<16xf32>
      %add3A_259 = arith.addf %get3A_231, %get3A_238 : vector<16xf32>
      %add3A_260 = arith.addf %get3A_245, %get3A_252 : vector<16xf32>
      %add3A_261 = arith.addf %add3A_253, %add3A_254 : vector<16xf32>
      %add3A_262 = arith.addf %add3A_255, %add3A_256 : vector<16xf32>
      %add3A_263 = arith.addf %add3A_257, %add3A_258 : vector<16xf32>
      %add3A_264 = arith.addf %add3A_259, %add3A_260 : vector<16xf32>
      %add3A_265 = arith.addf %add3A_261, %add3A_262 : vector<16xf32>
      %add3A_266 = arith.addf %add3A_263, %add3A_264 : vector<16xf32>
      %add3A_267 = arith.addf %add3A_265, %add3A_266 : vector<16xf32>
      %sub3A_268 = arith.subf %get3A_245, %get3A_147 : vector<16xf32>
      %sub3A_269 = arith.subf %get3A_252, %get3A_154 : vector<16xf32>
      %mul3A_270 = arith.mulf %sub3A_268, %sub3A_268 : vector<16xf32>
      %mul3A_271 = arith.mulf %sub3A_269, %sub3A_269 : vector<16xf32>
      %add3A_272 = arith.addf %mul3A_270, %mul3A_271 : vector<16xf32>
      %bitcast_convert_type3A = tpu.bitcast %add3A_272 : vector<16xf32> -> vector<16xi32>
      %shift_right_arithmetic3A = arith.constant 1 : i32
      %shift_right_arithmetic3A_273 = vector.broadcast %shift_right_arithmetic3A : i32 to vector<16xi32>
      %shift_right_arithmetic3A_274 = arith.shrsi %bitcast_convert_type3A, %shift_right_arithmetic3A_273 : vector<16xi32>
      %sub3A_275 = arith.constant 1597463007 : i32
      %sub3A_276 = vector.broadcast %sub3A_275 : i32 to vector<16xi32>
      %sub3A_277 = arith.subi %sub3A_276, %shift_right_arithmetic3A_274 : vector<16xi32>
      %bitcast_convert_type3A_278 = tpu.bitcast %sub3A_277 : vector<16xi32> -> vector<16xf32>
      %mul3A_279 = arith.constant 5.000000e-01 : f32
      %mul3A_280 = vector.broadcast %mul3A_279 : f32 to vector<16xf32>
      %mul3A_281 = arith.mulf %add3A_272, %mul3A_280 : vector<16xf32>
      %mul3A_282 = arith.mulf %mul3A_281, %bitcast_convert_type3A_278 : vector<16xf32>
      %mul3A_283 = arith.mulf %mul3A_282, %bitcast_convert_type3A_278 : vector<16xf32>
      %sub3A_284 = arith.constant 1.500000e+00 : f32
      %sub3A_285 = vector.broadcast %sub3A_284 : f32 to vector<16xf32>
      %sub3A_286 = arith.subf %sub3A_285, %mul3A_283 : vector<16xf32>
      %mul3A_287 = arith.mulf %bitcast_convert_type3A_278, %sub3A_286 : vector<16xf32>
      %mul3A_288 = arith.mulf %mul3A_281, %mul3A_287 : vector<16xf32>
      %mul3A_289 = arith.mulf %mul3A_288, %mul3A_287 : vector<16xf32>
      %sub3A_290 = arith.constant 1.500000e+00 : f32
      %sub3A_291 = vector.broadcast %sub3A_290 : f32 to vector<16xf32>
      %sub3A_292 = arith.subf %sub3A_291, %mul3A_289 : vector<16xf32>
      %mul3A_293 = arith.mulf %mul3A_287, %sub3A_292 : vector<16xf32>
      %mul3A_294 = arith.mulf %add3A_272, %mul3A_293 : vector<16xf32>
      %mul3A_295 = arith.mulf %get3A_245, %get3A_245 : vector<16xf32>
      %mul3A_296 = arith.mulf %get3A_252, %get3A_252 : vector<16xf32>
      %add3A_297 = arith.addf %mul3A_295, %mul3A_296 : vector<16xf32>
      %bitcast_convert_type3A_298 = tpu.bitcast %add3A_297 : vector<16xf32> -> vector<16xi32>
      %shift_right_arithmetic3A_299 = arith.constant 1 : i32
      %shift_right_arithmetic3A_300 = vector.broadcast %shift_right_arithmetic3A_299 : i32 to vector<16xi32>
      %shift_right_arithmetic3A_301 = arith.shrsi %bitcast_convert_type3A_298, %shift_right_arithmetic3A_300 : vector<16xi32>
      %sub3A_302 = arith.constant 1597463007 : i32
      %sub3A_303 = vector.broadcast %sub3A_302 : i32 to vector<16xi32>
      %sub3A_304 = arith.subi %sub3A_303, %shift_right_arithmetic3A_301 : vector<16xi32>
      %bitcast_convert_type3A_305 = tpu.bitcast %sub3A_304 : vector<16xi32> -> vector<16xf32>
      %mul3A_306 = arith.constant 5.000000e-01 : f32
      %mul3A_307 = vector.broadcast %mul3A_306 : f32 to vector<16xf32>
      %mul3A_308 = arith.mulf %add3A_297, %mul3A_307 : vector<16xf32>
      %mul3A_309 = arith.mulf %mul3A_308, %bitcast_convert_type3A_305 : vector<16xf32>
      %mul3A_310 = arith.mulf %mul3A_309, %bitcast_convert_type3A_305 : vector<16xf32>
      %sub3A_311 = arith.constant 1.500000e+00 : f32
      %sub3A_312 = vector.broadcast %sub3A_311 : f32 to vector<16xf32>
      %sub3A_313 = arith.subf %sub3A_312, %mul3A_310 : vector<16xf32>
      %mul3A_314 = arith.mulf %bitcast_convert_type3A_305, %sub3A_313 : vector<16xf32>
      %mul3A_315 = arith.mulf %mul3A_308, %mul3A_314 : vector<16xf32>
      %mul3A_316 = arith.mulf %mul3A_315, %mul3A_314 : vector<16xf32>
      %sub3A_317 = arith.constant 1.500000e+00 : f32
      %sub3A_318 = vector.broadcast %sub3A_317 : f32 to vector<16xf32>
      %sub3A_319 = arith.subf %sub3A_318, %mul3A_316 : vector<16xf32>
      %mul3A_320 = arith.mulf %mul3A_314, %sub3A_319 : vector<16xf32>
      %mul3A_321 = arith.mulf %add3A_297, %mul3A_320 : vector<16xf32>
      %abs3A = math.absf %get3A_245 : vector<16xf32>
      %abs3A_322 = math.absf %get3A_252 : vector<16xf32>
      %max3A = arith.maximumf %abs3A, %abs3A_322 : vector<16xf32>
      %min3A = arith.minimumf %abs3A, %abs3A_322 : vector<16xf32>
      %mul3A_323 = arith.constant 0.414213568 : f32
      %mul3A_324 = vector.broadcast %mul3A_323 : f32 to vector<16xf32>
      %mul3A_325 = arith.mulf %mul3A_324, %max3A : vector<16xf32>
      %gt3A = arith.cmpf ogt, %min3A, %mul3A_325 : vector<16xf32>
      %sub3A_326 = arith.subf %min3A, %max3A : vector<16xf32>
      %select_n3A_327 = arith.select %gt3A, %sub3A_326, %min3A : vector<16xi1>, vector<16xf32>
      %add3A_328 = arith.addf %min3A, %max3A : vector<16xf32>
      %select_n3A_329 = arith.select %gt3A, %add3A_328, %max3A : vector<16xi1>, vector<16xf32>
      %max3A_330 = arith.constant 9.99999991E-38 : f32
      %max3A_331 = vector.broadcast %max3A_330 : f32 to vector<16xf32>
      %max3A_332 = arith.maximumf %select_n3A_329, %max3A_331 : vector<16xf32>
      %div3A_333 = arith.divf %select_n3A_327, %max3A_332 : vector<16xf32>
      %mul3A_334 = arith.mulf %div3A_333, %div3A_333 : vector<16xf32>
      %mul3A_335 = arith.constant 0.000000e+00 : f32
      %mul3A_336 = vector.broadcast %mul3A_335 : f32 to vector<16xf32>
      %mul3A_337 = arith.mulf %mul3A_334, %mul3A_336 : vector<16xf32>
      %add3A_338 = arith.constant -0.0909090936 : f32
      %add3A_339 = vector.broadcast %add3A_338 : f32 to vector<16xf32>
      %add3A_340 = arith.addf %add3A_339, %mul3A_337 : vector<16xf32>
      %mul3A_341 = arith.mulf %mul3A_334, %add3A_340 : vector<16xf32>
      %add3A_342 = arith.constant 0.111111112 : f32
      %add3A_343 = vector.broadcast %add3A_342 : f32 to vector<16xf32>
      %add3A_344 = arith.addf %add3A_343, %mul3A_341 : vector<16xf32>
      %mul3A_345 = arith.mulf %mul3A_334, %add3A_344 : vector<16xf32>
      %add3A_346 = arith.constant -0.142857149 : f32
      %add3A_347 = vector.broadcast %add3A_346 : f32 to vector<16xf32>
      %add3A_348 = arith.addf %add3A_347, %mul3A_345 : vector<16xf32>
      %mul3A_349 = arith.mulf %mul3A_334, %add3A_348 : vector<16xf32>
      %add3A_350 = arith.constant 2.000000e-01 : f32
      %add3A_351 = vector.broadcast %add3A_350 : f32 to vector<16xf32>
      %add3A_352 = arith.addf %add3A_351, %mul3A_349 : vector<16xf32>
      %mul3A_353 = arith.mulf %mul3A_334, %add3A_352 : vector<16xf32>
      %add3A_354 = arith.constant -0.333333343 : f32
      %add3A_355 = vector.broadcast %add3A_354 : f32 to vector<16xf32>
      %add3A_356 = arith.addf %add3A_355, %mul3A_353 : vector<16xf32>
      %mul3A_357 = arith.mulf %mul3A_334, %add3A_356 : vector<16xf32>
      %mul3A_358 = arith.mulf %div3A_333, %mul3A_357 : vector<16xf32>
      %add3A_359 = arith.addf %div3A_333, %mul3A_358 : vector<16xf32>
      %add3A_360 = arith.constant 0.785398185 : f32
      %add3A_361 = vector.broadcast %add3A_360 : f32 to vector<16xf32>
      %add3A_362 = arith.addf %add3A_361, %add3A_359 : vector<16xf32>
      %select_n3A_363 = arith.select %gt3A, %add3A_362, %add3A_359 : vector<16xi1>, vector<16xf32>
      %gt3A_364 = arith.cmpf ogt, %abs3A, %abs3A_322 : vector<16xf32>
      %sub3A_365 = arith.constant 1.57079637 : f32
      %sub3A_366 = vector.broadcast %sub3A_365 : f32 to vector<16xf32>
      %sub3A_367 = arith.subf %sub3A_366, %select_n3A_363 : vector<16xf32>
      %select_n3A_368 = arith.select %gt3A_364, %sub3A_367, %select_n3A_363 : vector<16xi1>, vector<16xf32>
      %lt3A_369 = arith.constant 0.000000e+00 : f32
      %lt3A_370 = vector.broadcast %lt3A_369 : f32 to vector<16xf32>
      %lt3A_371 = arith.cmpf olt, %get3A_252, %lt3A_370 : vector<16xf32>
      %sub3A_372 = arith.constant 3.14159274 : f32
      %sub3A_373 = vector.broadcast %sub3A_372 : f32 to vector<16xf32>
      %sub3A_374 = arith.subf %sub3A_373, %select_n3A_368 : vector<16xf32>
      %select_n3A_375 = arith.select %lt3A_371, %sub3A_374, %select_n3A_368 : vector<16xi1>, vector<16xf32>
      %lt3A_376 = arith.constant 0.000000e+00 : f32
      %lt3A_377 = vector.broadcast %lt3A_376 : f32 to vector<16xf32>
      %lt3A_378 = arith.cmpf olt, %get3A_245, %lt3A_377 : vector<16xf32>
      %sub3A_379 = arith.constant 6.28318548 : f32
      %sub3A_380 = vector.broadcast %sub3A_379 : f32 to vector<16xf32>
      %sub3A_381 = arith.subf %sub3A_380, %select_n3A_375 : vector<16xf32>
      %select_n3A_382 = arith.select %lt3A_378, %sub3A_381, %select_n3A_375 : vector<16xi1>, vector<16xf32>
      %swap3A = arith.index_cast %add3A_141 : i32 to index
      %swap3A_383 = arith.index_cast %mul3A_139 : i32 to index
      %swap3A_384 = tpu.vector_load %arg8[%swap3A, %swap3A_383] {strides = array<i32>} : memref<64x128xf32, #tpu.memory_space<vmem>>, vector<16xf32>,
      tpu.vector_store %arg8[%swap3A, %swap3A_383], %select_n3A_382 {strides = array<i32>} : memref<64x128xf32, #tpu.memory_space<vmem>>, vector<16xf32>,
      %mul3A_385 = arith.constant 1.27323949 : f32
      %mul3A_386 = vector.broadcast %mul3A_385 : f32 to vector<16xf32>
      %mul3A_387 = arith.mulf %select_n3A_382, %mul3A_386 : vector<16xf32>
      %convert_element_type3A = arith.fptosi %mul3A_387 : vector<16xf32> to vector<16xi32>
      %ne3A_388 = arith.constant 0.000000e+00 : f32
      %ne3A_389 = vector.broadcast %ne3A_388 : f32 to vector<16xf32>
      %ne3A_390 = arith.cmpf one, %add3A_267, %ne3A_389 : vector<16xf32>
      %jit3A_391 = arith.constant -1 : i32
      %broadcast_in_dim3A_392 = vector.broadcast %jit3A_391 : i32 to vector<16xi32>
      %select_n3A_393 = arith.select %ne3A_390, %convert_element_type3A, %broadcast_in_dim3A_392 : vector<16xi1>, vector<16xi32>
      %ge3A = arith.constant 0 : i32
      %ge3A_394 = vector.broadcast %ge3A : i32 to vector<16xi32>
      %ge3A_395 = arith.cmpi sge, %select_n3A_393, %ge3A_394 : vector<16xi32>
      %lt3A_396 = arith.constant 8 : i32
      %lt3A_397 = vector.broadcast %lt3A_396 : i32 to vector<16xi32>
      %lt3A_398 = arith.cmpi slt, %select_n3A_393, %lt3A_397 : vector<16xi32>
      %and3A_399 = arith.andi %ge3A_395, %lt3A_398 : vector<16xi1>
      %mul3A_400 = arith.constant 128 : i32
      %mul3A_401 = vector.broadcast %mul3A_400 : i32 to vector<16xi32>
      %mul3A_402 = arith.muli %select_n3A_393, %mul3A_401 : vector<16xi32>
      %add3A_403 = vector.broadcast %mul3A_139 : i32 to vector<16xi32>
      %add3A_404 = arith.addi %add3A_403, %iota3A : vector<16xi32>
      %add3A_405 = arith.addi %mul3A_402, %add3A_404 : vector<16xi32>
      tpu.vector_store_idx %arg9[%add3A_405], %mul3A_294 masked %and3A_399 {add = true} : memref<1024xf32, #tpu.memory_space<vmem>>[vector<16xi32>], vector<16xf32>, vector<16xi1>
      tpu.vector_store_idx %arg10[%add3A_405], %mul3A_321 masked %and3A_399 {add = true} : memref<1024xf32, #tpu.memory_space<vmem>>[vector<16xi32>], vector<16xf32>, vector<16xi1>
      tpu.vector_store_idx %arg11[%add3A_405], %select_n3A_382 masked %and3A_399 {add = true} : memref<1024xf32, #tpu.memory_space<vmem>>[vector<16xi32>], vector<16xf32>, vector<16xi1>
      tpu.vector_store_idx %arg12[%add3A_405], %broadcast_in_dim3A_3 masked %and3A_399 {add = true} : memref<1024xf32, #tpu.memory_space<vmem>>[vector<16xi32>], vector<16xf32>, vector<16xi1>
      %mul3A_406 = arith.constant 2 : i32
      %mul3A_407 = arith.muli %scan3A_103, %mul3A_406 : i32
      %add3A_408 = arith.constant 1 : i32
      %add3A_409 = arith.addi %mul3A_407, %add3A_408 : i32
      %jit3A_410 = arith.constant 8 : i32
      %div3A_411 = arith.divsi %add3A_409, %jit3A_410 : i32
      %sign3A_412 = arith.constant 0 : i32
      %sign3A_413 = arith.cmpi sgt, %add3A_409, %sign3A_412 : i32
      %sign3A_414 = arith.extui %sign3A_413 : i1 to i32
      %sign3A_415 = arith.constant 0 : i32
      %sign3A_416 = arith.cmpi slt, %add3A_409, %sign3A_415 : i32
      %sign3A_417 = arith.extui %sign3A_416 : i1 to i32
      %sign3A_418 = arith.subi %sign3A_414, %sign3A_417 : i32
      %sign3A_419 = arith.constant 0 : i32
      %sign3A_420 = arith.cmpi sgt, %jit3A_410, %sign3A_419 : i32
      %sign3A_421 = arith.extui %sign3A_420 : i1 to i32
      %sign3A_422 = arith.constant 0 : i32
      %sign3A_423 = arith.cmpi slt, %jit3A_410, %sign3A_422 : i32
      %sign3A_424 = arith.extui %sign3A_423 : i1 to i32
      %sign3A_425 = arith.subi %sign3A_421, %sign3A_424 : i32
      %ne3A_426 = arith.cmpi ne, %sign3A_418, %sign3A_425 : i32
      %rem3A_427 = arith.remsi %add3A_409, %jit3A_410 : i32
      %ne3A_428 = arith.constant 0 : i32
      %ne3A_429 = arith.cmpi ne, %rem3A_427, %ne3A_428 : i32
      %and3A_430 = arith.andi %ne3A_426, %ne3A_429 : i1
      %sub3A_431 = arith.constant 1 : i32
      %sub3A_432 = arith.subi %div3A_411, %sub3A_431 : i32
      %select_n3A_433 = arith.select %and3A_430, %sub3A_432, %div3A_411 : i32
      %jit3A_434 = arith.constant 8 : i32
      %eq3A_435 = arith.constant 0 : i32
      %eq3A_436 = arith.cmpi eq, %jit3A_434, %eq3A_435 : i32
      %jit3A_437 = arith.constant 1 : i32
      %select_n3A_438 = arith.select %eq3A_436, %jit3A_437, %jit3A_434 : i32
      %rem3A_439 = arith.remsi %add3A_409, %select_n3A_438 : i32
      %ne3A_440 = arith.constant 0 : i32
      %ne3A_441 = arith.cmpi ne, %rem3A_439, %ne3A_440 : i32
      %lt3A_442 = arith.constant 0 : i32
      %lt3A_443 = arith.cmpi slt, %rem3A_439, %lt3A_442 : i32
      %lt3A_444 = arith.constant 0 : i32
      %lt3A_445 = arith.cmpi slt, %select_n3A_438, %lt3A_444 : i32
      %ne3A_446 = arith.xori %lt3A_443, %lt3A_445 : i1
      %and3A_447 = arith.andi %ne3A_446, %ne3A_441 : i1
      %add3A_448 = arith.addi %rem3A_439, %select_n3A_438 : i32
      %select_n3A_449 = arith.select %and3A_447, %add3A_448, %rem3A_439 : i32
      %mul3A_450 = arith.constant 16 : i32
      %mul3A_451 = arith.muli %select_n3A_449, %mul3A_450 : i32
      %add3A_452 = arith.constant 0 : i32
      %add3A_453 = arith.addi %add3A_452, %select_n3A_433 : i32
      %get3A_454 = arith.constant 0 : i32
      %get3A_455 = arith.constant 0 : i32
      %get3A_456 = arith.index_cast %select_n3A_433 : i32 to index
      %get3A_457 = arith.index_cast %get3A_454 : i32 to index
      %get3A_458 = arith.index_cast %get3A_455 : i32 to index
      %get3A_459 = arith.index_cast %mul3A_451 : i32 to index
      %get3A_460 = tpu.vector_load %arg5[%get3A_456, %get3A_457, %get3A_458, %get3A_459] {strides = array<i32>} : memref<16x8x2x128xf32, #tpu.memory_space<vmem>>, vector<16xf32>,
      %get3A_461 = arith.constant 0 : i32
      %get3A_462 = arith.constant 1 : i32
      %get3A_463 = arith.index_cast %select_n3A_433 : i32 to index
      %get3A_464 = arith.index_cast %get3A_461 : i32 to index
      %get3A_465 = arith.index_cast %get3A_462 : i32 to index
      %get3A_466 = arith.index_cast %mul3A_451 : i32 to index
      %get3A_467 = tpu.vector_load %arg5[%get3A_463, %get3A_464, %get3A_465, %get3A_466] {strides = array<i32>} : memref<16x8x2x128xf32, #tpu.memory_space<vmem>>, vector<16xf32>,
      %get3A_468 = arith.constant 1 : i32
      %get3A_469 = arith.constant 0 : i32
      %get3A_470 = arith.index_cast %select_n3A_433 : i32 to index
      %get3A_471 = arith.index_cast %get3A_468 : i32 to index
      %get3A_472 = arith.index_cast %get3A_469 : i32 to index
      %get3A_473 = arith.index_cast %mul3A_451 : i32 to index
      %get3A_474 = tpu.vector_load %arg5[%get3A_470, %get3A_471, %get3A_472, %get3A_473] {strides = array<i32>} : memref<16x8x2x128xf32, #tpu.memory_space<vmem>>, vector<16xf32>,
      %get3A_475 = arith.constant 1 : i32
      %get3A_476 = arith.constant 1 : i32
      %get3A_477 = arith.index_cast %select_n3A_433 : i32 to index
      %get3A_478 = arith.index_cast %get3A_475 : i32 to index
      %get3A_479 = arith.index_cast %get3A_476 : i32 to index
      %get3A_480 = arith.index_cast %mul3A_451 : i32 to index
      %get3A_481 = tpu.vector_load %arg5[%get3A_477, %get3A_478, %get3A_479, %get3A_480] {strides = array<i32>} : memref<16x8x2x128xf32, #tpu.memory_space<vmem>>, vector<16xf32>,
      %get3A_482 = arith.constant 2 : i32
      %get3A_483 = arith.constant 0 : i32
      %get3A_484 = arith.index_cast %select_n3A_433 : i32 to index
      %get3A_485 = arith.index_cast %get3A_482 : i32 to index
      %get3A_486 = arith.index_cast %get3A_483 : i32 to index
      %get3A_487 = arith.index_cast %mul3A_451 : i32 to index
      %get3A_488 = tpu.vector_load %arg5[%get3A_484, %get3A_485, %get3A_486, %get3A_487] {strides = array<i32>} : memref<16x8x2x128xf32, #tpu.memory_space<vmem>>, vector<16xf32>,
      %get3A_489 = arith.constant 2 : i32
      %get3A_490 = arith.constant 1 : i32
      %get3A_491 = arith.index_cast %select_n3A_433 : i32 to index
      %get3A_492 = arith.index_cast %get3A_489 : i32 to index
      %get3A_493 = arith.index_cast %get3A_490 : i32 to index
      %get3A_494 = arith.index_cast %mul3A_451 : i32 to index
      %get3A_495 = tpu.vector_load %arg5[%get3A_491, %get3A_492, %get3A_493, %get3A_494] {strides = array<i32>} : memref<16x8x2x128xf32, #tpu.memory_space<vmem>>, vector<16xf32>,
      %get3A_496 = arith.constant 3 : i32
      %get3A_497 = arith.constant 0 : i32
      %get3A_498 = arith.index_cast %select_n3A_433 : i32 to index
      %get3A_499 = arith.index_cast %get3A_496 : i32 to index
      %get3A_500 = arith.index_cast %get3A_497 : i32 to index
      %get3A_501 = arith.index_cast %mul3A_451 : i32 to index
      %get3A_502 = tpu.vector_load %arg5[%get3A_498, %get3A_499, %get3A_500, %get3A_501] {strides = array<i32>} : memref<16x8x2x128xf32, #tpu.memory_space<vmem>>, vector<16xf32>,
      %get3A_503 = arith.constant 3 : i32
      %get3A_504 = arith.constant 1 : i32
      %get3A_505 = arith.index_cast %select_n3A_433 : i32 to index
      %get3A_506 = arith.index_cast %get3A_503 : i32 to index
      %get3A_507 = arith.index_cast %get3A_504 : i32 to index
      %get3A_508 = arith.index_cast %mul3A_451 : i32 to index
      %get3A_509 = tpu.vector_load %arg5[%get3A_505, %get3A_506, %get3A_507, %get3A_508] {strides = array<i32>} : memref<16x8x2x128xf32, #tpu.memory_space<vmem>>, vector<16xf32>,
      %get3A_510 = arith.constant 4 : i32
      %get3A_511 = arith.constant 0 : i32
      %get3A_512 = arith.index_cast %select_n3A_433 : i32 to index
      %get3A_513 = arith.index_cast %get3A_510 : i32 to index
      %get3A_514 = arith.index_cast %get3A_511 : i32 to index
      %get3A_515 = arith.index_cast %mul3A_451 : i32 to index
      %get3A_516 = tpu.vector_load %arg5[%get3A_512, %get3A_513, %get3A_514, %get3A_515] {strides = array<i32>} : memref<16x8x2x128xf32, #tpu.memory_space<vmem>>, vector<16xf32>,
      %get3A_517 = arith.constant 4 : i32
      %get3A_518 = arith.constant 1 : i32
      %get3A_519 = arith.index_cast %select_n3A_433 : i32 to index
      %get3A_520 = arith.index_cast %get3A_517 : i32 to index
      %get3A_521 = arith.index_cast %get3A_518 : i32 to index
      %get3A_522 = arith.index_cast %mul3A_451 : i32 to index
      %get3A_523 = tpu.vector_load %arg5[%get3A_519, %get3A_520, %get3A_521, %get3A_522] {strides = array<i32>} : memref<16x8x2x128xf32, #tpu.memory_space<vmem>>, vector<16xf32>,
      %get3A_524 = arith.constant 5 : i32
      %get3A_525 = arith.constant 0 : i32
      %get3A_526 = arith.index_cast %select_n3A_433 : i32 to index
      %get3A_527 = arith.index_cast %get3A_524 : i32 to index
      %get3A_528 = arith.index_cast %get3A_525 : i32 to index
      %get3A_529 = arith.index_cast %mul3A_451 : i32 to index
      %get3A_530 = tpu.vector_load %arg5[%get3A_526, %get3A_527, %get3A_528, %get3A_529] {strides = array<i32>} : memref<16x8x2x128xf32, #tpu.memory_space<vmem>>, vector<16xf32>,
      %get3A_531 = arith.constant 5 : i32
      %get3A_532 = arith.constant 1 : i32
      %get3A_533 = arith.index_cast %select_n3A_433 : i32 to index
      %get3A_534 = arith.index_cast %get3A_531 : i32 to index
      %get3A_535 = arith.index_cast %get3A_532 : i32 to index
      %get3A_536 = arith.index_cast %mul3A_451 : i32 to index
      %get3A_537 = tpu.vector_load %arg5[%get3A_533, %get3A_534, %get3A_535, %get3A_536] {strides = array<i32>} : memref<16x8x2x128xf32, #tpu.memory_space<vmem>>, vector<16xf32>,
      %get3A_538 = arith.constant 6 : i32
      %get3A_539 = arith.constant 0 : i32
      %get3A_540 = arith.index_cast %select_n3A_433 : i32 to index
      %get3A_541 = arith.index_cast %get3A_538 : i32 to index
      %get3A_542 = arith.index_cast %get3A_539 : i32 to index
      %get3A_543 = arith.index_cast %mul3A_451 : i32 to index
      %get3A_544 = tpu.vector_load %arg5[%get3A_540, %get3A_541, %get3A_542, %get3A_543] {strides = array<i32>} : memref<16x8x2x128xf32, #tpu.memory_space<vmem>>, vector<16xf32>,
      %get3A_545 = arith.constant 6 : i32
      %get3A_546 = arith.constant 1 : i32
      %get3A_547 = arith.index_cast %select_n3A_433 : i32 to index
      %get3A_548 = arith.index_cast %get3A_545 : i32 to index
      %get3A_549 = arith.index_cast %get3A_546 : i32 to index
      %get3A_550 = arith.index_cast %mul3A_451 : i32 to index
      %get3A_551 = tpu.vector_load %arg5[%get3A_547, %get3A_548, %get3A_549, %get3A_550] {strides = array<i32>} : memref<16x8x2x128xf32, #tpu.memory_space<vmem>>, vector<16xf32>,
      %get3A_552 = arith.constant 7 : i32
      %get3A_553 = arith.constant 0 : i32
      %get3A_554 = arith.index_cast %select_n3A_433 : i32 to index
      %get3A_555 = arith.index_cast %get3A_552 : i32 to index
      %get3A_556 = arith.index_cast %get3A_553 : i32 to index
      %get3A_557 = arith.index_cast %mul3A_451 : i32 to index
      %get3A_558 = tpu.vector_load %arg5[%get3A_554, %get3A_555, %get3A_556, %get3A_557] {strides = array<i32>} : memref<16x8x2x128xf32, #tpu.memory_space<vmem>>, vector<16xf32>,
      %get3A_559 = arith.constant 7 : i32
      %get3A_560 = arith.constant 1 : i32
      %get3A_561 = arith.index_cast %select_n3A_433 : i32 to index
      %get3A_562 = arith.index_cast %get3A_559 : i32 to index
      %get3A_563 = arith.index_cast %get3A_560 : i32 to index
      %get3A_564 = arith.index_cast %mul3A_451 : i32 to index
      %get3A_565 = tpu.vector_load %arg5[%get3A_561, %get3A_562, %get3A_563, %get3A_564] {strides = array<i32>} : memref<16x8x2x128xf32, #tpu.memory_space<vmem>>, vector<16xf32>,
      %add3A_566 = arith.addf %get3A_460, %get3A_467 : vector<16xf32>
      %add3A_567 = arith.addf %get3A_474, %get3A_481 : vector<16xf32>
      %add3A_568 = arith.addf %get3A_488, %get3A_495 : vector<16xf32>
      %add3A_569 = arith.addf %get3A_502, %get3A_509 : vector<16xf32>
      %add3A_570 = arith.addf %get3A_516, %get3A_523 : vector<16xf32>
      %add3A_571 = arith.addf %get3A_530, %get3A_537 : vector<16xf32>
      %add3A_572 = arith.addf %get3A_544, %get3A_551 : vector<16xf32>
      %add3A_573 = arith.addf %get3A_558, %get3A_565 : vector<16xf32>
      %add3A_574 = arith.addf %add3A_566, %add3A_567 : vector<16xf32>
      %add3A_575 = arith.addf %add3A_568, %add3A_569 : vector<16xf32>
      %add3A_576 = arith.addf %add3A_570, %add3A_571 : vector<16xf32>
      %add3A_577 = arith.addf %add3A_572, %add3A_573 : vector<16xf32>
      %add3A_578 = arith.addf %add3A_574, %add3A_575 : vector<16xf32>
      %add3A_579 = arith.addf %add3A_576, %add3A_577 : vector<16xf32>
      %add3A_580 = arith.addf %add3A_578, %add3A_579 : vector<16xf32>
      %sub3A_581 = arith.subf %get3A_558, %get3A_460 : vector<16xf32>
      %sub3A_582 = arith.subf %get3A_565, %get3A_467 : vector<16xf32>
      %mul3A_583 = arith.mulf %sub3A_581, %sub3A_581 : vector<16xf32>
      %mul3A_584 = arith.mulf %sub3A_582, %sub3A_582 : vector<16xf32>
      %add3A_585 = arith.addf %mul3A_583, %mul3A_584 : vector<16xf32>
      %bitcast_convert_type3A_586 = tpu.bitcast %add3A_585 : vector<16xf32> -> vector<16xi32>
      %shift_right_arithmetic3A_587 = arith.constant 1 : i32
      %shift_right_arithmetic3A_588 = vector.broadcast %shift_right_arithmetic3A_587 : i32 to vector<16xi32>
      %shift_right_arithmetic3A_589 = arith.shrsi %bitcast_convert_type3A_586, %shift_right_arithmetic3A_588 : vector<16xi32>
      %sub3A_590 = arith.constant 1597463007 : i32
      %sub3A_591 = vector.broadcast %sub3A_590 : i32 to vector<16xi32>
      %sub3A_592 = arith.subi %sub3A_591, %shift_right_arithmetic3A_589 : vector<16xi32>
      %bitcast_convert_type3A_593 = tpu.bitcast %sub3A_592 : vector<16xi32> -> vector<16xf32>
      %mul3A_594 = arith.constant 5.000000e-01 : f32
      %mul3A_595 = vector.broadcast %mul3A_594 : f32 to vector<16xf32>
      %mul3A_596 = arith.mulf %add3A_585, %mul3A_595 : vector<16xf32>
      %mul3A_597 = arith.mulf %mul3A_596, %bitcast_convert_type3A_593 : vector<16xf32>
      %mul3A_598 = arith.mulf %mul3A_597, %bitcast_convert_type3A_593 : vector<16xf32>
      %sub3A_599 = arith.constant 1.500000e+00 : f32
      %sub3A_600 = vector.broadcast %sub3A_599 : f32 to vector<16xf32>
      %sub3A_601 = arith.subf %sub3A_600, %mul3A_598 : vector<16xf32>
      %mul3A_602 = arith.mulf %bitcast_convert_type3A_593, %sub3A_601 : vector<16xf32>
      %mul3A_603 = arith.mulf %mul3A_596, %mul3A_602 : vector<16xf32>
      %mul3A_604 = arith.mulf %mul3A_603, %mul3A_602 : vector<16xf32>
      %sub3A_605 = arith.constant 1.500000e+00 : f32
      %sub3A_606 = vector.broadcast %sub3A_605 : f32 to vector<16xf32>
      %sub3A_607 = arith.subf %sub3A_606, %mul3A_604 : vector<16xf32>
      %mul3A_608 = arith.mulf %mul3A_602, %sub3A_607 : vector<16xf32>
      %mul3A_609 = arith.mulf %add3A_585, %mul3A_608 : vector<16xf32>
      %mul3A_610 = arith.mulf %get3A_558, %get3A_558 : vector<16xf32>
      %mul3A_611 = arith.mulf %get3A_565, %get3A_565 : vector<16xf32>
      %add3A_612 = arith.addf %mul3A_610, %mul3A_611 : vector<16xf32>
      %bitcast_convert_type3A_613 = tpu.bitcast %add3A_612 : vector<16xf32> -> vector<16xi32>
      %shift_right_arithmetic3A_614 = arith.constant 1 : i32
      %shift_right_arithmetic3A_615 = vector.broadcast %shift_right_arithmetic3A_614 : i32 to vector<16xi32>
      %shift_right_arithmetic3A_616 = arith.shrsi %bitcast_convert_type3A_613, %shift_right_arithmetic3A_615 : vector<16xi32>
      %sub3A_617 = arith.constant 1597463007 : i32
      %sub3A_618 = vector.broadcast %sub3A_617 : i32 to vector<16xi32>
      %sub3A_619 = arith.subi %sub3A_618, %shift_right_arithmetic3A_616 : vector<16xi32>
      %bitcast_convert_type3A_620 = tpu.bitcast %sub3A_619 : vector<16xi32> -> vector<16xf32>
      %mul3A_621 = arith.constant 5.000000e-01 : f32
      %mul3A_622 = vector.broadcast %mul3A_621 : f32 to vector<16xf32>
      %mul3A_623 = arith.mulf %add3A_612, %mul3A_622 : vector<16xf32>
      %mul3A_624 = arith.mulf %mul3A_623, %bitcast_convert_type3A_620 : vector<16xf32>
      %mul3A_625 = arith.mulf %mul3A_624, %bitcast_convert_type3A_620 : vector<16xf32>
      %sub3A_626 = arith.constant 1.500000e+00 : f32
      %sub3A_627 = vector.broadcast %sub3A_626 : f32 to vector<16xf32>
      %sub3A_628 = arith.subf %sub3A_627, %mul3A_625 : vector<16xf32>
      %mul3A_629 = arith.mulf %bitcast_convert_type3A_620, %sub3A_628 : vector<16xf32>
      %mul3A_630 = arith.mulf %mul3A_623, %mul3A_629 : vector<16xf32>
      %mul3A_631 = arith.mulf %mul3A_630, %mul3A_629 : vector<16xf32>
      %sub3A_632 = arith.constant 1.500000e+00 : f32
      %sub3A_633 = vector.broadcast %sub3A_632 : f32 to vector<16xf32>
      %sub3A_634 = arith.subf %sub3A_633, %mul3A_631 : vector<16xf32>
      %mul3A_635 = arith.mulf %mul3A_629, %sub3A_634 : vector<16xf32>
      %mul3A_636 = arith.mulf %add3A_612, %mul3A_635 : vector<16xf32>
      %abs3A_637 = math.absf %get3A_558 : vector<16xf32>
      %abs3A_638 = math.absf %get3A_565 : vector<16xf32>
      %max3A_639 = arith.maximumf %abs3A_637, %abs3A_638 : vector<16xf32>
      %min3A_640 = arith.minimumf %abs3A_637, %abs3A_638 : vector<16xf32>
      %mul3A_641 = arith.constant 0.414213568 : f32
      %mul3A_642 = vector.broadcast %mul3A_641 : f32 to vector<16xf32>
      %mul3A_643 = arith.mulf %mul3A_642, %max3A_639 : vector<16xf32>
      %gt3A_644 = arith.cmpf ogt, %min3A_640, %mul3A_643 : vector<16xf32>
      %sub3A_645 = arith.subf %min3A_640, %max3A_639 : vector<16xf32>
      %select_n3A_646 = arith.select %gt3A_644, %sub3A_645, %min3A_640 : vector<16xi1>, vector<16xf32>
      %add3A_647 = arith.addf %min3A_640, %max3A_639 : vector<16xf32>
      %select_n3A_648 = arith.select %gt3A_644, %add3A_647, %max3A_639 : vector<16xi1>, vector<16xf32>
      %max3A_649 = arith.constant 9.99999991E-38 : f32
      %max3A_650 = vector.broadcast %max3A_649 : f32 to vector<16xf32>
      %max3A_651 = arith.maximumf %select_n3A_648, %max3A_650 : vector<16xf32>
      %div3A_652 = arith.divf %select_n3A_646, %max3A_651 : vector<16xf32>
      %mul3A_653 = arith.mulf %div3A_652, %div3A_652 : vector<16xf32>
      %mul3A_654 = arith.constant 0.000000e+00 : f32
      %mul3A_655 = vector.broadcast %mul3A_654 : f32 to vector<16xf32>
      %mul3A_656 = arith.mulf %mul3A_653, %mul3A_655 : vector<16xf32>
      %add3A_657 = arith.constant -0.0909090936 : f32
      %add3A_658 = vector.broadcast %add3A_657 : f32 to vector<16xf32>
      %add3A_659 = arith.addf %add3A_658, %mul3A_656 : vector<16xf32>
      %mul3A_660 = arith.mulf %mul3A_653, %add3A_659 : vector<16xf32>
      %add3A_661 = arith.constant 0.111111112 : f32
      %add3A_662 = vector.broadcast %add3A_661 : f32 to vector<16xf32>
      %add3A_663 = arith.addf %add3A_662, %mul3A_660 : vector<16xf32>
      %mul3A_664 = arith.mulf %mul3A_653, %add3A_663 : vector<16xf32>
      %add3A_665 = arith.constant -0.142857149 : f32
      %add3A_666 = vector.broadcast %add3A_665 : f32 to vector<16xf32>
      %add3A_667 = arith.addf %add3A_666, %mul3A_664 : vector<16xf32>
      %mul3A_668 = arith.mulf %mul3A_653, %add3A_667 : vector<16xf32>
      %add3A_669 = arith.constant 2.000000e-01 : f32
      %add3A_670 = vector.broadcast %add3A_669 : f32 to vector<16xf32>
      %add3A_671 = arith.addf %add3A_670, %mul3A_668 : vector<16xf32>
      %mul3A_672 = arith.mulf %mul3A_653, %add3A_671 : vector<16xf32>
      %add3A_673 = arith.constant -0.333333343 : f32
      %add3A_674 = vector.broadcast %add3A_673 : f32 to vector<16xf32>
      %add3A_675 = arith.addf %add3A_674, %mul3A_672 : vector<16xf32>
      %mul3A_676 = arith.mulf %mul3A_653, %add3A_675 : vector<16xf32>
      %mul3A_677 = arith.mulf %div3A_652, %mul3A_676 : vector<16xf32>
      %add3A_678 = arith.addf %div3A_652, %mul3A_677 : vector<16xf32>
      %add3A_679 = arith.constant 0.785398185 : f32
      %add3A_680 = vector.broadcast %add3A_679 : f32 to vector<16xf32>
      %add3A_681 = arith.addf %add3A_680, %add3A_678 : vector<16xf32>
      %select_n3A_682 = arith.select %gt3A_644, %add3A_681, %add3A_678 : vector<16xi1>, vector<16xf32>
      %gt3A_683 = arith.cmpf ogt, %abs3A_637, %abs3A_638 : vector<16xf32>
      %sub3A_684 = arith.constant 1.57079637 : f32
      %sub3A_685 = vector.broadcast %sub3A_684 : f32 to vector<16xf32>
      %sub3A_686 = arith.subf %sub3A_685, %select_n3A_682 : vector<16xf32>
      %select_n3A_687 = arith.select %gt3A_683, %sub3A_686, %select_n3A_682 : vector<16xi1>, vector<16xf32>
      %lt3A_688 = arith.constant 0.000000e+00 : f32
      %lt3A_689 = vector.broadcast %lt3A_688 : f32 to vector<16xf32>
      %lt3A_690 = arith.cmpf olt, %get3A_565, %lt3A_689 : vector<16xf32>
      %sub3A_691 = arith.constant 3.14159274 : f32
      %sub3A_692 = vector.broadcast %sub3A_691 : f32 to vector<16xf32>
      %sub3A_693 = arith.subf %sub3A_692, %select_n3A_687 : vector<16xf32>
      %select_n3A_694 = arith.select %lt3A_690, %sub3A_693, %select_n3A_687 : vector<16xi1>, vector<16xf32>
      %lt3A_695 = arith.constant 0.000000e+00 : f32
      %lt3A_696 = vector.broadcast %lt3A_695 : f32 to vector<16xf32>
      %lt3A_697 = arith.cmpf olt, %get3A_558, %lt3A_696 : vector<16xf32>
      %sub3A_698 = arith.constant 6.28318548 : f32
      %sub3A_699 = vector.broadcast %sub3A_698 : f32 to vector<16xf32>
      %sub3A_700 = arith.subf %sub3A_699, %select_n3A_694 : vector<16xf32>
      %select_n3A_701 = arith.select %lt3A_697, %sub3A_700, %select_n3A_694 : vector<16xi1>, vector<16xf32>
      %swap3A_702 = arith.index_cast %add3A_453 : i32 to index
      %swap3A_703 = arith.index_cast %mul3A_451 : i32 to index
      %swap3A_704 = tpu.vector_load %arg8[%swap3A_702, %swap3A_703] {strides = array<i32>} : memref<64x128xf32, #tpu.memory_space<vmem>>, vector<16xf32>,
      tpu.vector_store %arg8[%swap3A_702, %swap3A_703], %select_n3A_701 {strides = array<i32>} : memref<64x128xf32, #tpu.memory_space<vmem>>, vector<16xf32>,
      %mul3A_705 = arith.constant 1.27323949 : f32
      %mul3A_706 = vector.broadcast %mul3A_705 : f32 to vector<16xf32>
      %mul3A_707 = arith.mulf %select_n3A_701, %mul3A_706 : vector<16xf32>
      %convert_element_type3A_708 = arith.fptosi %mul3A_707 : vector<16xf32> to vector<16xi32>
      %ne3A_709 = arith.constant 0.000000e+00 : f32
      %ne3A_710 = vector.broadcast %ne3A_709 : f32 to vector<16xf32>
      %ne3A_711 = arith.cmpf one, %add3A_580, %ne3A_710 : vector<16xf32>
      %jit3A_712 = arith.constant -1 : i32
      %broadcast_in_dim3A_713 = vector.broadcast %jit3A_712 : i32 to vector<16xi32>
      %select_n3A_714 = arith.select %ne3A_711, %convert_element_type3A_708, %broadcast_in_dim3A_713 : vector<16xi1>, vector<16xi32>
      %ge3A_715 = arith.constant 0 : i32
      %ge3A_716 = vector.broadcast %ge3A_715 : i32 to vector<16xi32>
      %ge3A_717 = arith.cmpi sge, %select_n3A_714, %ge3A_716 : vector<16xi32>
      %lt3A_718 = arith.constant 8 : i32
      %lt3A_719 = vector.broadcast %lt3A_718 : i32 to vector<16xi32>
      %lt3A_720 = arith.cmpi slt, %select_n3A_714, %lt3A_719 : vector<16xi32>
      %and3A_721 = arith.andi %ge3A_717, %lt3A_720 : vector<16xi1>
      %mul3A_722 = arith.constant 128 : i32
      %mul3A_723 = vector.broadcast %mul3A_722 : i32 to vector<16xi32>
      %mul3A_724 = arith.muli %select_n3A_714, %mul3A_723 : vector<16xi32>
      %add3A_725 = vector.broadcast %mul3A_451 : i32 to vector<16xi32>
      %add3A_726 = arith.addi %add3A_725, %iota3A : vector<16xi32>
      %add3A_727 = arith.addi %mul3A_724, %add3A_726 : vector<16xi32>
      tpu.vector_store_idx %arg9[%add3A_727], %mul3A_609 masked %and3A_721 {add = true} : memref<1024xf32, #tpu.memory_space<vmem>>[vector<16xi32>], vector<16xf32>, vector<16xi1>
      tpu.vector_store_idx %arg10[%add3A_727], %mul3A_636 masked %and3A_721 {add = true} : memref<1024xf32, #tpu.memory_space<vmem>>[vector<16xi32>], vector<16xf32>, vector<16xi1>
      tpu.vector_store_idx %arg11[%add3A_727], %select_n3A_701 masked %and3A_721 {add = true} : memref<1024xf32, #tpu.memory_space<vmem>>[vector<16xi32>], vector<16xf32>, vector<16xi1>
      tpu.vector_store_idx %arg12[%add3A_727], %broadcast_in_dim3A_3 masked %and3A_721 {add = true} : memref<1024xf32, #tpu.memory_space<vmem>>[vector<16xi32>], vector<16xf32>, vector<16xi1>
    }
    %scan3A_38 = arith.constant 64 : i32
    %dma_wait3A_39 = arith.constant 16 : i32
    %dma_wait3A_40 = arith.constant 0 : i32
    %dma_wait3A_41 = arith.constant 0 : i32
    %dma_wait3A_42 = tpu.memref_slice %arg2[%dma_wait3A_39, %dma_wait3A_40, %dma_wait3A_41, %mul3A_2] : memref<64x8x2x4096xf32, #tpu.memory_space<hbm>> -> memref<16x8x2x128xf32, #tpu.memory_space<hbm>>
    %dma_wait3A_43 = arith.constant 16 : i32
    %dma_wait3A_44 = arith.constant 0 : i32
    %dma_wait3A_45 = arith.constant 0 : i32
    %dma_wait3A_46 = tpu.memref_slice %arg2[%dma_wait3A_43, %dma_wait3A_44, %dma_wait3A_45, %mul3A_2] : memref<64x8x2x4096xf32, #tpu.memory_space<hbm>> -> memref<16x8x2x128xf32, #tpu.memory_space<hbm>>
    tpu.wait_dma2 semaphore(%arg14 : memref<!tpu.dma_semaphore, #tpu.memory_space<semaphore_mem>>) src(%dma_wait3A_46 : memref<16x8x2x128xf32, #tpu.memory_space<hbm>>) dst(%arg6 : memref<16x8x2x128xf32, #tpu.memory_space<vmem>>)
    %dma_start3A_47 = arith.constant 32 : i32
    %dma_start3A_48 = arith.constant 0 : i32
    %dma_start3A_49 = arith.constant 0 : i32
    %dma_start3A_50 = tpu.memref_slice %arg2[%dma_start3A_47, %dma_start3A_48, %dma_start3A_49, %mul3A_2] : memref<64x8x2x4096xf32, #tpu.memory_space<hbm>> -> memref<16x8x2x128xf32, #tpu.memory_space<hbm>>
    %dma_start3A_51 = arith.constant 32 : i32
    %dma_start3A_52 = arith.constant 0 : i32
    %dma_start3A_53 = arith.constant 0 : i32
    %dma_start3A_54 = tpu.memref_slice %arg2[%dma_start3A_51, %dma_start3A_52, %dma_start3A_53, %mul3A_2] : memref<64x8x2x4096xf32, #tpu.memory_space<hbm>> -> memref<16x8x2x128xf32, #tpu.memory_space<hbm>>
    tpu.enqueue_dma source(%dma_start3A_54 : memref<16x8x2x128xf32, #tpu.memory_space<hbm>>) target(%arg5 : memref<16x8x2x128xf32, #tpu.memory_space<vmem>>) target_semaphore(%arg13 : memref<!tpu.dma_semaphore, #tpu.memory_space<semaphore_mem>>)
    %scan3A_55 = arith.constant 0 : i32
    %scan3A_56 = arith.constant 0 : i32
    %scan3A_57 = arith.constant 64 : i32
    %scan3A_58 = arith.addi %scan3A_56, %scan3A_57 : i32
    %scan3A_59 = arith.constant 1 : i32
    scf.for %scan3A_103 = %scan3A_56 to %scan3A_58 step %scan3A_59  : i32 {
      %mul3A_104 = arith.constant 2 : i32
      %mul3A_105 = arith.muli %scan3A_103, %mul3A_104 : i32
      %add3A_106 = arith.constant 0 : i32
      %add3A_107 = arith.addi %mul3A_105, %add3A_106 : i32
      %jit3A = arith.constant 8 : i32
      %div3A = arith.divsi %add3A_107, %jit3A : i32
      %sign3A = arith.constant 0 : i32
      %sign3A_108 = arith.cmpi sgt, %add3A_107, %sign3A : i32
      %sign3A_109 = arith.extui %sign3A_108 : i1 to i32
      %sign3A_110 = arith.constant 0 : i32
      %sign3A_111 = arith.cmpi slt, %add3A_107, %sign3A_110 : i32
      %sign3A_112 = arith.extui %sign3A_111 : i1 to i32
      %sign3A_113 = arith.subi %sign3A_109, %sign3A_112 : i32
      %sign3A_114 = arith.constant 0 : i32
      %sign3A_115 = arith.cmpi sgt, %jit3A, %sign3A_114 : i32
      %sign3A_116 = arith.extui %sign3A_115 : i1 to i32
      %sign3A_117 = arith.constant 0 : i32
      %sign3A_118 = arith.cmpi slt, %jit3A, %sign3A_117 : i32
      %sign3A_119 = arith.extui %sign3A_118 : i1 to i32
      %sign3A_120 = arith.subi %sign3A_116, %sign3A_119 : i32
      %ne3A = arith.cmpi ne, %sign3A_113, %sign3A_120 : i32
      %rem3A = arith.remsi %add3A_107, %jit3A : i32
      %ne3A_121 = arith.constant 0 : i32
      %ne3A_122 = arith.cmpi ne, %rem3A, %ne3A_121 : i32
      %and3A = arith.andi %ne3A, %ne3A_122 : i1
      %sub3A = arith.constant 1 : i32
      %sub3A_123 = arith.subi %div3A, %sub3A : i32
      %select_n3A = arith.select %and3A, %sub3A_123, %div3A : i32
      %jit3A_124 = arith.constant 8 : i32
      %eq3A = arith.constant 0 : i32
      %eq3A_125 = arith.cmpi eq, %jit3A_124, %eq3A : i32
      %jit3A_126 = arith.constant 1 : i32
      %select_n3A_127 = arith.select %eq3A_125, %jit3A_126, %jit3A_124 : i32
      %rem3A_128 = arith.remsi %add3A_107, %select_n3A_127 : i32
      %ne3A_129 = arith.constant 0 : i32
      %ne3A_130 = arith.cmpi ne, %rem3A_128, %ne3A_129 : i32
      %lt3A = arith.constant 0 : i32
      %lt3A_131 = arith.cmpi slt, %rem3A_128, %lt3A : i32
      %lt3A_132 = arith.constant 0 : i32
      %lt3A_133 = arith.cmpi slt, %select_n3A_127, %lt3A_132 : i32
      %ne3A_134 = arith.xori %lt3A_131, %lt3A_133 : i1
      %and3A_135 = arith.andi %ne3A_134, %ne3A_130 : i1
      %add3A_136 = arith.addi %rem3A_128, %select_n3A_127 : i32
      %select_n3A_137 = arith.select %and3A_135, %add3A_136, %rem3A_128 : i32
      %mul3A_138 = arith.constant 16 : i32
      %mul3A_139 = arith.muli %select_n3A_137, %mul3A_138 : i32
      %add3A_140 = arith.constant 16 : i32
      %add3A_141 = arith.addi %add3A_140, %select_n3A : i32
      %get3A = arith.constant 0 : i32
      %get3A_142 = arith.constant 0 : i32
      %get3A_143 = arith.index_cast %select_n3A : i32 to index
      %get3A_144 = arith.index_cast %get3A : i32 to index
      %get3A_145 = arith.index_cast %get3A_142 : i32 to index
      %get3A_146 = arith.index_cast %mul3A_139 : i32 to index
      %get3A_147 = tpu.vector_load %arg6[%get3A_143, %get3A_144, %get3A_145, %get3A_146] {strides = array<i32>} : memref<16x8x2x128xf32, #tpu.memory_space<vmem>>, vector<16xf32>,
      %get3A_148 = arith.constant 0 : i32
      %get3A_149 = arith.constant 1 : i32
      %get3A_150 = arith.index_cast %select_n3A : i32 to index
      %get3A_151 = arith.index_cast %get3A_148 : i32 to index
      %get3A_152 = arith.index_cast %get3A_149 : i32 to index
      %get3A_153 = arith.index_cast %mul3A_139 : i32 to index
      %get3A_154 = tpu.vector_load %arg6[%get3A_150, %get3A_151, %get3A_152, %get3A_153] {strides = array<i32>} : memref<16x8x2x128xf32, #tpu.memory_space<vmem>>, vector<16xf32>,
      %get3A_155 = arith.constant 1 : i32
      %get3A_156 = arith.constant 0 : i32
      %get3A_157 = arith.index_cast %select_n3A : i32 to index
      %get3A_158 = arith.index_cast %get3A_155 : i32 to index
      %get3A_159 = arith.index_cast %get3A_156 : i32 to index
      %get3A_160 = arith.index_cast %mul3A_139 : i32 to index
      %get3A_161 = tpu.vector_load %arg6[%get3A_157, %get3A_158, %get3A_159, %get3A_160] {strides = array<i32>} : memref<16x8x2x128xf32, #tpu.memory_space<vmem>>, vector<16xf32>,
      %get3A_162 = arith.constant 1 : i32
      %get3A_163 = arith.constant 1 : i32
      %get3A_164 = arith.index_cast %select_n3A : i32 to index
      %get3A_165 = arith.index_cast %get3A_162 : i32 to index
      %get3A_166 = arith.index_cast %get3A_163 : i32 to index
      %get3A_167 = arith.index_cast %mul3A_139 : i32 to index
      %get3A_168 = tpu.vector_load %arg6[%get3A_164, %get3A_165, %get3A_166, %get3A_167] {strides = array<i32>} : memref<16x8x2x128xf32, #tpu.memory_space<vmem>>, vector<16xf32>,
      %get3A_169 = arith.constant 2 : i32
      %get3A_170 = arith.constant 0 : i32
      %get3A_171 = arith.index_cast %select_n3A : i32 to index
      %get3A_172 = arith.index_cast %get3A_169 : i32 to index
      %get3A_173 = arith.index_cast %get3A_170 : i32 to index
      %get3A_174 = arith.index_cast %mul3A_139 : i32 to index
      %get3A_175 = tpu.vector_load %arg6[%get3A_171, %get3A_172, %get3A_173, %get3A_174] {strides = array<i32>} : memref<16x8x2x128xf32, #tpu.memory_space<vmem>>, vector<16xf32>,
      %get3A_176 = arith.constant 2 : i32
      %get3A_177 = arith.constant 1 : i32
      %get3A_178 = arith.index_cast %select_n3A : i32 to index
      %get3A_179 = arith.index_cast %get3A_176 : i32 to index
      %get3A_180 = arith.index_cast %get3A_177 : i32 to index
      %get3A_181 = arith.index_cast %mul3A_139 : i32 to index
      %get3A_182 = tpu.vector_load %arg6[%get3A_178, %get3A_179, %get3A_180, %get3A_181] {strides = array<i32>} : memref<16x8x2x128xf32, #tpu.memory_space<vmem>>, vector<16xf32>,
      %get3A_183 = arith.constant 3 : i32
      %get3A_184 = arith.constant 0 : i32
      %get3A_185 = arith.index_cast %select_n3A : i32 to index
      %get3A_186 = arith.index_cast %get3A_183 : i32 to index
      %get3A_187 = arith.index_cast %get3A_184 : i32 to index
      %get3A_188 = arith.index_cast %mul3A_139 : i32 to index
      %get3A_189 = tpu.vector_load %arg6[%get3A_185, %get3A_186, %get3A_187, %get3A_188] {strides = array<i32>} : memref<16x8x2x128xf32, #tpu.memory_space<vmem>>, vector<16xf32>,
      %get3A_190 = arith.constant 3 : i32
      %get3A_191 = arith.constant 1 : i32
      %get3A_192 = arith.index_cast %select_n3A : i32 to index
      %get3A_193 = arith.index_cast %get3A_190 : i32 to index
      %get3A_194 = arith.index_cast %get3A_191 : i32 to index
      %get3A_195 = arith.index_cast %mul3A_139 : i32 to index
      %get3A_196 = tpu.vector_load %arg6[%get3A_192, %get3A_193, %get3A_194, %get3A_195] {strides = array<i32>} : memref<16x8x2x128xf32, #tpu.memory_space<vmem>>, vector<16xf32>,
      %get3A_197 = arith.constant 4 : i32
      %get3A_198 = arith.constant 0 : i32
      %get3A_199 = arith.index_cast %select_n3A : i32 to index
      %get3A_200 = arith.index_cast %get3A_197 : i32 to index
      %get3A_201 = arith.index_cast %get3A_198 : i32 to index
      %get3A_202 = arith.index_cast %mul3A_139 : i32 to index
      %get3A_203 = tpu.vector_load %arg6[%get3A_199, %get3A_200, %get3A_201, %get3A_202] {strides = array<i32>} : memref<16x8x2x128xf32, #tpu.memory_space<vmem>>, vector<16xf32>,
      %get3A_204 = arith.constant 4 : i32
      %get3A_205 = arith.constant 1 : i32
      %get3A_206 = arith.index_cast %select_n3A : i32 to index
      %get3A_207 = arith.index_cast %get3A_204 : i32 to index
      %get3A_208 = arith.index_cast %get3A_205 : i32 to index
      %get3A_209 = arith.index_cast %mul3A_139 : i32 to index
      %get3A_210 = tpu.vector_load %arg6[%get3A_206, %get3A_207, %get3A_208, %get3A_209] {strides = array<i32>} : memref<16x8x2x128xf32, #tpu.memory_space<vmem>>, vector<16xf32>,
      %get3A_211 = arith.constant 5 : i32
      %get3A_212 = arith.constant 0 : i32
      %get3A_213 = arith.index_cast %select_n3A : i32 to index
      %get3A_214 = arith.index_cast %get3A_211 : i32 to index
      %get3A_215 = arith.index_cast %get3A_212 : i32 to index
      %get3A_216 = arith.index_cast %mul3A_139 : i32 to index
      %get3A_217 = tpu.vector_load %arg6[%get3A_213, %get3A_214, %get3A_215, %get3A_216] {strides = array<i32>} : memref<16x8x2x128xf32, #tpu.memory_space<vmem>>, vector<16xf32>,
      %get3A_218 = arith.constant 5 : i32
      %get3A_219 = arith.constant 1 : i32
      %get3A_220 = arith.index_cast %select_n3A : i32 to index
      %get3A_221 = arith.index_cast %get3A_218 : i32 to index
      %get3A_222 = arith.index_cast %get3A_219 : i32 to index
      %get3A_223 = arith.index_cast %mul3A_139 : i32 to index
      %get3A_224 = tpu.vector_load %arg6[%get3A_220, %get3A_221, %get3A_222, %get3A_223] {strides = array<i32>} : memref<16x8x2x128xf32, #tpu.memory_space<vmem>>, vector<16xf32>,
      %get3A_225 = arith.constant 6 : i32
      %get3A_226 = arith.constant 0 : i32
      %get3A_227 = arith.index_cast %select_n3A : i32 to index
      %get3A_228 = arith.index_cast %get3A_225 : i32 to index
      %get3A_229 = arith.index_cast %get3A_226 : i32 to index
      %get3A_230 = arith.index_cast %mul3A_139 : i32 to index
      %get3A_231 = tpu.vector_load %arg6[%get3A_227, %get3A_228, %get3A_229, %get3A_230] {strides = array<i32>} : memref<16x8x2x128xf32, #tpu.memory_space<vmem>>, vector<16xf32>,
      %get3A_232 = arith.constant 6 : i32
      %get3A_233 = arith.constant 1 : i32
      %get3A_234 = arith.index_cast %select_n3A : i32 to index
      %get3A_235 = arith.index_cast %get3A_232 : i32 to index
      %get3A_236 = arith.index_cast %get3A_233 : i32 to index
      %get3A_237 = arith.index_cast %mul3A_139 : i32 to index
      %get3A_238 = tpu.vector_load %arg6[%get3A_234, %get3A_235, %get3A_236, %get3A_237] {strides = array<i32>} : memref<16x8x2x128xf32, #tpu.memory_space<vmem>>, vector<16xf32>,
      %get3A_239 = arith.constant 7 : i32
      %get3A_240 = arith.constant 0 : i32
      %get3A_241 = arith.index_cast %select_n3A : i32 to index
      %get3A_242 = arith.index_cast %get3A_239 : i32 to index
      %get3A_243 = arith.index_cast %get3A_240 : i32 to index
      %get3A_244 = arith.index_cast %mul3A_139 : i32 to index
      %get3A_245 = tpu.vector_load %arg6[%get3A_241, %get3A_242, %get3A_243, %get3A_244] {strides = array<i32>} : memref<16x8x2x128xf32, #tpu.memory_space<vmem>>, vector<16xf32>,
      %get3A_246 = arith.constant 7 : i32
      %get3A_247 = arith.constant 1 : i32
      %get3A_248 = arith.index_cast %select_n3A : i32 to index
      %get3A_249 = arith.index_cast %get3A_246 : i32 to index
      %get3A_250 = arith.index_cast %get3A_247 : i32 to index
      %get3A_251 = arith.index_cast %mul3A_139 : i32 to index
      %get3A_252 = tpu.vector_load %arg6[%get3A_248, %get3A_249, %get3A_250, %get3A_251] {strides = array<i32>} : memref<16x8x2x128xf32, #tpu.memory_space<vmem>>, vector<16xf32>,
      %add3A_253 = arith.addf %get3A_147, %get3A_154 : vector<16xf32>
      %add3A_254 = arith.addf %get3A_161, %get3A_168 : vector<16xf32>
      %add3A_255 = arith.addf %get3A_175, %get3A_182 : vector<16xf32>
      %add3A_256 = arith.addf %get3A_189, %get3A_196 : vector<16xf32>
      %add3A_257 = arith.addf %get3A_203, %get3A_210 : vector<16xf32>
      %add3A_258 = arith.addf %get3A_217, %get3A_224 : vector<16xf32>
      %add3A_259 = arith.addf %get3A_231, %get3A_238 : vector<16xf32>
      %add3A_260 = arith.addf %get3A_245, %get3A_252 : vector<16xf32>
      %add3A_261 = arith.addf %add3A_253, %add3A_254 : vector<16xf32>
      %add3A_262 = arith.addf %add3A_255, %add3A_256 : vector<16xf32>
      %add3A_263 = arith.addf %add3A_257, %add3A_258 : vector<16xf32>
      %add3A_264 = arith.addf %add3A_259, %add3A_260 : vector<16xf32>
      %add3A_265 = arith.addf %add3A_261, %add3A_262 : vector<16xf32>
      %add3A_266 = arith.addf %add3A_263, %add3A_264 : vector<16xf32>
      %add3A_267 = arith.addf %add3A_265, %add3A_266 : vector<16xf32>
      %sub3A_268 = arith.subf %get3A_245, %get3A_147 : vector<16xf32>
      %sub3A_269 = arith.subf %get3A_252, %get3A_154 : vector<16xf32>
      %mul3A_270 = arith.mulf %sub3A_268, %sub3A_268 : vector<16xf32>
      %mul3A_271 = arith.mulf %sub3A_269, %sub3A_269 : vector<16xf32>
      %add3A_272 = arith.addf %mul3A_270, %mul3A_271 : vector<16xf32>
      %bitcast_convert_type3A = tpu.bitcast %add3A_272 : vector<16xf32> -> vector<16xi32>
      %shift_right_arithmetic3A = arith.constant 1 : i32
      %shift_right_arithmetic3A_273 = vector.broadcast %shift_right_arithmetic3A : i32 to vector<16xi32>
      %shift_right_arithmetic3A_274 = arith.shrsi %bitcast_convert_type3A, %shift_right_arithmetic3A_273 : vector<16xi32>
      %sub3A_275 = arith.constant 1597463007 : i32
      %sub3A_276 = vector.broadcast %sub3A_275 : i32 to vector<16xi32>
      %sub3A_277 = arith.subi %sub3A_276, %shift_right_arithmetic3A_274 : vector<16xi32>
      %bitcast_convert_type3A_278 = tpu.bitcast %sub3A_277 : vector<16xi32> -> vector<16xf32>
      %mul3A_279 = arith.constant 5.000000e-01 : f32
      %mul3A_280 = vector.broadcast %mul3A_279 : f32 to vector<16xf32>
      %mul3A_281 = arith.mulf %add3A_272, %mul3A_280 : vector<16xf32>
      %mul3A_282 = arith.mulf %mul3A_281, %bitcast_convert_type3A_278 : vector<16xf32>
      %mul3A_283 = arith.mulf %mul3A_282, %bitcast_convert_type3A_278 : vector<16xf32>
      %sub3A_284 = arith.constant 1.500000e+00 : f32
      %sub3A_285 = vector.broadcast %sub3A_284 : f32 to vector<16xf32>
      %sub3A_286 = arith.subf %sub3A_285, %mul3A_283 : vector<16xf32>
      %mul3A_287 = arith.mulf %bitcast_convert_type3A_278, %sub3A_286 : vector<16xf32>
      %mul3A_288 = arith.mulf %mul3A_281, %mul3A_287 : vector<16xf32>
      %mul3A_289 = arith.mulf %mul3A_288, %mul3A_287 : vector<16xf32>
      %sub3A_290 = arith.constant 1.500000e+00 : f32
      %sub3A_291 = vector.broadcast %sub3A_290 : f32 to vector<16xf32>
      %sub3A_292 = arith.subf %sub3A_291, %mul3A_289 : vector<16xf32>
      %mul3A_293 = arith.mulf %mul3A_287, %sub3A_292 : vector<16xf32>
      %mul3A_294 = arith.mulf %add3A_272, %mul3A_293 : vector<16xf32>
      %mul3A_295 = arith.mulf %get3A_245, %get3A_245 : vector<16xf32>
      %mul3A_296 = arith.mulf %get3A_252, %get3A_252 : vector<16xf32>
      %add3A_297 = arith.addf %mul3A_295, %mul3A_296 : vector<16xf32>
      %bitcast_convert_type3A_298 = tpu.bitcast %add3A_297 : vector<16xf32> -> vector<16xi32>
      %shift_right_arithmetic3A_299 = arith.constant 1 : i32
      %shift_right_arithmetic3A_300 = vector.broadcast %shift_right_arithmetic3A_299 : i32 to vector<16xi32>
      %shift_right_arithmetic3A_301 = arith.shrsi %bitcast_convert_type3A_298, %shift_right_arithmetic3A_300 : vector<16xi32>
      %sub3A_302 = arith.constant 1597463007 : i32
      %sub3A_303 = vector.broadcast %sub3A_302 : i32 to vector<16xi32>
      %sub3A_304 = arith.subi %sub3A_303, %shift_right_arithmetic3A_301 : vector<16xi32>
      %bitcast_convert_type3A_305 = tpu.bitcast %sub3A_304 : vector<16xi32> -> vector<16xf32>
      %mul3A_306 = arith.constant 5.000000e-01 : f32
      %mul3A_307 = vector.broadcast %mul3A_306 : f32 to vector<16xf32>
      %mul3A_308 = arith.mulf %add3A_297, %mul3A_307 : vector<16xf32>
      %mul3A_309 = arith.mulf %mul3A_308, %bitcast_convert_type3A_305 : vector<16xf32>
      %mul3A_310 = arith.mulf %mul3A_309, %bitcast_convert_type3A_305 : vector<16xf32>
      %sub3A_311 = arith.constant 1.500000e+00 : f32
      %sub3A_312 = vector.broadcast %sub3A_311 : f32 to vector<16xf32>
      %sub3A_313 = arith.subf %sub3A_312, %mul3A_310 : vector<16xf32>
      %mul3A_314 = arith.mulf %bitcast_convert_type3A_305, %sub3A_313 : vector<16xf32>
      %mul3A_315 = arith.mulf %mul3A_308, %mul3A_314 : vector<16xf32>
      %mul3A_316 = arith.mulf %mul3A_315, %mul3A_314 : vector<16xf32>
      %sub3A_317 = arith.constant 1.500000e+00 : f32
      %sub3A_318 = vector.broadcast %sub3A_317 : f32 to vector<16xf32>
      %sub3A_319 = arith.subf %sub3A_318, %mul3A_316 : vector<16xf32>
      %mul3A_320 = arith.mulf %mul3A_314, %sub3A_319 : vector<16xf32>
      %mul3A_321 = arith.mulf %add3A_297, %mul3A_320 : vector<16xf32>
      %abs3A = math.absf %get3A_245 : vector<16xf32>
      %abs3A_322 = math.absf %get3A_252 : vector<16xf32>
      %max3A = arith.maximumf %abs3A, %abs3A_322 : vector<16xf32>
      %min3A = arith.minimumf %abs3A, %abs3A_322 : vector<16xf32>
      %mul3A_323 = arith.constant 0.414213568 : f32
      %mul3A_324 = vector.broadcast %mul3A_323 : f32 to vector<16xf32>
      %mul3A_325 = arith.mulf %mul3A_324, %max3A : vector<16xf32>
      %gt3A = arith.cmpf ogt, %min3A, %mul3A_325 : vector<16xf32>
      %sub3A_326 = arith.subf %min3A, %max3A : vector<16xf32>
      %select_n3A_327 = arith.select %gt3A, %sub3A_326, %min3A : vector<16xi1>, vector<16xf32>
      %add3A_328 = arith.addf %min3A, %max3A : vector<16xf32>
      %select_n3A_329 = arith.select %gt3A, %add3A_328, %max3A : vector<16xi1>, vector<16xf32>
      %max3A_330 = arith.constant 9.99999991E-38 : f32
      %max3A_331 = vector.broadcast %max3A_330 : f32 to vector<16xf32>
      %max3A_332 = arith.maximumf %select_n3A_329, %max3A_331 : vector<16xf32>
      %div3A_333 = arith.divf %select_n3A_327, %max3A_332 : vector<16xf32>
      %mul3A_334 = arith.mulf %div3A_333, %div3A_333 : vector<16xf32>
      %mul3A_335 = arith.constant 0.000000e+00 : f32
      %mul3A_336 = vector.broadcast %mul3A_335 : f32 to vector<16xf32>
      %mul3A_337 = arith.mulf %mul3A_334, %mul3A_336 : vector<16xf32>
      %add3A_338 = arith.constant -0.0909090936 : f32
      %add3A_339 = vector.broadcast %add3A_338 : f32 to vector<16xf32>
      %add3A_340 = arith.addf %add3A_339, %mul3A_337 : vector<16xf32>
      %mul3A_341 = arith.mulf %mul3A_334, %add3A_340 : vector<16xf32>
      %add3A_342 = arith.constant 0.111111112 : f32
      %add3A_343 = vector.broadcast %add3A_342 : f32 to vector<16xf32>
      %add3A_344 = arith.addf %add3A_343, %mul3A_341 : vector<16xf32>
      %mul3A_345 = arith.mulf %mul3A_334, %add3A_344 : vector<16xf32>
      %add3A_346 = arith.constant -0.142857149 : f32
      %add3A_347 = vector.broadcast %add3A_346 : f32 to vector<16xf32>
      %add3A_348 = arith.addf %add3A_347, %mul3A_345 : vector<16xf32>
      %mul3A_349 = arith.mulf %mul3A_334, %add3A_348 : vector<16xf32>
      %add3A_350 = arith.constant 2.000000e-01 : f32
      %add3A_351 = vector.broadcast %add3A_350 : f32 to vector<16xf32>
      %add3A_352 = arith.addf %add3A_351, %mul3A_349 : vector<16xf32>
      %mul3A_353 = arith.mulf %mul3A_334, %add3A_352 : vector<16xf32>
      %add3A_354 = arith.constant -0.333333343 : f32
      %add3A_355 = vector.broadcast %add3A_354 : f32 to vector<16xf32>
      %add3A_356 = arith.addf %add3A_355, %mul3A_353 : vector<16xf32>
      %mul3A_357 = arith.mulf %mul3A_334, %add3A_356 : vector<16xf32>
      %mul3A_358 = arith.mulf %div3A_333, %mul3A_357 : vector<16xf32>
      %add3A_359 = arith.addf %div3A_333, %mul3A_358 : vector<16xf32>
      %add3A_360 = arith.constant 0.785398185 : f32
      %add3A_361 = vector.broadcast %add3A_360 : f32 to vector<16xf32>
      %add3A_362 = arith.addf %add3A_361, %add3A_359 : vector<16xf32>
      %select_n3A_363 = arith.select %gt3A, %add3A_362, %add3A_359 : vector<16xi1>, vector<16xf32>
      %gt3A_364 = arith.cmpf ogt, %abs3A, %abs3A_322 : vector<16xf32>
      %sub3A_365 = arith.constant 1.57079637 : f32
      %sub3A_366 = vector.broadcast %sub3A_365 : f32 to vector<16xf32>
      %sub3A_367 = arith.subf %sub3A_366, %select_n3A_363 : vector<16xf32>
      %select_n3A_368 = arith.select %gt3A_364, %sub3A_367, %select_n3A_363 : vector<16xi1>, vector<16xf32>
      %lt3A_369 = arith.constant 0.000000e+00 : f32
      %lt3A_370 = vector.broadcast %lt3A_369 : f32 to vector<16xf32>
      %lt3A_371 = arith.cmpf olt, %get3A_252, %lt3A_370 : vector<16xf32>
      %sub3A_372 = arith.constant 3.14159274 : f32
      %sub3A_373 = vector.broadcast %sub3A_372 : f32 to vector<16xf32>
      %sub3A_374 = arith.subf %sub3A_373, %select_n3A_368 : vector<16xf32>
      %select_n3A_375 = arith.select %lt3A_371, %sub3A_374, %select_n3A_368 : vector<16xi1>, vector<16xf32>
      %lt3A_376 = arith.constant 0.000000e+00 : f32
      %lt3A_377 = vector.broadcast %lt3A_376 : f32 to vector<16xf32>
      %lt3A_378 = arith.cmpf olt, %get3A_245, %lt3A_377 : vector<16xf32>
      %sub3A_379 = arith.constant 6.28318548 : f32
      %sub3A_380 = vector.broadcast %sub3A_379 : f32 to vector<16xf32>
      %sub3A_381 = arith.subf %sub3A_380, %select_n3A_375 : vector<16xf32>
      %select_n3A_382 = arith.select %lt3A_378, %sub3A_381, %select_n3A_375 : vector<16xi1>, vector<16xf32>
      %swap3A = arith.index_cast %add3A_141 : i32 to index
      %swap3A_383 = arith.index_cast %mul3A_139 : i32 to index
      %swap3A_384 = tpu.vector_load %arg8[%swap3A, %swap3A_383] {strides = array<i32>} : memref<64x128xf32, #tpu.memory_space<vmem>>, vector<16xf32>,
      tpu.vector_store %arg8[%swap3A, %swap3A_383], %select_n3A_382 {strides = array<i32>} : memref<64x128xf32, #tpu.memory_space<vmem>>, vector<16xf32>,
      %mul3A_385 = arith.constant 1.27323949 : f32
      %mul3A_386 = vector.broadcast %mul3A_385 : f32 to vector<16xf32>
      %mul3A_387 = arith.mulf %select_n3A_382, %mul3A_386 : vector<16xf32>
      %convert_element_type3A = arith.fptosi %mul3A_387 : vector<16xf32> to vector<16xi32>
      %ne3A_388 = arith.constant 0.000000e+00 : f32
      %ne3A_389 = vector.broadcast %ne3A_388 : f32 to vector<16xf32>
      %ne3A_390 = arith.cmpf one, %add3A_267, %ne3A_389 : vector<16xf32>
      %jit3A_391 = arith.constant -1 : i32
      %broadcast_in_dim3A_392 = vector.broadcast %jit3A_391 : i32 to vector<16xi32>
      %select_n3A_393 = arith.select %ne3A_390, %convert_element_type3A, %broadcast_in_dim3A_392 : vector<16xi1>, vector<16xi32>
      %ge3A = arith.constant 0 : i32
      %ge3A_394 = vector.broadcast %ge3A : i32 to vector<16xi32>
      %ge3A_395 = arith.cmpi sge, %select_n3A_393, %ge3A_394 : vector<16xi32>
      %lt3A_396 = arith.constant 8 : i32
      %lt3A_397 = vector.broadcast %lt3A_396 : i32 to vector<16xi32>
      %lt3A_398 = arith.cmpi slt, %select_n3A_393, %lt3A_397 : vector<16xi32>
      %and3A_399 = arith.andi %ge3A_395, %lt3A_398 : vector<16xi1>
      %mul3A_400 = arith.constant 128 : i32
      %mul3A_401 = vector.broadcast %mul3A_400 : i32 to vector<16xi32>
      %mul3A_402 = arith.muli %select_n3A_393, %mul3A_401 : vector<16xi32>
      %add3A_403 = vector.broadcast %mul3A_139 : i32 to vector<16xi32>
      %add3A_404 = arith.addi %add3A_403, %iota3A : vector<16xi32>
      %add3A_405 = arith.addi %mul3A_402, %add3A_404 : vector<16xi32>
      tpu.vector_store_idx %arg9[%add3A_405], %mul3A_294 masked %and3A_399 {add = true} : memref<1024xf32, #tpu.memory_space<vmem>>[vector<16xi32>], vector<16xf32>, vector<16xi1>
      tpu.vector_store_idx %arg10[%add3A_405], %mul3A_321 masked %and3A_399 {add = true} : memref<1024xf32, #tpu.memory_space<vmem>>[vector<16xi32>], vector<16xf32>, vector<16xi1>
      tpu.vector_store_idx %arg11[%add3A_405], %select_n3A_382 masked %and3A_399 {add = true} : memref<1024xf32, #tpu.memory_space<vmem>>[vector<16xi32>], vector<16xf32>, vector<16xi1>
      tpu.vector_store_idx %arg12[%add3A_405], %broadcast_in_dim3A_3 masked %and3A_399 {add = true} : memref<1024xf32, #tpu.memory_space<vmem>>[vector<16xi32>], vector<16xf32>, vector<16xi1>
      %mul3A_406 = arith.constant 2 : i32
      %mul3A_407 = arith.muli %scan3A_103, %mul3A_406 : i32
      %add3A_408 = arith.constant 1 : i32
      %add3A_409 = arith.addi %mul3A_407, %add3A_408 : i32
      %jit3A_410 = arith.constant 8 : i32
      %div3A_411 = arith.divsi %add3A_409, %jit3A_410 : i32
      %sign3A_412 = arith.constant 0 : i32
      %sign3A_413 = arith.cmpi sgt, %add3A_409, %sign3A_412 : i32
      %sign3A_414 = arith.extui %sign3A_413 : i1 to i32
      %sign3A_415 = arith.constant 0 : i32
      %sign3A_416 = arith.cmpi slt, %add3A_409, %sign3A_415 : i32
      %sign3A_417 = arith.extui %sign3A_416 : i1 to i32
      %sign3A_418 = arith.subi %sign3A_414, %sign3A_417 : i32
      %sign3A_419 = arith.constant 0 : i32
      %sign3A_420 = arith.cmpi sgt, %jit3A_410, %sign3A_419 : i32
      %sign3A_421 = arith.extui %sign3A_420 : i1 to i32
      %sign3A_422 = arith.constant 0 : i32
      %sign3A_423 = arith.cmpi slt, %jit3A_410, %sign3A_422 : i32
      %sign3A_424 = arith.extui %sign3A_423 : i1 to i32
      %sign3A_425 = arith.subi %sign3A_421, %sign3A_424 : i32
      %ne3A_426 = arith.cmpi ne, %sign3A_418, %sign3A_425 : i32
      %rem3A_427 = arith.remsi %add3A_409, %jit3A_410 : i32
      %ne3A_428 = arith.constant 0 : i32
      %ne3A_429 = arith.cmpi ne, %rem3A_427, %ne3A_428 : i32
      %and3A_430 = arith.andi %ne3A_426, %ne3A_429 : i1
      %sub3A_431 = arith.constant 1 : i32
      %sub3A_432 = arith.subi %div3A_411, %sub3A_431 : i32
      %select_n3A_433 = arith.select %and3A_430, %sub3A_432, %div3A_411 : i32
      %jit3A_434 = arith.constant 8 : i32
      %eq3A_435 = arith.constant 0 : i32
      %eq3A_436 = arith.cmpi eq, %jit3A_434, %eq3A_435 : i32
      %jit3A_437 = arith.constant 1 : i32
      %select_n3A_438 = arith.select %eq3A_436, %jit3A_437, %jit3A_434 : i32
      %rem3A_439 = arith.remsi %add3A_409, %select_n3A_438 : i32
      %ne3A_440 = arith.constant 0 : i32
      %ne3A_441 = arith.cmpi ne, %rem3A_439, %ne3A_440 : i32
      %lt3A_442 = arith.constant 0 : i32
      %lt3A_443 = arith.cmpi slt, %rem3A_439, %lt3A_442 : i32
      %lt3A_444 = arith.constant 0 : i32
      %lt3A_445 = arith.cmpi slt, %select_n3A_438, %lt3A_444 : i32
      %ne3A_446 = arith.xori %lt3A_443, %lt3A_445 : i1
      %and3A_447 = arith.andi %ne3A_446, %ne3A_441 : i1
      %add3A_448 = arith.addi %rem3A_439, %select_n3A_438 : i32
      %select_n3A_449 = arith.select %and3A_447, %add3A_448, %rem3A_439 : i32
      %mul3A_450 = arith.constant 16 : i32
      %mul3A_451 = arith.muli %select_n3A_449, %mul3A_450 : i32
      %add3A_452 = arith.constant 16 : i32
      %add3A_453 = arith.addi %add3A_452, %select_n3A_433 : i32
      %get3A_454 = arith.constant 0 : i32
      %get3A_455 = arith.constant 0 : i32
      %get3A_456 = arith.index_cast %select_n3A_433 : i32 to index
      %get3A_457 = arith.index_cast %get3A_454 : i32 to index
      %get3A_458 = arith.index_cast %get3A_455 : i32 to index
      %get3A_459 = arith.index_cast %mul3A_451 : i32 to index
      %get3A_460 = tpu.vector_load %arg6[%get3A_456, %get3A_457, %get3A_458, %get3A_459] {strides = array<i32>} : memref<16x8x2x128xf32, #tpu.memory_space<vmem>>, vector<16xf32>,
      %get3A_461 = arith.constant 0 : i32
      %get3A_462 = arith.constant 1 : i32
      %get3A_463 = arith.index_cast %select_n3A_433 : i32 to index
      %get3A_464 = arith.index_cast %get3A_461 : i32 to index
      %get3A_465 = arith.index_cast %get3A_462 : i32 to index
      %get3A_466 = arith.index_cast %mul3A_451 : i32 to index
      %get3A_467 = tpu.vector_load %arg6[%get3A_463, %get3A_464, %get3A_465, %get3A_466] {strides = array<i32>} : memref<16x8x2x128xf32, #tpu.memory_space<vmem>>, vector<16xf32>,
      %get3A_468 = arith.constant 1 : i32
      %get3A_469 = arith.constant 0 : i32
      %get3A_470 = arith.index_cast %select_n3A_433 : i32 to index
      %get3A_471 = arith.index_cast %get3A_468 : i32 to index
      %get3A_472 = arith.index_cast %get3A_469 : i32 to index
      %get3A_473 = arith.index_cast %mul3A_451 : i32 to index
      %get3A_474 = tpu.vector_load %arg6[%get3A_470, %get3A_471, %get3A_472, %get3A_473] {strides = array<i32>} : memref<16x8x2x128xf32, #tpu.memory_space<vmem>>, vector<16xf32>,
      %get3A_475 = arith.constant 1 : i32
      %get3A_476 = arith.constant 1 : i32
      %get3A_477 = arith.index_cast %select_n3A_433 : i32 to index
      %get3A_478 = arith.index_cast %get3A_475 : i32 to index
      %get3A_479 = arith.index_cast %get3A_476 : i32 to index
      %get3A_480 = arith.index_cast %mul3A_451 : i32 to index
      %get3A_481 = tpu.vector_load %arg6[%get3A_477, %get3A_478, %get3A_479, %get3A_480] {strides = array<i32>} : memref<16x8x2x128xf32, #tpu.memory_space<vmem>>, vector<16xf32>,
      %get3A_482 = arith.constant 2 : i32
      %get3A_483 = arith.constant 0 : i32
      %get3A_484 = arith.index_cast %select_n3A_433 : i32 to index
      %get3A_485 = arith.index_cast %get3A_482 : i32 to index
      %get3A_486 = arith.index_cast %get3A_483 : i32 to index
      %get3A_487 = arith.index_cast %mul3A_451 : i32 to index
      %get3A_488 = tpu.vector_load %arg6[%get3A_484, %get3A_485, %get3A_486, %get3A_487] {strides = array<i32>} : memref<16x8x2x128xf32, #tpu.memory_space<vmem>>, vector<16xf32>,
      %get3A_489 = arith.constant 2 : i32
      %get3A_490 = arith.constant 1 : i32
      %get3A_491 = arith.index_cast %select_n3A_433 : i32 to index
      %get3A_492 = arith.index_cast %get3A_489 : i32 to index
      %get3A_493 = arith.index_cast %get3A_490 : i32 to index
      %get3A_494 = arith.index_cast %mul3A_451 : i32 to index
      %get3A_495 = tpu.vector_load %arg6[%get3A_491, %get3A_492, %get3A_493, %get3A_494] {strides = array<i32>} : memref<16x8x2x128xf32, #tpu.memory_space<vmem>>, vector<16xf32>,
      %get3A_496 = arith.constant 3 : i32
      %get3A_497 = arith.constant 0 : i32
      %get3A_498 = arith.index_cast %select_n3A_433 : i32 to index
      %get3A_499 = arith.index_cast %get3A_496 : i32 to index
      %get3A_500 = arith.index_cast %get3A_497 : i32 to index
      %get3A_501 = arith.index_cast %mul3A_451 : i32 to index
      %get3A_502 = tpu.vector_load %arg6[%get3A_498, %get3A_499, %get3A_500, %get3A_501] {strides = array<i32>} : memref<16x8x2x128xf32, #tpu.memory_space<vmem>>, vector<16xf32>,
      %get3A_503 = arith.constant 3 : i32
      %get3A_504 = arith.constant 1 : i32
      %get3A_505 = arith.index_cast %select_n3A_433 : i32 to index
      %get3A_506 = arith.index_cast %get3A_503 : i32 to index
      %get3A_507 = arith.index_cast %get3A_504 : i32 to index
      %get3A_508 = arith.index_cast %mul3A_451 : i32 to index
      %get3A_509 = tpu.vector_load %arg6[%get3A_505, %get3A_506, %get3A_507, %get3A_508] {strides = array<i32>} : memref<16x8x2x128xf32, #tpu.memory_space<vmem>>, vector<16xf32>,
      %get3A_510 = arith.constant 4 : i32
      %get3A_511 = arith.constant 0 : i32
      %get3A_512 = arith.index_cast %select_n3A_433 : i32 to index
      %get3A_513 = arith.index_cast %get3A_510 : i32 to index
      %get3A_514 = arith.index_cast %get3A_511 : i32 to index
      %get3A_515 = arith.index_cast %mul3A_451 : i32 to index
      %get3A_516 = tpu.vector_load %arg6[%get3A_512, %get3A_513, %get3A_514, %get3A_515] {strides = array<i32>} : memref<16x8x2x128xf32, #tpu.memory_space<vmem>>, vector<16xf32>,
      %get3A_517 = arith.constant 4 : i32
      %get3A_518 = arith.constant 1 : i32
      %get3A_519 = arith.index_cast %select_n3A_433 : i32 to index
      %get3A_520 = arith.index_cast %get3A_517 : i32 to index
      %get3A_521 = arith.index_cast %get3A_518 : i32 to index
      %get3A_522 = arith.index_cast %mul3A_451 : i32 to index
      %get3A_523 = tpu.vector_load %arg6[%get3A_519, %get3A_520, %get3A_521, %get3A_522] {strides = array<i32>} : memref<16x8x2x128xf32, #tpu.memory_space<vmem>>, vector<16xf32>,
      %get3A_524 = arith.constant 5 : i32
      %get3A_525 = arith.constant 0 : i32
      %get3A_526 = arith.index_cast %select_n3A_433 : i32 to index
      %get3A_527 = arith.index_cast %get3A_524 : i32 to index
      %get3A_528 = arith.index_cast %get3A_525 : i32 to index
      %get3A_529 = arith.index_cast %mul3A_451 : i32 to index
      %get3A_530 = tpu.vector_load %arg6[%get3A_526, %get3A_527, %get3A_528, %get3A_529] {strides = array<i32>} : memref<16x8x2x128xf32, #tpu.memory_space<vmem>>, vector<16xf32>,
      %get3A_531 = arith.constant 5 : i32
      %get3A_532 = arith.constant 1 : i32
      %get3A_533 = arith.index_cast %select_n3A_433 : i32 to index
      %get3A_534 = arith.index_cast %get3A_531 : i32 to index
      %get3A_535 = arith.index_cast %get3A_532 : i32 to index
      %get3A_536 = arith.index_cast %mul3A_451 : i32 to index
      %get3A_537 = tpu.vector_load %arg6[%get3A_533, %get3A_534, %get3A_535, %get3A_536] {strides = array<i32>} : memref<16x8x2x128xf32, #tpu.memory_space<vmem>>, vector<16xf32>,
      %get3A_538 = arith.constant 6 : i32
      %get3A_539 = arith.constant 0 : i32
      %get3A_540 = arith.index_cast %select_n3A_433 : i32 to index
      %get3A_541 = arith.index_cast %get3A_538 : i32 to index
      %get3A_542 = arith.index_cast %get3A_539 : i32 to index
      %get3A_543 = arith.index_cast %mul3A_451 : i32 to index
      %get3A_544 = tpu.vector_load %arg6[%get3A_540, %get3A_541, %get3A_542, %get3A_543] {strides = array<i32>} : memref<16x8x2x128xf32, #tpu.memory_space<vmem>>, vector<16xf32>,
      %get3A_545 = arith.constant 6 : i32
      %get3A_546 = arith.constant 1 : i32
      %get3A_547 = arith.index_cast %select_n3A_433 : i32 to index
      %get3A_548 = arith.index_cast %get3A_545 : i32 to index
      %get3A_549 = arith.index_cast %get3A_546 : i32 to index
      %get3A_550 = arith.index_cast %mul3A_451 : i32 to index
      %get3A_551 = tpu.vector_load %arg6[%get3A_547, %get3A_548, %get3A_549, %get3A_550] {strides = array<i32>} : memref<16x8x2x128xf32, #tpu.memory_space<vmem>>, vector<16xf32>,
      %get3A_552 = arith.constant 7 : i32
      %get3A_553 = arith.constant 0 : i32
      %get3A_554 = arith.index_cast %select_n3A_433 : i32 to index
      %get3A_555 = arith.index_cast %get3A_552 : i32 to index
      %get3A_556 = arith.index_cast %get3A_553 : i32 to index
      %get3A_557 = arith.index_cast %mul3A_451 : i32 to index
      %get3A_558 = tpu.vector_load %arg6[%get3A_554, %get3A_555, %get3A_556, %get3A_557] {strides = array<i32>} : memref<16x8x2x128xf32, #tpu.memory_space<vmem>>, vector<16xf32>,
      %get3A_559 = arith.constant 7 : i32
      %get3A_560 = arith.constant 1 : i32
      %get3A_561 = arith.index_cast %select_n3A_433 : i32 to index
      %get3A_562 = arith.index_cast %get3A_559 : i32 to index
      %get3A_563 = arith.index_cast %get3A_560 : i32 to index
      %get3A_564 = arith.index_cast %mul3A_451 : i32 to index
      %get3A_565 = tpu.vector_load %arg6[%get3A_561, %get3A_562, %get3A_563, %get3A_564] {strides = array<i32>} : memref<16x8x2x128xf32, #tpu.memory_space<vmem>>, vector<16xf32>,
      %add3A_566 = arith.addf %get3A_460, %get3A_467 : vector<16xf32>
      %add3A_567 = arith.addf %get3A_474, %get3A_481 : vector<16xf32>
      %add3A_568 = arith.addf %get3A_488, %get3A_495 : vector<16xf32>
      %add3A_569 = arith.addf %get3A_502, %get3A_509 : vector<16xf32>
      %add3A_570 = arith.addf %get3A_516, %get3A_523 : vector<16xf32>
      %add3A_571 = arith.addf %get3A_530, %get3A_537 : vector<16xf32>
      %add3A_572 = arith.addf %get3A_544, %get3A_551 : vector<16xf32>
      %add3A_573 = arith.addf %get3A_558, %get3A_565 : vector<16xf32>
      %add3A_574 = arith.addf %add3A_566, %add3A_567 : vector<16xf32>
      %add3A_575 = arith.addf %add3A_568, %add3A_569 : vector<16xf32>
      %add3A_576 = arith.addf %add3A_570, %add3A_571 : vector<16xf32>
      %add3A_577 = arith.addf %add3A_572, %add3A_573 : vector<16xf32>
      %add3A_578 = arith.addf %add3A_574, %add3A_575 : vector<16xf32>
      %add3A_579 = arith.addf %add3A_576, %add3A_577 : vector<16xf32>
      %add3A_580 = arith.addf %add3A_578, %add3A_579 : vector<16xf32>
      %sub3A_581 = arith.subf %get3A_558, %get3A_460 : vector<16xf32>
      %sub3A_582 = arith.subf %get3A_565, %get3A_467 : vector<16xf32>
      %mul3A_583 = arith.mulf %sub3A_581, %sub3A_581 : vector<16xf32>
      %mul3A_584 = arith.mulf %sub3A_582, %sub3A_582 : vector<16xf32>
      %add3A_585 = arith.addf %mul3A_583, %mul3A_584 : vector<16xf32>
      %bitcast_convert_type3A_586 = tpu.bitcast %add3A_585 : vector<16xf32> -> vector<16xi32>
      %shift_right_arithmetic3A_587 = arith.constant 1 : i32
      %shift_right_arithmetic3A_588 = vector.broadcast %shift_right_arithmetic3A_587 : i32 to vector<16xi32>
      %shift_right_arithmetic3A_589 = arith.shrsi %bitcast_convert_type3A_586, %shift_right_arithmetic3A_588 : vector<16xi32>
      %sub3A_590 = arith.constant 1597463007 : i32
      %sub3A_591 = vector.broadcast %sub3A_590 : i32 to vector<16xi32>
      %sub3A_592 = arith.subi %sub3A_591, %shift_right_arithmetic3A_589 : vector<16xi32>
      %bitcast_convert_type3A_593 = tpu.bitcast %sub3A_592 : vector<16xi32> -> vector<16xf32>
      %mul3A_594 = arith.constant 5.000000e-01 : f32
      %mul3A_595 = vector.broadcast %mul3A_594 : f32 to vector<16xf32>
      %mul3A_596 = arith.mulf %add3A_585, %mul3A_595 : vector<16xf32>
      %mul3A_597 = arith.mulf %mul3A_596, %bitcast_convert_type3A_593 : vector<16xf32>
      %mul3A_598 = arith.mulf %mul3A_597, %bitcast_convert_type3A_593 : vector<16xf32>
      %sub3A_599 = arith.constant 1.500000e+00 : f32
      %sub3A_600 = vector.broadcast %sub3A_599 : f32 to vector<16xf32>
      %sub3A_601 = arith.subf %sub3A_600, %mul3A_598 : vector<16xf32>
      %mul3A_602 = arith.mulf %bitcast_convert_type3A_593, %sub3A_601 : vector<16xf32>
      %mul3A_603 = arith.mulf %mul3A_596, %mul3A_602 : vector<16xf32>
      %mul3A_604 = arith.mulf %mul3A_603, %mul3A_602 : vector<16xf32>
      %sub3A_605 = arith.constant 1.500000e+00 : f32
      %sub3A_606 = vector.broadcast %sub3A_605 : f32 to vector<16xf32>
      %sub3A_607 = arith.subf %sub3A_606, %mul3A_604 : vector<16xf32>
      %mul3A_608 = arith.mulf %mul3A_602, %sub3A_607 : vector<16xf32>
      %mul3A_609 = arith.mulf %add3A_585, %mul3A_608 : vector<16xf32>
      %mul3A_610 = arith.mulf %get3A_558, %get3A_558 : vector<16xf32>
      %mul3A_611 = arith.mulf %get3A_565, %get3A_565 : vector<16xf32>
      %add3A_612 = arith.addf %mul3A_610, %mul3A_611 : vector<16xf32>
      %bitcast_convert_type3A_613 = tpu.bitcast %add3A_612 : vector<16xf32> -> vector<16xi32>
      %shift_right_arithmetic3A_614 = arith.constant 1 : i32
      %shift_right_arithmetic3A_615 = vector.broadcast %shift_right_arithmetic3A_614 : i32 to vector<16xi32>
      %shift_right_arithmetic3A_616 = arith.shrsi %bitcast_convert_type3A_613, %shift_right_arithmetic3A_615 : vector<16xi32>
      %sub3A_617 = arith.constant 1597463007 : i32
      %sub3A_618 = vector.broadcast %sub3A_617 : i32 to vector<16xi32>
      %sub3A_619 = arith.subi %sub3A_618, %shift_right_arithmetic3A_616 : vector<16xi32>
      %bitcast_convert_type3A_620 = tpu.bitcast %sub3A_619 : vector<16xi32> -> vector<16xf32>
      %mul3A_621 = arith.constant 5.000000e-01 : f32
      %mul3A_622 = vector.broadcast %mul3A_621 : f32 to vector<16xf32>
      %mul3A_623 = arith.mulf %add3A_612, %mul3A_622 : vector<16xf32>
      %mul3A_624 = arith.mulf %mul3A_623, %bitcast_convert_type3A_620 : vector<16xf32>
      %mul3A_625 = arith.mulf %mul3A_624, %bitcast_convert_type3A_620 : vector<16xf32>
      %sub3A_626 = arith.constant 1.500000e+00 : f32
      %sub3A_627 = vector.broadcast %sub3A_626 : f32 to vector<16xf32>
      %sub3A_628 = arith.subf %sub3A_627, %mul3A_625 : vector<16xf32>
      %mul3A_629 = arith.mulf %bitcast_convert_type3A_620, %sub3A_628 : vector<16xf32>
      %mul3A_630 = arith.mulf %mul3A_623, %mul3A_629 : vector<16xf32>
      %mul3A_631 = arith.mulf %mul3A_630, %mul3A_629 : vector<16xf32>
      %sub3A_632 = arith.constant 1.500000e+00 : f32
      %sub3A_633 = vector.broadcast %sub3A_632 : f32 to vector<16xf32>
      %sub3A_634 = arith.subf %sub3A_633, %mul3A_631 : vector<16xf32>
      %mul3A_635 = arith.mulf %mul3A_629, %sub3A_634 : vector<16xf32>
      %mul3A_636 = arith.mulf %add3A_612, %mul3A_635 : vector<16xf32>
      %abs3A_637 = math.absf %get3A_558 : vector<16xf32>
      %abs3A_638 = math.absf %get3A_565 : vector<16xf32>
      %max3A_639 = arith.maximumf %abs3A_637, %abs3A_638 : vector<16xf32>
      %min3A_640 = arith.minimumf %abs3A_637, %abs3A_638 : vector<16xf32>
      %mul3A_641 = arith.constant 0.414213568 : f32
      %mul3A_642 = vector.broadcast %mul3A_641 : f32 to vector<16xf32>
      %mul3A_643 = arith.mulf %mul3A_642, %max3A_639 : vector<16xf32>
      %gt3A_644 = arith.cmpf ogt, %min3A_640, %mul3A_643 : vector<16xf32>
      %sub3A_645 = arith.subf %min3A_640, %max3A_639 : vector<16xf32>
      %select_n3A_646 = arith.select %gt3A_644, %sub3A_645, %min3A_640 : vector<16xi1>, vector<16xf32>
      %add3A_647 = arith.addf %min3A_640, %max3A_639 : vector<16xf32>
      %select_n3A_648 = arith.select %gt3A_644, %add3A_647, %max3A_639 : vector<16xi1>, vector<16xf32>
      %max3A_649 = arith.constant 9.99999991E-38 : f32
      %max3A_650 = vector.broadcast %max3A_649 : f32 to vector<16xf32>
      %max3A_651 = arith.maximumf %select_n3A_648, %max3A_650 : vector<16xf32>
      %div3A_652 = arith.divf %select_n3A_646, %max3A_651 : vector<16xf32>
      %mul3A_653 = arith.mulf %div3A_652, %div3A_652 : vector<16xf32>
      %mul3A_654 = arith.constant 0.000000e+00 : f32
      %mul3A_655 = vector.broadcast %mul3A_654 : f32 to vector<16xf32>
      %mul3A_656 = arith.mulf %mul3A_653, %mul3A_655 : vector<16xf32>
      %add3A_657 = arith.constant -0.0909090936 : f32
      %add3A_658 = vector.broadcast %add3A_657 : f32 to vector<16xf32>
      %add3A_659 = arith.addf %add3A_658, %mul3A_656 : vector<16xf32>
      %mul3A_660 = arith.mulf %mul3A_653, %add3A_659 : vector<16xf32>
      %add3A_661 = arith.constant 0.111111112 : f32
      %add3A_662 = vector.broadcast %add3A_661 : f32 to vector<16xf32>
      %add3A_663 = arith.addf %add3A_662, %mul3A_660 : vector<16xf32>
      %mul3A_664 = arith.mulf %mul3A_653, %add3A_663 : vector<16xf32>
      %add3A_665 = arith.constant -0.142857149 : f32
      %add3A_666 = vector.broadcast %add3A_665 : f32 to vector<16xf32>
      %add3A_667 = arith.addf %add3A_666, %mul3A_664 : vector<16xf32>
      %mul3A_668 = arith.mulf %mul3A_653, %add3A_667 : vector<16xf32>
      %add3A_669 = arith.constant 2.000000e-01 : f32
      %add3A_670 = vector.broadcast %add3A_669 : f32 to vector<16xf32>
      %add3A_671 = arith.addf %add3A_670, %mul3A_668 : vector<16xf32>
      %mul3A_672 = arith.mulf %mul3A_653, %add3A_671 : vector<16xf32>
      %add3A_673 = arith.constant -0.333333343 : f32
      %add3A_674 = vector.broadcast %add3A_673 : f32 to vector<16xf32>
      %add3A_675 = arith.addf %add3A_674, %mul3A_672 : vector<16xf32>
      %mul3A_676 = arith.mulf %mul3A_653, %add3A_675 : vector<16xf32>
      %mul3A_677 = arith.mulf %div3A_652, %mul3A_676 : vector<16xf32>
      %add3A_678 = arith.addf %div3A_652, %mul3A_677 : vector<16xf32>
      %add3A_679 = arith.constant 0.785398185 : f32
      %add3A_680 = vector.broadcast %add3A_679 : f32 to vector<16xf32>
      %add3A_681 = arith.addf %add3A_680, %add3A_678 : vector<16xf32>
      %select_n3A_682 = arith.select %gt3A_644, %add3A_681, %add3A_678 : vector<16xi1>, vector<16xf32>
      %gt3A_683 = arith.cmpf ogt, %abs3A_637, %abs3A_638 : vector<16xf32>
      %sub3A_684 = arith.constant 1.57079637 : f32
      %sub3A_685 = vector.broadcast %sub3A_684 : f32 to vector<16xf32>
      %sub3A_686 = arith.subf %sub3A_685, %select_n3A_682 : vector<16xf32>
      %select_n3A_687 = arith.select %gt3A_683, %sub3A_686, %select_n3A_682 : vector<16xi1>, vector<16xf32>
      %lt3A_688 = arith.constant 0.000000e+00 : f32
      %lt3A_689 = vector.broadcast %lt3A_688 : f32 to vector<16xf32>
      %lt3A_690 = arith.cmpf olt, %get3A_565, %lt3A_689 : vector<16xf32>
      %sub3A_691 = arith.constant 3.14159274 : f32
      %sub3A_692 = vector.broadcast %sub3A_691 : f32 to vector<16xf32>
      %sub3A_693 = arith.subf %sub3A_692, %select_n3A_687 : vector<16xf32>
      %select_n3A_694 = arith.select %lt3A_690, %sub3A_693, %select_n3A_687 : vector<16xi1>, vector<16xf32>
      %lt3A_695 = arith.constant 0.000000e+00 : f32
      %lt3A_696 = vector.broadcast %lt3A_695 : f32 to vector<16xf32>
      %lt3A_697 = arith.cmpf olt, %get3A_558, %lt3A_696 : vector<16xf32>
      %sub3A_698 = arith.constant 6.28318548 : f32
      %sub3A_699 = vector.broadcast %sub3A_698 : f32 to vector<16xf32>
      %sub3A_700 = arith.subf %sub3A_699, %select_n3A_694 : vector<16xf32>
      %select_n3A_701 = arith.select %lt3A_697, %sub3A_700, %select_n3A_694 : vector<16xi1>, vector<16xf32>
      %swap3A_702 = arith.index_cast %add3A_453 : i32 to index
      %swap3A_703 = arith.index_cast %mul3A_451 : i32 to index
      %swap3A_704 = tpu.vector_load %arg8[%swap3A_702, %swap3A_703] {strides = array<i32>} : memref<64x128xf32, #tpu.memory_space<vmem>>, vector<16xf32>,
      tpu.vector_store %arg8[%swap3A_702, %swap3A_703], %select_n3A_701 {strides = array<i32>} : memref<64x128xf32, #tpu.memory_space<vmem>>, vector<16xf32>,
      %mul3A_705 = arith.constant 1.27323949 : f32
      %mul3A_706 = vector.broadcast %mul3A_705 : f32 to vector<16xf32>
      %mul3A_707 = arith.mulf %select_n3A_701, %mul3A_706 : vector<16xf32>
      %convert_element_type3A_708 = arith.fptosi %mul3A_707 : vector<16xf32> to vector<16xi32>
      %ne3A_709 = arith.constant 0.000000e+00 : f32
      %ne3A_710 = vector.broadcast %ne3A_709 : f32 to vector<16xf32>
      %ne3A_711 = arith.cmpf one, %add3A_580, %ne3A_710 : vector<16xf32>
      %jit3A_712 = arith.constant -1 : i32
      %broadcast_in_dim3A_713 = vector.broadcast %jit3A_712 : i32 to vector<16xi32>
      %select_n3A_714 = arith.select %ne3A_711, %convert_element_type3A_708, %broadcast_in_dim3A_713 : vector<16xi1>, vector<16xi32>
      %ge3A_715 = arith.constant 0 : i32
      %ge3A_716 = vector.broadcast %ge3A_715 : i32 to vector<16xi32>
      %ge3A_717 = arith.cmpi sge, %select_n3A_714, %ge3A_716 : vector<16xi32>
      %lt3A_718 = arith.constant 8 : i32
      %lt3A_719 = vector.broadcast %lt3A_718 : i32 to vector<16xi32>
      %lt3A_720 = arith.cmpi slt, %select_n3A_714, %lt3A_719 : vector<16xi32>
      %and3A_721 = arith.andi %ge3A_717, %lt3A_720 : vector<16xi1>
      %mul3A_722 = arith.constant 128 : i32
      %mul3A_723 = vector.broadcast %mul3A_722 : i32 to vector<16xi32>
      %mul3A_724 = arith.muli %select_n3A_714, %mul3A_723 : vector<16xi32>
      %add3A_725 = vector.broadcast %mul3A_451 : i32 to vector<16xi32>
      %add3A_726 = arith.addi %add3A_725, %iota3A : vector<16xi32>
      %add3A_727 = arith.addi %mul3A_724, %add3A_726 : vector<16xi32>
      tpu.vector_store_idx %arg9[%add3A_727], %mul3A_609 masked %and3A_721 {add = true} : memref<1024xf32, #tpu.memory_space<vmem>>[vector<16xi32>], vector<16xf32>, vector<16xi1>
      tpu.vector_store_idx %arg10[%add3A_727], %mul3A_636 masked %and3A_721 {add = true} : memref<1024xf32, #tpu.memory_space<vmem>>[vector<16xi32>], vector<16xf32>, vector<16xi1>
      tpu.vector_store_idx %arg11[%add3A_727], %select_n3A_701 masked %and3A_721 {add = true} : memref<1024xf32, #tpu.memory_space<vmem>>[vector<16xi32>], vector<16xf32>, vector<16xi1>
      tpu.vector_store_idx %arg12[%add3A_727], %broadcast_in_dim3A_3 masked %and3A_721 {add = true} : memref<1024xf32, #tpu.memory_space<vmem>>[vector<16xi32>], vector<16xf32>, vector<16xi1>
    }
    %scan3A_60 = arith.constant 64 : i32
    %dma_wait3A_61 = arith.constant 32 : i32
    %dma_wait3A_62 = arith.constant 0 : i32
    %dma_wait3A_63 = arith.constant 0 : i32
    %dma_wait3A_64 = tpu.memref_slice %arg2[%dma_wait3A_61, %dma_wait3A_62, %dma_wait3A_63, %mul3A_2] : memref<64x8x2x4096xf32, #tpu.memory_space<hbm>> -> memref<16x8x2x128xf32, #tpu.memory_space<hbm>>
    %dma_wait3A_65 = arith.constant 32 : i32
    %dma_wait3A_66 = arith.constant 0 : i32
    %dma_wait3A_67 = arith.constant 0 : i32
    %dma_wait3A_68 = tpu.memref_slice %arg2[%dma_wait3A_65, %dma_wait3A_66, %dma_wait3A_67, %mul3A_2] : memref<64x8x2x4096xf32, #tpu.memory_space<hbm>> -> memref<16x8x2x128xf32, #tpu.memory_space<hbm>>
    tpu.wait_dma2 semaphore(%arg13 : memref<!tpu.dma_semaphore, #tpu.memory_space<semaphore_mem>>) src(%dma_wait3A_68 : memref<16x8x2x128xf32, #tpu.memory_space<hbm>>) dst(%arg5 : memref<16x8x2x128xf32, #tpu.memory_space<vmem>>)
    %dma_start3A_69 = arith.constant 48 : i32
    %dma_start3A_70 = arith.constant 0 : i32
    %dma_start3A_71 = arith.constant 0 : i32
    %dma_start3A_72 = tpu.memref_slice %arg2[%dma_start3A_69, %dma_start3A_70, %dma_start3A_71, %mul3A_2] : memref<64x8x2x4096xf32, #tpu.memory_space<hbm>> -> memref<16x8x2x128xf32, #tpu.memory_space<hbm>>
    %dma_start3A_73 = arith.constant 48 : i32
    %dma_start3A_74 = arith.constant 0 : i32
    %dma_start3A_75 = arith.constant 0 : i32
    %dma_start3A_76 = tpu.memref_slice %arg2[%dma_start3A_73, %dma_start3A_74, %dma_start3A_75, %mul3A_2] : memref<64x8x2x4096xf32, #tpu.memory_space<hbm>> -> memref<16x8x2x128xf32, #tpu.memory_space<hbm>>
    tpu.enqueue_dma source(%dma_start3A_76 : memref<16x8x2x128xf32, #tpu.memory_space<hbm>>) target(%arg6 : memref<16x8x2x128xf32, #tpu.memory_space<vmem>>) target_semaphore(%arg14 : memref<!tpu.dma_semaphore, #tpu.memory_space<semaphore_mem>>)
    %scan3A_77 = arith.constant 0 : i32
    %scan3A_78 = arith.constant 0 : i32
    %scan3A_79 = arith.constant 64 : i32
    %scan3A_80 = arith.addi %scan3A_78, %scan3A_79 : i32
    %scan3A_81 = arith.constant 1 : i32
    scf.for %scan3A_103 = %scan3A_78 to %scan3A_80 step %scan3A_81  : i32 {
      %mul3A_104 = arith.constant 2 : i32
      %mul3A_105 = arith.muli %scan3A_103, %mul3A_104 : i32
      %add3A_106 = arith.constant 0 : i32
      %add3A_107 = arith.addi %mul3A_105, %add3A_106 : i32
      %jit3A = arith.constant 8 : i32
      %div3A = arith.divsi %add3A_107, %jit3A : i32
      %sign3A = arith.constant 0 : i32
      %sign3A_108 = arith.cmpi sgt, %add3A_107, %sign3A : i32
      %sign3A_109 = arith.extui %sign3A_108 : i1 to i32
      %sign3A_110 = arith.constant 0 : i32
      %sign3A_111 = arith.cmpi slt, %add3A_107, %sign3A_110 : i32
      %sign3A_112 = arith.extui %sign3A_111 : i1 to i32
      %sign3A_113 = arith.subi %sign3A_109, %sign3A_112 : i32
      %sign3A_114 = arith.constant 0 : i32
      %sign3A_115 = arith.cmpi sgt, %jit3A, %sign3A_114 : i32
      %sign3A_116 = arith.extui %sign3A_115 : i1 to i32
      %sign3A_117 = arith.constant 0 : i32
      %sign3A_118 = arith.cmpi slt, %jit3A, %sign3A_117 : i32
      %sign3A_119 = arith.extui %sign3A_118 : i1 to i32
      %sign3A_120 = arith.subi %sign3A_116, %sign3A_119 : i32
      %ne3A = arith.cmpi ne, %sign3A_113, %sign3A_120 : i32
      %rem3A = arith.remsi %add3A_107, %jit3A : i32
      %ne3A_121 = arith.constant 0 : i32
      %ne3A_122 = arith.cmpi ne, %rem3A, %ne3A_121 : i32
      %and3A = arith.andi %ne3A, %ne3A_122 : i1
      %sub3A = arith.constant 1 : i32
      %sub3A_123 = arith.subi %div3A, %sub3A : i32
      %select_n3A = arith.select %and3A, %sub3A_123, %div3A : i32
      %jit3A_124 = arith.constant 8 : i32
      %eq3A = arith.constant 0 : i32
      %eq3A_125 = arith.cmpi eq, %jit3A_124, %eq3A : i32
      %jit3A_126 = arith.constant 1 : i32
      %select_n3A_127 = arith.select %eq3A_125, %jit3A_126, %jit3A_124 : i32
      %rem3A_128 = arith.remsi %add3A_107, %select_n3A_127 : i32
      %ne3A_129 = arith.constant 0 : i32
      %ne3A_130 = arith.cmpi ne, %rem3A_128, %ne3A_129 : i32
      %lt3A = arith.constant 0 : i32
      %lt3A_131 = arith.cmpi slt, %rem3A_128, %lt3A : i32
      %lt3A_132 = arith.constant 0 : i32
      %lt3A_133 = arith.cmpi slt, %select_n3A_127, %lt3A_132 : i32
      %ne3A_134 = arith.xori %lt3A_131, %lt3A_133 : i1
      %and3A_135 = arith.andi %ne3A_134, %ne3A_130 : i1
      %add3A_136 = arith.addi %rem3A_128, %select_n3A_127 : i32
      %select_n3A_137 = arith.select %and3A_135, %add3A_136, %rem3A_128 : i32
      %mul3A_138 = arith.constant 16 : i32
      %mul3A_139 = arith.muli %select_n3A_137, %mul3A_138 : i32
      %add3A_140 = arith.constant 32 : i32
      %add3A_141 = arith.addi %add3A_140, %select_n3A : i32
      %get3A = arith.constant 0 : i32
      %get3A_142 = arith.constant 0 : i32
      %get3A_143 = arith.index_cast %select_n3A : i32 to index
      %get3A_144 = arith.index_cast %get3A : i32 to index
      %get3A_145 = arith.index_cast %get3A_142 : i32 to index
      %get3A_146 = arith.index_cast %mul3A_139 : i32 to index
      %get3A_147 = tpu.vector_load %arg5[%get3A_143, %get3A_144, %get3A_145, %get3A_146] {strides = array<i32>} : memref<16x8x2x128xf32, #tpu.memory_space<vmem>>, vector<16xf32>,
      %get3A_148 = arith.constant 0 : i32
      %get3A_149 = arith.constant 1 : i32
      %get3A_150 = arith.index_cast %select_n3A : i32 to index
      %get3A_151 = arith.index_cast %get3A_148 : i32 to index
      %get3A_152 = arith.index_cast %get3A_149 : i32 to index
      %get3A_153 = arith.index_cast %mul3A_139 : i32 to index
      %get3A_154 = tpu.vector_load %arg5[%get3A_150, %get3A_151, %get3A_152, %get3A_153] {strides = array<i32>} : memref<16x8x2x128xf32, #tpu.memory_space<vmem>>, vector<16xf32>,
      %get3A_155 = arith.constant 1 : i32
      %get3A_156 = arith.constant 0 : i32
      %get3A_157 = arith.index_cast %select_n3A : i32 to index
      %get3A_158 = arith.index_cast %get3A_155 : i32 to index
      %get3A_159 = arith.index_cast %get3A_156 : i32 to index
      %get3A_160 = arith.index_cast %mul3A_139 : i32 to index
      %get3A_161 = tpu.vector_load %arg5[%get3A_157, %get3A_158, %get3A_159, %get3A_160] {strides = array<i32>} : memref<16x8x2x128xf32, #tpu.memory_space<vmem>>, vector<16xf32>,
      %get3A_162 = arith.constant 1 : i32
      %get3A_163 = arith.constant 1 : i32
      %get3A_164 = arith.index_cast %select_n3A : i32 to index
      %get3A_165 = arith.index_cast %get3A_162 : i32 to index
      %get3A_166 = arith.index_cast %get3A_163 : i32 to index
      %get3A_167 = arith.index_cast %mul3A_139 : i32 to index
      %get3A_168 = tpu.vector_load %arg5[%get3A_164, %get3A_165, %get3A_166, %get3A_167] {strides = array<i32>} : memref<16x8x2x128xf32, #tpu.memory_space<vmem>>, vector<16xf32>,
      %get3A_169 = arith.constant 2 : i32
      %get3A_170 = arith.constant 0 : i32
      %get3A_171 = arith.index_cast %select_n3A : i32 to index
      %get3A_172 = arith.index_cast %get3A_169 : i32 to index
      %get3A_173 = arith.index_cast %get3A_170 : i32 to index
      %get3A_174 = arith.index_cast %mul3A_139 : i32 to index
      %get3A_175 = tpu.vector_load %arg5[%get3A_171, %get3A_172, %get3A_173, %get3A_174] {strides = array<i32>} : memref<16x8x2x128xf32, #tpu.memory_space<vmem>>, vector<16xf32>,
      %get3A_176 = arith.constant 2 : i32
      %get3A_177 = arith.constant 1 : i32
      %get3A_178 = arith.index_cast %select_n3A : i32 to index
      %get3A_179 = arith.index_cast %get3A_176 : i32 to index
      %get3A_180 = arith.index_cast %get3A_177 : i32 to index
      %get3A_181 = arith.index_cast %mul3A_139 : i32 to index
      %get3A_182 = tpu.vector_load %arg5[%get3A_178, %get3A_179, %get3A_180, %get3A_181] {strides = array<i32>} : memref<16x8x2x128xf32, #tpu.memory_space<vmem>>, vector<16xf32>,
      %get3A_183 = arith.constant 3 : i32
      %get3A_184 = arith.constant 0 : i32
      %get3A_185 = arith.index_cast %select_n3A : i32 to index
      %get3A_186 = arith.index_cast %get3A_183 : i32 to index
      %get3A_187 = arith.index_cast %get3A_184 : i32 to index
      %get3A_188 = arith.index_cast %mul3A_139 : i32 to index
      %get3A_189 = tpu.vector_load %arg5[%get3A_185, %get3A_186, %get3A_187, %get3A_188] {strides = array<i32>} : memref<16x8x2x128xf32, #tpu.memory_space<vmem>>, vector<16xf32>,
      %get3A_190 = arith.constant 3 : i32
      %get3A_191 = arith.constant 1 : i32
      %get3A_192 = arith.index_cast %select_n3A : i32 to index
      %get3A_193 = arith.index_cast %get3A_190 : i32 to index
      %get3A_194 = arith.index_cast %get3A_191 : i32 to index
      %get3A_195 = arith.index_cast %mul3A_139 : i32 to index
      %get3A_196 = tpu.vector_load %arg5[%get3A_192, %get3A_193, %get3A_194, %get3A_195] {strides = array<i32>} : memref<16x8x2x128xf32, #tpu.memory_space<vmem>>, vector<16xf32>,
      %get3A_197 = arith.constant 4 : i32
      %get3A_198 = arith.constant 0 : i32
      %get3A_199 = arith.index_cast %select_n3A : i32 to index
      %get3A_200 = arith.index_cast %get3A_197 : i32 to index
      %get3A_201 = arith.index_cast %get3A_198 : i32 to index
      %get3A_202 = arith.index_cast %mul3A_139 : i32 to index
      %get3A_203 = tpu.vector_load %arg5[%get3A_199, %get3A_200, %get3A_201, %get3A_202] {strides = array<i32>} : memref<16x8x2x128xf32, #tpu.memory_space<vmem>>, vector<16xf32>,
      %get3A_204 = arith.constant 4 : i32
      %get3A_205 = arith.constant 1 : i32
      %get3A_206 = arith.index_cast %select_n3A : i32 to index
      %get3A_207 = arith.index_cast %get3A_204 : i32 to index
      %get3A_208 = arith.index_cast %get3A_205 : i32 to index
      %get3A_209 = arith.index_cast %mul3A_139 : i32 to index
      %get3A_210 = tpu.vector_load %arg5[%get3A_206, %get3A_207, %get3A_208, %get3A_209] {strides = array<i32>} : memref<16x8x2x128xf32, #tpu.memory_space<vmem>>, vector<16xf32>,
      %get3A_211 = arith.constant 5 : i32
      %get3A_212 = arith.constant 0 : i32
      %get3A_213 = arith.index_cast %select_n3A : i32 to index
      %get3A_214 = arith.index_cast %get3A_211 : i32 to index
      %get3A_215 = arith.index_cast %get3A_212 : i32 to index
      %get3A_216 = arith.index_cast %mul3A_139 : i32 to index
      %get3A_217 = tpu.vector_load %arg5[%get3A_213, %get3A_214, %get3A_215, %get3A_216] {strides = array<i32>} : memref<16x8x2x128xf32, #tpu.memory_space<vmem>>, vector<16xf32>,
      %get3A_218 = arith.constant 5 : i32
      %get3A_219 = arith.constant 1 : i32
      %get3A_220 = arith.index_cast %select_n3A : i32 to index
      %get3A_221 = arith.index_cast %get3A_218 : i32 to index
      %get3A_222 = arith.index_cast %get3A_219 : i32 to index
      %get3A_223 = arith.index_cast %mul3A_139 : i32 to index
      %get3A_224 = tpu.vector_load %arg5[%get3A_220, %get3A_221, %get3A_222, %get3A_223] {strides = array<i32>} : memref<16x8x2x128xf32, #tpu.memory_space<vmem>>, vector<16xf32>,
      %get3A_225 = arith.constant 6 : i32
      %get3A_226 = arith.constant 0 : i32
      %get3A_227 = arith.index_cast %select_n3A : i32 to index
      %get3A_228 = arith.index_cast %get3A_225 : i32 to index
      %get3A_229 = arith.index_cast %get3A_226 : i32 to index
      %get3A_230 = arith.index_cast %mul3A_139 : i32 to index
      %get3A_231 = tpu.vector_load %arg5[%get3A_227, %get3A_228, %get3A_229, %get3A_230] {strides = array<i32>} : memref<16x8x2x128xf32, #tpu.memory_space<vmem>>, vector<16xf32>,
      %get3A_232 = arith.constant 6 : i32
      %get3A_233 = arith.constant 1 : i32
      %get3A_234 = arith.index_cast %select_n3A : i32 to index
      %get3A_235 = arith.index_cast %get3A_232 : i32 to index
      %get3A_236 = arith.index_cast %get3A_233 : i32 to index
      %get3A_237 = arith.index_cast %mul3A_139 : i32 to index
      %get3A_238 = tpu.vector_load %arg5[%get3A_234, %get3A_235, %get3A_236, %get3A_237] {strides = array<i32>} : memref<16x8x2x128xf32, #tpu.memory_space<vmem>>, vector<16xf32>,
      %get3A_239 = arith.constant 7 : i32
      %get3A_240 = arith.constant 0 : i32
      %get3A_241 = arith.index_cast %select_n3A : i32 to index
      %get3A_242 = arith.index_cast %get3A_239 : i32 to index
      %get3A_243 = arith.index_cast %get3A_240 : i32 to index
      %get3A_244 = arith.index_cast %mul3A_139 : i32 to index
      %get3A_245 = tpu.vector_load %arg5[%get3A_241, %get3A_242, %get3A_243, %get3A_244] {strides = array<i32>} : memref<16x8x2x128xf32, #tpu.memory_space<vmem>>, vector<16xf32>,
      %get3A_246 = arith.constant 7 : i32
      %get3A_247 = arith.constant 1 : i32
      %get3A_248 = arith.index_cast %select_n3A : i32 to index
      %get3A_249 = arith.index_cast %get3A_246 : i32 to index
      %get3A_250 = arith.index_cast %get3A_247 : i32 to index
      %get3A_251 = arith.index_cast %mul3A_139 : i32 to index
      %get3A_252 = tpu.vector_load %arg5[%get3A_248, %get3A_249, %get3A_250, %get3A_251] {strides = array<i32>} : memref<16x8x2x128xf32, #tpu.memory_space<vmem>>, vector<16xf32>,
      %add3A_253 = arith.addf %get3A_147, %get3A_154 : vector<16xf32>
      %add3A_254 = arith.addf %get3A_161, %get3A_168 : vector<16xf32>
      %add3A_255 = arith.addf %get3A_175, %get3A_182 : vector<16xf32>
      %add3A_256 = arith.addf %get3A_189, %get3A_196 : vector<16xf32>
      %add3A_257 = arith.addf %get3A_203, %get3A_210 : vector<16xf32>
      %add3A_258 = arith.addf %get3A_217, %get3A_224 : vector<16xf32>
      %add3A_259 = arith.addf %get3A_231, %get3A_238 : vector<16xf32>
      %add3A_260 = arith.addf %get3A_245, %get3A_252 : vector<16xf32>
      %add3A_261 = arith.addf %add3A_253, %add3A_254 : vector<16xf32>
      %add3A_262 = arith.addf %add3A_255, %add3A_256 : vector<16xf32>
      %add3A_263 = arith.addf %add3A_257, %add3A_258 : vector<16xf32>
      %add3A_264 = arith.addf %add3A_259, %add3A_260 : vector<16xf32>
      %add3A_265 = arith.addf %add3A_261, %add3A_262 : vector<16xf32>
      %add3A_266 = arith.addf %add3A_263, %add3A_264 : vector<16xf32>
      %add3A_267 = arith.addf %add3A_265, %add3A_266 : vector<16xf32>
      %sub3A_268 = arith.subf %get3A_245, %get3A_147 : vector<16xf32>
      %sub3A_269 = arith.subf %get3A_252, %get3A_154 : vector<16xf32>
      %mul3A_270 = arith.mulf %sub3A_268, %sub3A_268 : vector<16xf32>
      %mul3A_271 = arith.mulf %sub3A_269, %sub3A_269 : vector<16xf32>
      %add3A_272 = arith.addf %mul3A_270, %mul3A_271 : vector<16xf32>
      %bitcast_convert_type3A = tpu.bitcast %add3A_272 : vector<16xf32> -> vector<16xi32>
      %shift_right_arithmetic3A = arith.constant 1 : i32
      %shift_right_arithmetic3A_273 = vector.broadcast %shift_right_arithmetic3A : i32 to vector<16xi32>
      %shift_right_arithmetic3A_274 = arith.shrsi %bitcast_convert_type3A, %shift_right_arithmetic3A_273 : vector<16xi32>
      %sub3A_275 = arith.constant 1597463007 : i32
      %sub3A_276 = vector.broadcast %sub3A_275 : i32 to vector<16xi32>
      %sub3A_277 = arith.subi %sub3A_276, %shift_right_arithmetic3A_274 : vector<16xi32>
      %bitcast_convert_type3A_278 = tpu.bitcast %sub3A_277 : vector<16xi32> -> vector<16xf32>
      %mul3A_279 = arith.constant 5.000000e-01 : f32
      %mul3A_280 = vector.broadcast %mul3A_279 : f32 to vector<16xf32>
      %mul3A_281 = arith.mulf %add3A_272, %mul3A_280 : vector<16xf32>
      %mul3A_282 = arith.mulf %mul3A_281, %bitcast_convert_type3A_278 : vector<16xf32>
      %mul3A_283 = arith.mulf %mul3A_282, %bitcast_convert_type3A_278 : vector<16xf32>
      %sub3A_284 = arith.constant 1.500000e+00 : f32
      %sub3A_285 = vector.broadcast %sub3A_284 : f32 to vector<16xf32>
      %sub3A_286 = arith.subf %sub3A_285, %mul3A_283 : vector<16xf32>
      %mul3A_287 = arith.mulf %bitcast_convert_type3A_278, %sub3A_286 : vector<16xf32>
      %mul3A_288 = arith.mulf %mul3A_281, %mul3A_287 : vector<16xf32>
      %mul3A_289 = arith.mulf %mul3A_288, %mul3A_287 : vector<16xf32>
      %sub3A_290 = arith.constant 1.500000e+00 : f32
      %sub3A_291 = vector.broadcast %sub3A_290 : f32 to vector<16xf32>
      %sub3A_292 = arith.subf %sub3A_291, %mul3A_289 : vector<16xf32>
      %mul3A_293 = arith.mulf %mul3A_287, %sub3A_292 : vector<16xf32>
      %mul3A_294 = arith.mulf %add3A_272, %mul3A_293 : vector<16xf32>
      %mul3A_295 = arith.mulf %get3A_245, %get3A_245 : vector<16xf32>
      %mul3A_296 = arith.mulf %get3A_252, %get3A_252 : vector<16xf32>
      %add3A_297 = arith.addf %mul3A_295, %mul3A_296 : vector<16xf32>
      %bitcast_convert_type3A_298 = tpu.bitcast %add3A_297 : vector<16xf32> -> vector<16xi32>
      %shift_right_arithmetic3A_299 = arith.constant 1 : i32
      %shift_right_arithmetic3A_300 = vector.broadcast %shift_right_arithmetic3A_299 : i32 to vector<16xi32>
      %shift_right_arithmetic3A_301 = arith.shrsi %bitcast_convert_type3A_298, %shift_right_arithmetic3A_300 : vector<16xi32>
      %sub3A_302 = arith.constant 1597463007 : i32
      %sub3A_303 = vector.broadcast %sub3A_302 : i32 to vector<16xi32>
      %sub3A_304 = arith.subi %sub3A_303, %shift_right_arithmetic3A_301 : vector<16xi32>
      %bitcast_convert_type3A_305 = tpu.bitcast %sub3A_304 : vector<16xi32> -> vector<16xf32>
      %mul3A_306 = arith.constant 5.000000e-01 : f32
      %mul3A_307 = vector.broadcast %mul3A_306 : f32 to vector<16xf32>
      %mul3A_308 = arith.mulf %add3A_297, %mul3A_307 : vector<16xf32>
      %mul3A_309 = arith.mulf %mul3A_308, %bitcast_convert_type3A_305 : vector<16xf32>
      %mul3A_310 = arith.mulf %mul3A_309, %bitcast_convert_type3A_305 : vector<16xf32>
      %sub3A_311 = arith.constant 1.500000e+00 : f32
      %sub3A_312 = vector.broadcast %sub3A_311 : f32 to vector<16xf32>
      %sub3A_313 = arith.subf %sub3A_312, %mul3A_310 : vector<16xf32>
      %mul3A_314 = arith.mulf %bitcast_convert_type3A_305, %sub3A_313 : vector<16xf32>
      %mul3A_315 = arith.mulf %mul3A_308, %mul3A_314 : vector<16xf32>
      %mul3A_316 = arith.mulf %mul3A_315, %mul3A_314 : vector<16xf32>
      %sub3A_317 = arith.constant 1.500000e+00 : f32
      %sub3A_318 = vector.broadcast %sub3A_317 : f32 to vector<16xf32>
      %sub3A_319 = arith.subf %sub3A_318, %mul3A_316 : vector<16xf32>
      %mul3A_320 = arith.mulf %mul3A_314, %sub3A_319 : vector<16xf32>
      %mul3A_321 = arith.mulf %add3A_297, %mul3A_320 : vector<16xf32>
      %abs3A = math.absf %get3A_245 : vector<16xf32>
      %abs3A_322 = math.absf %get3A_252 : vector<16xf32>
      %max3A = arith.maximumf %abs3A, %abs3A_322 : vector<16xf32>
      %min3A = arith.minimumf %abs3A, %abs3A_322 : vector<16xf32>
      %mul3A_323 = arith.constant 0.414213568 : f32
      %mul3A_324 = vector.broadcast %mul3A_323 : f32 to vector<16xf32>
      %mul3A_325 = arith.mulf %mul3A_324, %max3A : vector<16xf32>
      %gt3A = arith.cmpf ogt, %min3A, %mul3A_325 : vector<16xf32>
      %sub3A_326 = arith.subf %min3A, %max3A : vector<16xf32>
      %select_n3A_327 = arith.select %gt3A, %sub3A_326, %min3A : vector<16xi1>, vector<16xf32>
      %add3A_328 = arith.addf %min3A, %max3A : vector<16xf32>
      %select_n3A_329 = arith.select %gt3A, %add3A_328, %max3A : vector<16xi1>, vector<16xf32>
      %max3A_330 = arith.constant 9.99999991E-38 : f32
      %max3A_331 = vector.broadcast %max3A_330 : f32 to vector<16xf32>
      %max3A_332 = arith.maximumf %select_n3A_329, %max3A_331 : vector<16xf32>
      %div3A_333 = arith.divf %select_n3A_327, %max3A_332 : vector<16xf32>
      %mul3A_334 = arith.mulf %div3A_333, %div3A_333 : vector<16xf32>
      %mul3A_335 = arith.constant 0.000000e+00 : f32
      %mul3A_336 = vector.broadcast %mul3A_335 : f32 to vector<16xf32>
      %mul3A_337 = arith.mulf %mul3A_334, %mul3A_336 : vector<16xf32>
      %add3A_338 = arith.constant -0.0909090936 : f32
      %add3A_339 = vector.broadcast %add3A_338 : f32 to vector<16xf32>
      %add3A_340 = arith.addf %add3A_339, %mul3A_337 : vector<16xf32>
      %mul3A_341 = arith.mulf %mul3A_334, %add3A_340 : vector<16xf32>
      %add3A_342 = arith.constant 0.111111112 : f32
      %add3A_343 = vector.broadcast %add3A_342 : f32 to vector<16xf32>
      %add3A_344 = arith.addf %add3A_343, %mul3A_341 : vector<16xf32>
      %mul3A_345 = arith.mulf %mul3A_334, %add3A_344 : vector<16xf32>
      %add3A_346 = arith.constant -0.142857149 : f32
      %add3A_347 = vector.broadcast %add3A_346 : f32 to vector<16xf32>
      %add3A_348 = arith.addf %add3A_347, %mul3A_345 : vector<16xf32>
      %mul3A_349 = arith.mulf %mul3A_334, %add3A_348 : vector<16xf32>
      %add3A_350 = arith.constant 2.000000e-01 : f32
      %add3A_351 = vector.broadcast %add3A_350 : f32 to vector<16xf32>
      %add3A_352 = arith.addf %add3A_351, %mul3A_349 : vector<16xf32>
      %mul3A_353 = arith.mulf %mul3A_334, %add3A_352 : vector<16xf32>
      %add3A_354 = arith.constant -0.333333343 : f32
      %add3A_355 = vector.broadcast %add3A_354 : f32 to vector<16xf32>
      %add3A_356 = arith.addf %add3A_355, %mul3A_353 : vector<16xf32>
      %mul3A_357 = arith.mulf %mul3A_334, %add3A_356 : vector<16xf32>
      %mul3A_358 = arith.mulf %div3A_333, %mul3A_357 : vector<16xf32>
      %add3A_359 = arith.addf %div3A_333, %mul3A_358 : vector<16xf32>
      %add3A_360 = arith.constant 0.785398185 : f32
      %add3A_361 = vector.broadcast %add3A_360 : f32 to vector<16xf32>
      %add3A_362 = arith.addf %add3A_361, %add3A_359 : vector<16xf32>
      %select_n3A_363 = arith.select %gt3A, %add3A_362, %add3A_359 : vector<16xi1>, vector<16xf32>
      %gt3A_364 = arith.cmpf ogt, %abs3A, %abs3A_322 : vector<16xf32>
      %sub3A_365 = arith.constant 1.57079637 : f32
      %sub3A_366 = vector.broadcast %sub3A_365 : f32 to vector<16xf32>
      %sub3A_367 = arith.subf %sub3A_366, %select_n3A_363 : vector<16xf32>
      %select_n3A_368 = arith.select %gt3A_364, %sub3A_367, %select_n3A_363 : vector<16xi1>, vector<16xf32>
      %lt3A_369 = arith.constant 0.000000e+00 : f32
      %lt3A_370 = vector.broadcast %lt3A_369 : f32 to vector<16xf32>
      %lt3A_371 = arith.cmpf olt, %get3A_252, %lt3A_370 : vector<16xf32>
      %sub3A_372 = arith.constant 3.14159274 : f32
      %sub3A_373 = vector.broadcast %sub3A_372 : f32 to vector<16xf32>
      %sub3A_374 = arith.subf %sub3A_373, %select_n3A_368 : vector<16xf32>
      %select_n3A_375 = arith.select %lt3A_371, %sub3A_374, %select_n3A_368 : vector<16xi1>, vector<16xf32>
      %lt3A_376 = arith.constant 0.000000e+00 : f32
      %lt3A_377 = vector.broadcast %lt3A_376 : f32 to vector<16xf32>
      %lt3A_378 = arith.cmpf olt, %get3A_245, %lt3A_377 : vector<16xf32>
      %sub3A_379 = arith.constant 6.28318548 : f32
      %sub3A_380 = vector.broadcast %sub3A_379 : f32 to vector<16xf32>
      %sub3A_381 = arith.subf %sub3A_380, %select_n3A_375 : vector<16xf32>
      %select_n3A_382 = arith.select %lt3A_378, %sub3A_381, %select_n3A_375 : vector<16xi1>, vector<16xf32>
      %swap3A = arith.index_cast %add3A_141 : i32 to index
      %swap3A_383 = arith.index_cast %mul3A_139 : i32 to index
      %swap3A_384 = tpu.vector_load %arg8[%swap3A, %swap3A_383] {strides = array<i32>} : memref<64x128xf32, #tpu.memory_space<vmem>>, vector<16xf32>,
      tpu.vector_store %arg8[%swap3A, %swap3A_383], %select_n3A_382 {strides = array<i32>} : memref<64x128xf32, #tpu.memory_space<vmem>>, vector<16xf32>,
      %mul3A_385 = arith.constant 1.27323949 : f32
      %mul3A_386 = vector.broadcast %mul3A_385 : f32 to vector<16xf32>
      %mul3A_387 = arith.mulf %select_n3A_382, %mul3A_386 : vector<16xf32>
      %convert_element_type3A = arith.fptosi %mul3A_387 : vector<16xf32> to vector<16xi32>
      %ne3A_388 = arith.constant 0.000000e+00 : f32
      %ne3A_389 = vector.broadcast %ne3A_388 : f32 to vector<16xf32>
      %ne3A_390 = arith.cmpf one, %add3A_267, %ne3A_389 : vector<16xf32>
      %jit3A_391 = arith.constant -1 : i32
      %broadcast_in_dim3A_392 = vector.broadcast %jit3A_391 : i32 to vector<16xi32>
      %select_n3A_393 = arith.select %ne3A_390, %convert_element_type3A, %broadcast_in_dim3A_392 : vector<16xi1>, vector<16xi32>
      %ge3A = arith.constant 0 : i32
      %ge3A_394 = vector.broadcast %ge3A : i32 to vector<16xi32>
      %ge3A_395 = arith.cmpi sge, %select_n3A_393, %ge3A_394 : vector<16xi32>
      %lt3A_396 = arith.constant 8 : i32
      %lt3A_397 = vector.broadcast %lt3A_396 : i32 to vector<16xi32>
      %lt3A_398 = arith.cmpi slt, %select_n3A_393, %lt3A_397 : vector<16xi32>
      %and3A_399 = arith.andi %ge3A_395, %lt3A_398 : vector<16xi1>
      %mul3A_400 = arith.constant 128 : i32
      %mul3A_401 = vector.broadcast %mul3A_400 : i32 to vector<16xi32>
      %mul3A_402 = arith.muli %select_n3A_393, %mul3A_401 : vector<16xi32>
      %add3A_403 = vector.broadcast %mul3A_139 : i32 to vector<16xi32>
      %add3A_404 = arith.addi %add3A_403, %iota3A : vector<16xi32>
      %add3A_405 = arith.addi %mul3A_402, %add3A_404 : vector<16xi32>
      tpu.vector_store_idx %arg9[%add3A_405], %mul3A_294 masked %and3A_399 {add = true} : memref<1024xf32, #tpu.memory_space<vmem>>[vector<16xi32>], vector<16xf32>, vector<16xi1>
      tpu.vector_store_idx %arg10[%add3A_405], %mul3A_321 masked %and3A_399 {add = true} : memref<1024xf32, #tpu.memory_space<vmem>>[vector<16xi32>], vector<16xf32>, vector<16xi1>
      tpu.vector_store_idx %arg11[%add3A_405], %select_n3A_382 masked %and3A_399 {add = true} : memref<1024xf32, #tpu.memory_space<vmem>>[vector<16xi32>], vector<16xf32>, vector<16xi1>
      tpu.vector_store_idx %arg12[%add3A_405], %broadcast_in_dim3A_3 masked %and3A_399 {add = true} : memref<1024xf32, #tpu.memory_space<vmem>>[vector<16xi32>], vector<16xf32>, vector<16xi1>
      %mul3A_406 = arith.constant 2 : i32
      %mul3A_407 = arith.muli %scan3A_103, %mul3A_406 : i32
      %add3A_408 = arith.constant 1 : i32
      %add3A_409 = arith.addi %mul3A_407, %add3A_408 : i32
      %jit3A_410 = arith.constant 8 : i32
      %div3A_411 = arith.divsi %add3A_409, %jit3A_410 : i32
      %sign3A_412 = arith.constant 0 : i32
      %sign3A_413 = arith.cmpi sgt, %add3A_409, %sign3A_412 : i32
      %sign3A_414 = arith.extui %sign3A_413 : i1 to i32
      %sign3A_415 = arith.constant 0 : i32
      %sign3A_416 = arith.cmpi slt, %add3A_409, %sign3A_415 : i32
      %sign3A_417 = arith.extui %sign3A_416 : i1 to i32
      %sign3A_418 = arith.subi %sign3A_414, %sign3A_417 : i32
      %sign3A_419 = arith.constant 0 : i32
      %sign3A_420 = arith.cmpi sgt, %jit3A_410, %sign3A_419 : i32
      %sign3A_421 = arith.extui %sign3A_420 : i1 to i32
      %sign3A_422 = arith.constant 0 : i32
      %sign3A_423 = arith.cmpi slt, %jit3A_410, %sign3A_422 : i32
      %sign3A_424 = arith.extui %sign3A_423 : i1 to i32
      %sign3A_425 = arith.subi %sign3A_421, %sign3A_424 : i32
      %ne3A_426 = arith.cmpi ne, %sign3A_418, %sign3A_425 : i32
      %rem3A_427 = arith.remsi %add3A_409, %jit3A_410 : i32
      %ne3A_428 = arith.constant 0 : i32
      %ne3A_429 = arith.cmpi ne, %rem3A_427, %ne3A_428 : i32
      %and3A_430 = arith.andi %ne3A_426, %ne3A_429 : i1
      %sub3A_431 = arith.constant 1 : i32
      %sub3A_432 = arith.subi %div3A_411, %sub3A_431 : i32
      %select_n3A_433 = arith.select %and3A_430, %sub3A_432, %div3A_411 : i32
      %jit3A_434 = arith.constant 8 : i32
      %eq3A_435 = arith.constant 0 : i32
      %eq3A_436 = arith.cmpi eq, %jit3A_434, %eq3A_435 : i32
      %jit3A_437 = arith.constant 1 : i32
      %select_n3A_438 = arith.select %eq3A_436, %jit3A_437, %jit3A_434 : i32
      %rem3A_439 = arith.remsi %add3A_409, %select_n3A_438 : i32
      %ne3A_440 = arith.constant 0 : i32
      %ne3A_441 = arith.cmpi ne, %rem3A_439, %ne3A_440 : i32
      %lt3A_442 = arith.constant 0 : i32
      %lt3A_443 = arith.cmpi slt, %rem3A_439, %lt3A_442 : i32
      %lt3A_444 = arith.constant 0 : i32
      %lt3A_445 = arith.cmpi slt, %select_n3A_438, %lt3A_444 : i32
      %ne3A_446 = arith.xori %lt3A_443, %lt3A_445 : i1
      %and3A_447 = arith.andi %ne3A_446, %ne3A_441 : i1
      %add3A_448 = arith.addi %rem3A_439, %select_n3A_438 : i32
      %select_n3A_449 = arith.select %and3A_447, %add3A_448, %rem3A_439 : i32
      %mul3A_450 = arith.constant 16 : i32
      %mul3A_451 = arith.muli %select_n3A_449, %mul3A_450 : i32
      %add3A_452 = arith.constant 32 : i32
      %add3A_453 = arith.addi %add3A_452, %select_n3A_433 : i32
      %get3A_454 = arith.constant 0 : i32
      %get3A_455 = arith.constant 0 : i32
      %get3A_456 = arith.index_cast %select_n3A_433 : i32 to index
      %get3A_457 = arith.index_cast %get3A_454 : i32 to index
      %get3A_458 = arith.index_cast %get3A_455 : i32 to index
      %get3A_459 = arith.index_cast %mul3A_451 : i32 to index
      %get3A_460 = tpu.vector_load %arg5[%get3A_456, %get3A_457, %get3A_458, %get3A_459] {strides = array<i32>} : memref<16x8x2x128xf32, #tpu.memory_space<vmem>>, vector<16xf32>,
      %get3A_461 = arith.constant 0 : i32
      %get3A_462 = arith.constant 1 : i32
      %get3A_463 = arith.index_cast %select_n3A_433 : i32 to index
      %get3A_464 = arith.index_cast %get3A_461 : i32 to index
      %get3A_465 = arith.index_cast %get3A_462 : i32 to index
      %get3A_466 = arith.index_cast %mul3A_451 : i32 to index
      %get3A_467 = tpu.vector_load %arg5[%get3A_463, %get3A_464, %get3A_465, %get3A_466] {strides = array<i32>} : memref<16x8x2x128xf32, #tpu.memory_space<vmem>>, vector<16xf32>,
      %get3A_468 = arith.constant 1 : i32
      %get3A_469 = arith.constant 0 : i32
      %get3A_470 = arith.index_cast %select_n3A_433 : i32 to index
      %get3A_471 = arith.index_cast %get3A_468 : i32 to index
      %get3A_472 = arith.index_cast %get3A_469 : i32 to index
      %get3A_473 = arith.index_cast %mul3A_451 : i32 to index
      %get3A_474 = tpu.vector_load %arg5[%get3A_470, %get3A_471, %get3A_472, %get3A_473] {strides = array<i32>} : memref<16x8x2x128xf32, #tpu.memory_space<vmem>>, vector<16xf32>,
      %get3A_475 = arith.constant 1 : i32
      %get3A_476 = arith.constant 1 : i32
      %get3A_477 = arith.index_cast %select_n3A_433 : i32 to index
      %get3A_478 = arith.index_cast %get3A_475 : i32 to index
      %get3A_479 = arith.index_cast %get3A_476 : i32 to index
      %get3A_480 = arith.index_cast %mul3A_451 : i32 to index
      %get3A_481 = tpu.vector_load %arg5[%get3A_477, %get3A_478, %get3A_479, %get3A_480] {strides = array<i32>} : memref<16x8x2x128xf32, #tpu.memory_space<vmem>>, vector<16xf32>,
      %get3A_482 = arith.constant 2 : i32
      %get3A_483 = arith.constant 0 : i32
      %get3A_484 = arith.index_cast %select_n3A_433 : i32 to index
      %get3A_485 = arith.index_cast %get3A_482 : i32 to index
      %get3A_486 = arith.index_cast %get3A_483 : i32 to index
      %get3A_487 = arith.index_cast %mul3A_451 : i32 to index
      %get3A_488 = tpu.vector_load %arg5[%get3A_484, %get3A_485, %get3A_486, %get3A_487] {strides = array<i32>} : memref<16x8x2x128xf32, #tpu.memory_space<vmem>>, vector<16xf32>,
      %get3A_489 = arith.constant 2 : i32
      %get3A_490 = arith.constant 1 : i32
      %get3A_491 = arith.index_cast %select_n3A_433 : i32 to index
      %get3A_492 = arith.index_cast %get3A_489 : i32 to index
      %get3A_493 = arith.index_cast %get3A_490 : i32 to index
      %get3A_494 = arith.index_cast %mul3A_451 : i32 to index
      %get3A_495 = tpu.vector_load %arg5[%get3A_491, %get3A_492, %get3A_493, %get3A_494] {strides = array<i32>} : memref<16x8x2x128xf32, #tpu.memory_space<vmem>>, vector<16xf32>,
      %get3A_496 = arith.constant 3 : i32
      %get3A_497 = arith.constant 0 : i32
      %get3A_498 = arith.index_cast %select_n3A_433 : i32 to index
      %get3A_499 = arith.index_cast %get3A_496 : i32 to index
      %get3A_500 = arith.index_cast %get3A_497 : i32 to index
      %get3A_501 = arith.index_cast %mul3A_451 : i32 to index
      %get3A_502 = tpu.vector_load %arg5[%get3A_498, %get3A_499, %get3A_500, %get3A_501] {strides = array<i32>} : memref<16x8x2x128xf32, #tpu.memory_space<vmem>>, vector<16xf32>,
      %get3A_503 = arith.constant 3 : i32
      %get3A_504 = arith.constant 1 : i32
      %get3A_505 = arith.index_cast %select_n3A_433 : i32 to index
      %get3A_506 = arith.index_cast %get3A_503 : i32 to index
      %get3A_507 = arith.index_cast %get3A_504 : i32 to index
      %get3A_508 = arith.index_cast %mul3A_451 : i32 to index
      %get3A_509 = tpu.vector_load %arg5[%get3A_505, %get3A_506, %get3A_507, %get3A_508] {strides = array<i32>} : memref<16x8x2x128xf32, #tpu.memory_space<vmem>>, vector<16xf32>,
      %get3A_510 = arith.constant 4 : i32
      %get3A_511 = arith.constant 0 : i32
      %get3A_512 = arith.index_cast %select_n3A_433 : i32 to index
      %get3A_513 = arith.index_cast %get3A_510 : i32 to index
      %get3A_514 = arith.index_cast %get3A_511 : i32 to index
      %get3A_515 = arith.index_cast %mul3A_451 : i32 to index
      %get3A_516 = tpu.vector_load %arg5[%get3A_512, %get3A_513, %get3A_514, %get3A_515] {strides = array<i32>} : memref<16x8x2x128xf32, #tpu.memory_space<vmem>>, vector<16xf32>,
      %get3A_517 = arith.constant 4 : i32
      %get3A_518 = arith.constant 1 : i32
      %get3A_519 = arith.index_cast %select_n3A_433 : i32 to index
      %get3A_520 = arith.index_cast %get3A_517 : i32 to index
      %get3A_521 = arith.index_cast %get3A_518 : i32 to index
      %get3A_522 = arith.index_cast %mul3A_451 : i32 to index
      %get3A_523 = tpu.vector_load %arg5[%get3A_519, %get3A_520, %get3A_521, %get3A_522] {strides = array<i32>} : memref<16x8x2x128xf32, #tpu.memory_space<vmem>>, vector<16xf32>,
      %get3A_524 = arith.constant 5 : i32
      %get3A_525 = arith.constant 0 : i32
      %get3A_526 = arith.index_cast %select_n3A_433 : i32 to index
      %get3A_527 = arith.index_cast %get3A_524 : i32 to index
      %get3A_528 = arith.index_cast %get3A_525 : i32 to index
      %get3A_529 = arith.index_cast %mul3A_451 : i32 to index
      %get3A_530 = tpu.vector_load %arg5[%get3A_526, %get3A_527, %get3A_528, %get3A_529] {strides = array<i32>} : memref<16x8x2x128xf32, #tpu.memory_space<vmem>>, vector<16xf32>,
      %get3A_531 = arith.constant 5 : i32
      %get3A_532 = arith.constant 1 : i32
      %get3A_533 = arith.index_cast %select_n3A_433 : i32 to index
      %get3A_534 = arith.index_cast %get3A_531 : i32 to index
      %get3A_535 = arith.index_cast %get3A_532 : i32 to index
      %get3A_536 = arith.index_cast %mul3A_451 : i32 to index
      %get3A_537 = tpu.vector_load %arg5[%get3A_533, %get3A_534, %get3A_535, %get3A_536] {strides = array<i32>} : memref<16x8x2x128xf32, #tpu.memory_space<vmem>>, vector<16xf32>,
      %get3A_538 = arith.constant 6 : i32
      %get3A_539 = arith.constant 0 : i32
      %get3A_540 = arith.index_cast %select_n3A_433 : i32 to index
      %get3A_541 = arith.index_cast %get3A_538 : i32 to index
      %get3A_542 = arith.index_cast %get3A_539 : i32 to index
      %get3A_543 = arith.index_cast %mul3A_451 : i32 to index
      %get3A_544 = tpu.vector_load %arg5[%get3A_540, %get3A_541, %get3A_542, %get3A_543] {strides = array<i32>} : memref<16x8x2x128xf32, #tpu.memory_space<vmem>>, vector<16xf32>,
      %get3A_545 = arith.constant 6 : i32
      %get3A_546 = arith.constant 1 : i32
      %get3A_547 = arith.index_cast %select_n3A_433 : i32 to index
      %get3A_548 = arith.index_cast %get3A_545 : i32 to index
      %get3A_549 = arith.index_cast %get3A_546 : i32 to index
      %get3A_550 = arith.index_cast %mul3A_451 : i32 to index
      %get3A_551 = tpu.vector_load %arg5[%get3A_547, %get3A_548, %get3A_549, %get3A_550] {strides = array<i32>} : memref<16x8x2x128xf32, #tpu.memory_space<vmem>>, vector<16xf32>,
      %get3A_552 = arith.constant 7 : i32
      %get3A_553 = arith.constant 0 : i32
      %get3A_554 = arith.index_cast %select_n3A_433 : i32 to index
      %get3A_555 = arith.index_cast %get3A_552 : i32 to index
      %get3A_556 = arith.index_cast %get3A_553 : i32 to index
      %get3A_557 = arith.index_cast %mul3A_451 : i32 to index
      %get3A_558 = tpu.vector_load %arg5[%get3A_554, %get3A_555, %get3A_556, %get3A_557] {strides = array<i32>} : memref<16x8x2x128xf32, #tpu.memory_space<vmem>>, vector<16xf32>,
      %get3A_559 = arith.constant 7 : i32
      %get3A_560 = arith.constant 1 : i32
      %get3A_561 = arith.index_cast %select_n3A_433 : i32 to index
      %get3A_562 = arith.index_cast %get3A_559 : i32 to index
      %get3A_563 = arith.index_cast %get3A_560 : i32 to index
      %get3A_564 = arith.index_cast %mul3A_451 : i32 to index
      %get3A_565 = tpu.vector_load %arg5[%get3A_561, %get3A_562, %get3A_563, %get3A_564] {strides = array<i32>} : memref<16x8x2x128xf32, #tpu.memory_space<vmem>>, vector<16xf32>,
      %add3A_566 = arith.addf %get3A_460, %get3A_467 : vector<16xf32>
      %add3A_567 = arith.addf %get3A_474, %get3A_481 : vector<16xf32>
      %add3A_568 = arith.addf %get3A_488, %get3A_495 : vector<16xf32>
      %add3A_569 = arith.addf %get3A_502, %get3A_509 : vector<16xf32>
      %add3A_570 = arith.addf %get3A_516, %get3A_523 : vector<16xf32>
      %add3A_571 = arith.addf %get3A_530, %get3A_537 : vector<16xf32>
      %add3A_572 = arith.addf %get3A_544, %get3A_551 : vector<16xf32>
      %add3A_573 = arith.addf %get3A_558, %get3A_565 : vector<16xf32>
      %add3A_574 = arith.addf %add3A_566, %add3A_567 : vector<16xf32>
      %add3A_575 = arith.addf %add3A_568, %add3A_569 : vector<16xf32>
      %add3A_576 = arith.addf %add3A_570, %add3A_571 : vector<16xf32>
      %add3A_577 = arith.addf %add3A_572, %add3A_573 : vector<16xf32>
      %add3A_578 = arith.addf %add3A_574, %add3A_575 : vector<16xf32>
      %add3A_579 = arith.addf %add3A_576, %add3A_577 : vector<16xf32>
      %add3A_580 = arith.addf %add3A_578, %add3A_579 : vector<16xf32>
      %sub3A_581 = arith.subf %get3A_558, %get3A_460 : vector<16xf32>
      %sub3A_582 = arith.subf %get3A_565, %get3A_467 : vector<16xf32>
      %mul3A_583 = arith.mulf %sub3A_581, %sub3A_581 : vector<16xf32>
      %mul3A_584 = arith.mulf %sub3A_582, %sub3A_582 : vector<16xf32>
      %add3A_585 = arith.addf %mul3A_583, %mul3A_584 : vector<16xf32>
      %bitcast_convert_type3A_586 = tpu.bitcast %add3A_585 : vector<16xf32> -> vector<16xi32>
      %shift_right_arithmetic3A_587 = arith.constant 1 : i32
      %shift_right_arithmetic3A_588 = vector.broadcast %shift_right_arithmetic3A_587 : i32 to vector<16xi32>
      %shift_right_arithmetic3A_589 = arith.shrsi %bitcast_convert_type3A_586, %shift_right_arithmetic3A_588 : vector<16xi32>
      %sub3A_590 = arith.constant 1597463007 : i32
      %sub3A_591 = vector.broadcast %sub3A_590 : i32 to vector<16xi32>
      %sub3A_592 = arith.subi %sub3A_591, %shift_right_arithmetic3A_589 : vector<16xi32>
      %bitcast_convert_type3A_593 = tpu.bitcast %sub3A_592 : vector<16xi32> -> vector<16xf32>
      %mul3A_594 = arith.constant 5.000000e-01 : f32
      %mul3A_595 = vector.broadcast %mul3A_594 : f32 to vector<16xf32>
      %mul3A_596 = arith.mulf %add3A_585, %mul3A_595 : vector<16xf32>
      %mul3A_597 = arith.mulf %mul3A_596, %bitcast_convert_type3A_593 : vector<16xf32>
      %mul3A_598 = arith.mulf %mul3A_597, %bitcast_convert_type3A_593 : vector<16xf32>
      %sub3A_599 = arith.constant 1.500000e+00 : f32
      %sub3A_600 = vector.broadcast %sub3A_599 : f32 to vector<16xf32>
      %sub3A_601 = arith.subf %sub3A_600, %mul3A_598 : vector<16xf32>
      %mul3A_602 = arith.mulf %bitcast_convert_type3A_593, %sub3A_601 : vector<16xf32>
      %mul3A_603 = arith.mulf %mul3A_596, %mul3A_602 : vector<16xf32>
      %mul3A_604 = arith.mulf %mul3A_603, %mul3A_602 : vector<16xf32>
      %sub3A_605 = arith.constant 1.500000e+00 : f32
      %sub3A_606 = vector.broadcast %sub3A_605 : f32 to vector<16xf32>
      %sub3A_607 = arith.subf %sub3A_606, %mul3A_604 : vector<16xf32>
      %mul3A_608 = arith.mulf %mul3A_602, %sub3A_607 : vector<16xf32>
      %mul3A_609 = arith.mulf %add3A_585, %mul3A_608 : vector<16xf32>
      %mul3A_610 = arith.mulf %get3A_558, %get3A_558 : vector<16xf32>
      %mul3A_611 = arith.mulf %get3A_565, %get3A_565 : vector<16xf32>
      %add3A_612 = arith.addf %mul3A_610, %mul3A_611 : vector<16xf32>
      %bitcast_convert_type3A_613 = tpu.bitcast %add3A_612 : vector<16xf32> -> vector<16xi32>
      %shift_right_arithmetic3A_614 = arith.constant 1 : i32
      %shift_right_arithmetic3A_615 = vector.broadcast %shift_right_arithmetic3A_614 : i32 to vector<16xi32>
      %shift_right_arithmetic3A_616 = arith.shrsi %bitcast_convert_type3A_613, %shift_right_arithmetic3A_615 : vector<16xi32>
      %sub3A_617 = arith.constant 1597463007 : i32
      %sub3A_618 = vector.broadcast %sub3A_617 : i32 to vector<16xi32>
      %sub3A_619 = arith.subi %sub3A_618, %shift_right_arithmetic3A_616 : vector<16xi32>
      %bitcast_convert_type3A_620 = tpu.bitcast %sub3A_619 : vector<16xi32> -> vector<16xf32>
      %mul3A_621 = arith.constant 5.000000e-01 : f32
      %mul3A_622 = vector.broadcast %mul3A_621 : f32 to vector<16xf32>
      %mul3A_623 = arith.mulf %add3A_612, %mul3A_622 : vector<16xf32>
      %mul3A_624 = arith.mulf %mul3A_623, %bitcast_convert_type3A_620 : vector<16xf32>
      %mul3A_625 = arith.mulf %mul3A_624, %bitcast_convert_type3A_620 : vector<16xf32>
      %sub3A_626 = arith.constant 1.500000e+00 : f32
      %sub3A_627 = vector.broadcast %sub3A_626 : f32 to vector<16xf32>
      %sub3A_628 = arith.subf %sub3A_627, %mul3A_625 : vector<16xf32>
      %mul3A_629 = arith.mulf %bitcast_convert_type3A_620, %sub3A_628 : vector<16xf32>
      %mul3A_630 = arith.mulf %mul3A_623, %mul3A_629 : vector<16xf32>
      %mul3A_631 = arith.mulf %mul3A_630, %mul3A_629 : vector<16xf32>
      %sub3A_632 = arith.constant 1.500000e+00 : f32
      %sub3A_633 = vector.broadcast %sub3A_632 : f32 to vector<16xf32>
      %sub3A_634 = arith.subf %sub3A_633, %mul3A_631 : vector<16xf32>
      %mul3A_635 = arith.mulf %mul3A_629, %sub3A_634 : vector<16xf32>
      %mul3A_636 = arith.mulf %add3A_612, %mul3A_635 : vector<16xf32>
      %abs3A_637 = math.absf %get3A_558 : vector<16xf32>
      %abs3A_638 = math.absf %get3A_565 : vector<16xf32>
      %max3A_639 = arith.maximumf %abs3A_637, %abs3A_638 : vector<16xf32>
      %min3A_640 = arith.minimumf %abs3A_637, %abs3A_638 : vector<16xf32>
      %mul3A_641 = arith.constant 0.414213568 : f32
      %mul3A_642 = vector.broadcast %mul3A_641 : f32 to vector<16xf32>
      %mul3A_643 = arith.mulf %mul3A_642, %max3A_639 : vector<16xf32>
      %gt3A_644 = arith.cmpf ogt, %min3A_640, %mul3A_643 : vector<16xf32>
      %sub3A_645 = arith.subf %min3A_640, %max3A_639 : vector<16xf32>
      %select_n3A_646 = arith.select %gt3A_644, %sub3A_645, %min3A_640 : vector<16xi1>, vector<16xf32>
      %add3A_647 = arith.addf %min3A_640, %max3A_639 : vector<16xf32>
      %select_n3A_648 = arith.select %gt3A_644, %add3A_647, %max3A_639 : vector<16xi1>, vector<16xf32>
      %max3A_649 = arith.constant 9.99999991E-38 : f32
      %max3A_650 = vector.broadcast %max3A_649 : f32 to vector<16xf32>
      %max3A_651 = arith.maximumf %select_n3A_648, %max3A_650 : vector<16xf32>
      %div3A_652 = arith.divf %select_n3A_646, %max3A_651 : vector<16xf32>
      %mul3A_653 = arith.mulf %div3A_652, %div3A_652 : vector<16xf32>
      %mul3A_654 = arith.constant 0.000000e+00 : f32
      %mul3A_655 = vector.broadcast %mul3A_654 : f32 to vector<16xf32>
      %mul3A_656 = arith.mulf %mul3A_653, %mul3A_655 : vector<16xf32>
      %add3A_657 = arith.constant -0.0909090936 : f32
      %add3A_658 = vector.broadcast %add3A_657 : f32 to vector<16xf32>
      %add3A_659 = arith.addf %add3A_658, %mul3A_656 : vector<16xf32>
      %mul3A_660 = arith.mulf %mul3A_653, %add3A_659 : vector<16xf32>
      %add3A_661 = arith.constant 0.111111112 : f32
      %add3A_662 = vector.broadcast %add3A_661 : f32 to vector<16xf32>
      %add3A_663 = arith.addf %add3A_662, %mul3A_660 : vector<16xf32>
      %mul3A_664 = arith.mulf %mul3A_653, %add3A_663 : vector<16xf32>
      %add3A_665 = arith.constant -0.142857149 : f32
      %add3A_666 = vector.broadcast %add3A_665 : f32 to vector<16xf32>
      %add3A_667 = arith.addf %add3A_666, %mul3A_664 : vector<16xf32>
      %mul3A_668 = arith.mulf %mul3A_653, %add3A_667 : vector<16xf32>
      %add3A_669 = arith.constant 2.000000e-01 : f32
      %add3A_670 = vector.broadcast %add3A_669 : f32 to vector<16xf32>
      %add3A_671 = arith.addf %add3A_670, %mul3A_668 : vector<16xf32>
      %mul3A_672 = arith.mulf %mul3A_653, %add3A_671 : vector<16xf32>
      %add3A_673 = arith.constant -0.333333343 : f32
      %add3A_674 = vector.broadcast %add3A_673 : f32 to vector<16xf32>
      %add3A_675 = arith.addf %add3A_674, %mul3A_672 : vector<16xf32>
      %mul3A_676 = arith.mulf %mul3A_653, %add3A_675 : vector<16xf32>
      %mul3A_677 = arith.mulf %div3A_652, %mul3A_676 : vector<16xf32>
      %add3A_678 = arith.addf %div3A_652, %mul3A_677 : vector<16xf32>
      %add3A_679 = arith.constant 0.785398185 : f32
      %add3A_680 = vector.broadcast %add3A_679 : f32 to vector<16xf32>
      %add3A_681 = arith.addf %add3A_680, %add3A_678 : vector<16xf32>
      %select_n3A_682 = arith.select %gt3A_644, %add3A_681, %add3A_678 : vector<16xi1>, vector<16xf32>
      %gt3A_683 = arith.cmpf ogt, %abs3A_637, %abs3A_638 : vector<16xf32>
      %sub3A_684 = arith.constant 1.57079637 : f32
      %sub3A_685 = vector.broadcast %sub3A_684 : f32 to vector<16xf32>
      %sub3A_686 = arith.subf %sub3A_685, %select_n3A_682 : vector<16xf32>
      %select_n3A_687 = arith.select %gt3A_683, %sub3A_686, %select_n3A_682 : vector<16xi1>, vector<16xf32>
      %lt3A_688 = arith.constant 0.000000e+00 : f32
      %lt3A_689 = vector.broadcast %lt3A_688 : f32 to vector<16xf32>
      %lt3A_690 = arith.cmpf olt, %get3A_565, %lt3A_689 : vector<16xf32>
      %sub3A_691 = arith.constant 3.14159274 : f32
      %sub3A_692 = vector.broadcast %sub3A_691 : f32 to vector<16xf32>
      %sub3A_693 = arith.subf %sub3A_692, %select_n3A_687 : vector<16xf32>
      %select_n3A_694 = arith.select %lt3A_690, %sub3A_693, %select_n3A_687 : vector<16xi1>, vector<16xf32>
      %lt3A_695 = arith.constant 0.000000e+00 : f32
      %lt3A_696 = vector.broadcast %lt3A_695 : f32 to vector<16xf32>
      %lt3A_697 = arith.cmpf olt, %get3A_558, %lt3A_696 : vector<16xf32>
      %sub3A_698 = arith.constant 6.28318548 : f32
      %sub3A_699 = vector.broadcast %sub3A_698 : f32 to vector<16xf32>
      %sub3A_700 = arith.subf %sub3A_699, %select_n3A_694 : vector<16xf32>
      %select_n3A_701 = arith.select %lt3A_697, %sub3A_700, %select_n3A_694 : vector<16xi1>, vector<16xf32>
      %swap3A_702 = arith.index_cast %add3A_453 : i32 to index
      %swap3A_703 = arith.index_cast %mul3A_451 : i32 to index
      %swap3A_704 = tpu.vector_load %arg8[%swap3A_702, %swap3A_703] {strides = array<i32>} : memref<64x128xf32, #tpu.memory_space<vmem>>, vector<16xf32>,
      tpu.vector_store %arg8[%swap3A_702, %swap3A_703], %select_n3A_701 {strides = array<i32>} : memref<64x128xf32, #tpu.memory_space<vmem>>, vector<16xf32>,
      %mul3A_705 = arith.constant 1.27323949 : f32
      %mul3A_706 = vector.broadcast %mul3A_705 : f32 to vector<16xf32>
      %mul3A_707 = arith.mulf %select_n3A_701, %mul3A_706 : vector<16xf32>
      %convert_element_type3A_708 = arith.fptosi %mul3A_707 : vector<16xf32> to vector<16xi32>
      %ne3A_709 = arith.constant 0.000000e+00 : f32
      %ne3A_710 = vector.broadcast %ne3A_709 : f32 to vector<16xf32>
      %ne3A_711 = arith.cmpf one, %add3A_580, %ne3A_710 : vector<16xf32>
      %jit3A_712 = arith.constant -1 : i32
      %broadcast_in_dim3A_713 = vector.broadcast %jit3A_712 : i32 to vector<16xi32>
      %select_n3A_714 = arith.select %ne3A_711, %convert_element_type3A_708, %broadcast_in_dim3A_713 : vector<16xi1>, vector<16xi32>
      %ge3A_715 = arith.constant 0 : i32
      %ge3A_716 = vector.broadcast %ge3A_715 : i32 to vector<16xi32>
      %ge3A_717 = arith.cmpi sge, %select_n3A_714, %ge3A_716 : vector<16xi32>
      %lt3A_718 = arith.constant 8 : i32
      %lt3A_719 = vector.broadcast %lt3A_718 : i32 to vector<16xi32>
      %lt3A_720 = arith.cmpi slt, %select_n3A_714, %lt3A_719 : vector<16xi32>
      %and3A_721 = arith.andi %ge3A_717, %lt3A_720 : vector<16xi1>
      %mul3A_722 = arith.constant 128 : i32
      %mul3A_723 = vector.broadcast %mul3A_722 : i32 to vector<16xi32>
      %mul3A_724 = arith.muli %select_n3A_714, %mul3A_723 : vector<16xi32>
      %add3A_725 = vector.broadcast %mul3A_451 : i32 to vector<16xi32>
      %add3A_726 = arith.addi %add3A_725, %iota3A : vector<16xi32>
      %add3A_727 = arith.addi %mul3A_724, %add3A_726 : vector<16xi32>
      tpu.vector_store_idx %arg9[%add3A_727], %mul3A_609 masked %and3A_721 {add = true} : memref<1024xf32, #tpu.memory_space<vmem>>[vector<16xi32>], vector<16xf32>, vector<16xi1>
      tpu.vector_store_idx %arg10[%add3A_727], %mul3A_636 masked %and3A_721 {add = true} : memref<1024xf32, #tpu.memory_space<vmem>>[vector<16xi32>], vector<16xf32>, vector<16xi1>
      tpu.vector_store_idx %arg11[%add3A_727], %select_n3A_701 masked %and3A_721 {add = true} : memref<1024xf32, #tpu.memory_space<vmem>>[vector<16xi32>], vector<16xf32>, vector<16xi1>
      tpu.vector_store_idx %arg12[%add3A_727], %broadcast_in_dim3A_3 masked %and3A_721 {add = true} : memref<1024xf32, #tpu.memory_space<vmem>>[vector<16xi32>], vector<16xf32>, vector<16xi1>
    }
    %scan3A_82 = arith.constant 64 : i32
    %dma_wait3A_83 = arith.constant 48 : i32
    %dma_wait3A_84 = arith.constant 0 : i32
    %dma_wait3A_85 = arith.constant 0 : i32
    %dma_wait3A_86 = tpu.memref_slice %arg2[%dma_wait3A_83, %dma_wait3A_84, %dma_wait3A_85, %mul3A_2] : memref<64x8x2x4096xf32, #tpu.memory_space<hbm>> -> memref<16x8x2x128xf32, #tpu.memory_space<hbm>>
    %dma_wait3A_87 = arith.constant 48 : i32
    %dma_wait3A_88 = arith.constant 0 : i32
    %dma_wait3A_89 = arith.constant 0 : i32
    %dma_wait3A_90 = tpu.memref_slice %arg2[%dma_wait3A_87, %dma_wait3A_88, %dma_wait3A_89, %mul3A_2] : memref<64x8x2x4096xf32, #tpu.memory_space<hbm>> -> memref<16x8x2x128xf32, #tpu.memory_space<hbm>>
    tpu.wait_dma2 semaphore(%arg14 : memref<!tpu.dma_semaphore, #tpu.memory_space<semaphore_mem>>) src(%dma_wait3A_90 : memref<16x8x2x128xf32, #tpu.memory_space<hbm>>) dst(%arg6 : memref<16x8x2x128xf32, #tpu.memory_space<vmem>>)
    %scan3A_91 = arith.constant 0 : i32
    %scan3A_92 = arith.constant 0 : i32
    %scan3A_93 = arith.constant 64 : i32
    %scan3A_94 = arith.addi %scan3A_92, %scan3A_93 : i32
    %scan3A_95 = arith.constant 1 : i32
    scf.for %scan3A_103 = %scan3A_92 to %scan3A_94 step %scan3A_95  : i32 {
      %mul3A_104 = arith.constant 2 : i32
      %mul3A_105 = arith.muli %scan3A_103, %mul3A_104 : i32
      %add3A_106 = arith.constant 0 : i32
      %add3A_107 = arith.addi %mul3A_105, %add3A_106 : i32
      %jit3A = arith.constant 8 : i32
      %div3A = arith.divsi %add3A_107, %jit3A : i32
      %sign3A = arith.constant 0 : i32
      %sign3A_108 = arith.cmpi sgt, %add3A_107, %sign3A : i32
      %sign3A_109 = arith.extui %sign3A_108 : i1 to i32
      %sign3A_110 = arith.constant 0 : i32
      %sign3A_111 = arith.cmpi slt, %add3A_107, %sign3A_110 : i32
      %sign3A_112 = arith.extui %sign3A_111 : i1 to i32
      %sign3A_113 = arith.subi %sign3A_109, %sign3A_112 : i32
      %sign3A_114 = arith.constant 0 : i32
      %sign3A_115 = arith.cmpi sgt, %jit3A, %sign3A_114 : i32
      %sign3A_116 = arith.extui %sign3A_115 : i1 to i32
      %sign3A_117 = arith.constant 0 : i32
      %sign3A_118 = arith.cmpi slt, %jit3A, %sign3A_117 : i32
      %sign3A_119 = arith.extui %sign3A_118 : i1 to i32
      %sign3A_120 = arith.subi %sign3A_116, %sign3A_119 : i32
      %ne3A = arith.cmpi ne, %sign3A_113, %sign3A_120 : i32
      %rem3A = arith.remsi %add3A_107, %jit3A : i32
      %ne3A_121 = arith.constant 0 : i32
      %ne3A_122 = arith.cmpi ne, %rem3A, %ne3A_121 : i32
      %and3A = arith.andi %ne3A, %ne3A_122 : i1
      %sub3A = arith.constant 1 : i32
      %sub3A_123 = arith.subi %div3A, %sub3A : i32
      %select_n3A = arith.select %and3A, %sub3A_123, %div3A : i32
      %jit3A_124 = arith.constant 8 : i32
      %eq3A = arith.constant 0 : i32
      %eq3A_125 = arith.cmpi eq, %jit3A_124, %eq3A : i32
      %jit3A_126 = arith.constant 1 : i32
      %select_n3A_127 = arith.select %eq3A_125, %jit3A_126, %jit3A_124 : i32
      %rem3A_128 = arith.remsi %add3A_107, %select_n3A_127 : i32
      %ne3A_129 = arith.constant 0 : i32
      %ne3A_130 = arith.cmpi ne, %rem3A_128, %ne3A_129 : i32
      %lt3A = arith.constant 0 : i32
      %lt3A_131 = arith.cmpi slt, %rem3A_128, %lt3A : i32
      %lt3A_132 = arith.constant 0 : i32
      %lt3A_133 = arith.cmpi slt, %select_n3A_127, %lt3A_132 : i32
      %ne3A_134 = arith.xori %lt3A_131, %lt3A_133 : i1
      %and3A_135 = arith.andi %ne3A_134, %ne3A_130 : i1
      %add3A_136 = arith.addi %rem3A_128, %select_n3A_127 : i32
      %select_n3A_137 = arith.select %and3A_135, %add3A_136, %rem3A_128 : i32
      %mul3A_138 = arith.constant 16 : i32
      %mul3A_139 = arith.muli %select_n3A_137, %mul3A_138 : i32
      %add3A_140 = arith.constant 48 : i32
      %add3A_141 = arith.addi %add3A_140, %select_n3A : i32
      %get3A = arith.constant 0 : i32
      %get3A_142 = arith.constant 0 : i32
      %get3A_143 = arith.index_cast %select_n3A : i32 to index
      %get3A_144 = arith.index_cast %get3A : i32 to index
      %get3A_145 = arith.index_cast %get3A_142 : i32 to index
      %get3A_146 = arith.index_cast %mul3A_139 : i32 to index
      %get3A_147 = tpu.vector_load %arg6[%get3A_143, %get3A_144, %get3A_145, %get3A_146] {strides = array<i32>} : memref<16x8x2x128xf32, #tpu.memory_space<vmem>>, vector<16xf32>,
      %get3A_148 = arith.constant 0 : i32
      %get3A_149 = arith.constant 1 : i32
      %get3A_150 = arith.index_cast %select_n3A : i32 to index
      %get3A_151 = arith.index_cast %get3A_148 : i32 to index
      %get3A_152 = arith.index_cast %get3A_149 : i32 to index
      %get3A_153 = arith.index_cast %mul3A_139 : i32 to index
      %get3A_154 = tpu.vector_load %arg6[%get3A_150, %get3A_151, %get3A_152, %get3A_153] {strides = array<i32>} : memref<16x8x2x128xf32, #tpu.memory_space<vmem>>, vector<16xf32>,
      %get3A_155 = arith.constant 1 : i32
      %get3A_156 = arith.constant 0 : i32
      %get3A_157 = arith.index_cast %select_n3A : i32 to index
      %get3A_158 = arith.index_cast %get3A_155 : i32 to index
      %get3A_159 = arith.index_cast %get3A_156 : i32 to index
      %get3A_160 = arith.index_cast %mul3A_139 : i32 to index
      %get3A_161 = tpu.vector_load %arg6[%get3A_157, %get3A_158, %get3A_159, %get3A_160] {strides = array<i32>} : memref<16x8x2x128xf32, #tpu.memory_space<vmem>>, vector<16xf32>,
      %get3A_162 = arith.constant 1 : i32
      %get3A_163 = arith.constant 1 : i32
      %get3A_164 = arith.index_cast %select_n3A : i32 to index
      %get3A_165 = arith.index_cast %get3A_162 : i32 to index
      %get3A_166 = arith.index_cast %get3A_163 : i32 to index
      %get3A_167 = arith.index_cast %mul3A_139 : i32 to index
      %get3A_168 = tpu.vector_load %arg6[%get3A_164, %get3A_165, %get3A_166, %get3A_167] {strides = array<i32>} : memref<16x8x2x128xf32, #tpu.memory_space<vmem>>, vector<16xf32>,
      %get3A_169 = arith.constant 2 : i32
      %get3A_170 = arith.constant 0 : i32
      %get3A_171 = arith.index_cast %select_n3A : i32 to index
      %get3A_172 = arith.index_cast %get3A_169 : i32 to index
      %get3A_173 = arith.index_cast %get3A_170 : i32 to index
      %get3A_174 = arith.index_cast %mul3A_139 : i32 to index
      %get3A_175 = tpu.vector_load %arg6[%get3A_171, %get3A_172, %get3A_173, %get3A_174] {strides = array<i32>} : memref<16x8x2x128xf32, #tpu.memory_space<vmem>>, vector<16xf32>,
      %get3A_176 = arith.constant 2 : i32
      %get3A_177 = arith.constant 1 : i32
      %get3A_178 = arith.index_cast %select_n3A : i32 to index
      %get3A_179 = arith.index_cast %get3A_176 : i32 to index
      %get3A_180 = arith.index_cast %get3A_177 : i32 to index
      %get3A_181 = arith.index_cast %mul3A_139 : i32 to index
      %get3A_182 = tpu.vector_load %arg6[%get3A_178, %get3A_179, %get3A_180, %get3A_181] {strides = array<i32>} : memref<16x8x2x128xf32, #tpu.memory_space<vmem>>, vector<16xf32>,
      %get3A_183 = arith.constant 3 : i32
      %get3A_184 = arith.constant 0 : i32
      %get3A_185 = arith.index_cast %select_n3A : i32 to index
      %get3A_186 = arith.index_cast %get3A_183 : i32 to index
      %get3A_187 = arith.index_cast %get3A_184 : i32 to index
      %get3A_188 = arith.index_cast %mul3A_139 : i32 to index
      %get3A_189 = tpu.vector_load %arg6[%get3A_185, %get3A_186, %get3A_187, %get3A_188] {strides = array<i32>} : memref<16x8x2x128xf32, #tpu.memory_space<vmem>>, vector<16xf32>,
      %get3A_190 = arith.constant 3 : i32
      %get3A_191 = arith.constant 1 : i32
      %get3A_192 = arith.index_cast %select_n3A : i32 to index
      %get3A_193 = arith.index_cast %get3A_190 : i32 to index
      %get3A_194 = arith.index_cast %get3A_191 : i32 to index
      %get3A_195 = arith.index_cast %mul3A_139 : i32 to index
      %get3A_196 = tpu.vector_load %arg6[%get3A_192, %get3A_193, %get3A_194, %get3A_195] {strides = array<i32>} : memref<16x8x2x128xf32, #tpu.memory_space<vmem>>, vector<16xf32>,
      %get3A_197 = arith.constant 4 : i32
      %get3A_198 = arith.constant 0 : i32
      %get3A_199 = arith.index_cast %select_n3A : i32 to index
      %get3A_200 = arith.index_cast %get3A_197 : i32 to index
      %get3A_201 = arith.index_cast %get3A_198 : i32 to index
      %get3A_202 = arith.index_cast %mul3A_139 : i32 to index
      %get3A_203 = tpu.vector_load %arg6[%get3A_199, %get3A_200, %get3A_201, %get3A_202] {strides = array<i32>} : memref<16x8x2x128xf32, #tpu.memory_space<vmem>>, vector<16xf32>,
      %get3A_204 = arith.constant 4 : i32
      %get3A_205 = arith.constant 1 : i32
      %get3A_206 = arith.index_cast %select_n3A : i32 to index
      %get3A_207 = arith.index_cast %get3A_204 : i32 to index
      %get3A_208 = arith.index_cast %get3A_205 : i32 to index
      %get3A_209 = arith.index_cast %mul3A_139 : i32 to index
      %get3A_210 = tpu.vector_load %arg6[%get3A_206, %get3A_207, %get3A_208, %get3A_209] {strides = array<i32>} : memref<16x8x2x128xf32, #tpu.memory_space<vmem>>, vector<16xf32>,
      %get3A_211 = arith.constant 5 : i32
      %get3A_212 = arith.constant 0 : i32
      %get3A_213 = arith.index_cast %select_n3A : i32 to index
      %get3A_214 = arith.index_cast %get3A_211 : i32 to index
      %get3A_215 = arith.index_cast %get3A_212 : i32 to index
      %get3A_216 = arith.index_cast %mul3A_139 : i32 to index
      %get3A_217 = tpu.vector_load %arg6[%get3A_213, %get3A_214, %get3A_215, %get3A_216] {strides = array<i32>} : memref<16x8x2x128xf32, #tpu.memory_space<vmem>>, vector<16xf32>,
      %get3A_218 = arith.constant 5 : i32
      %get3A_219 = arith.constant 1 : i32
      %get3A_220 = arith.index_cast %select_n3A : i32 to index
      %get3A_221 = arith.index_cast %get3A_218 : i32 to index
      %get3A_222 = arith.index_cast %get3A_219 : i32 to index
      %get3A_223 = arith.index_cast %mul3A_139 : i32 to index
      %get3A_224 = tpu.vector_load %arg6[%get3A_220, %get3A_221, %get3A_222, %get3A_223] {strides = array<i32>} : memref<16x8x2x128xf32, #tpu.memory_space<vmem>>, vector<16xf32>,
      %get3A_225 = arith.constant 6 : i32
      %get3A_226 = arith.constant 0 : i32
      %get3A_227 = arith.index_cast %select_n3A : i32 to index
      %get3A_228 = arith.index_cast %get3A_225 : i32 to index
      %get3A_229 = arith.index_cast %get3A_226 : i32 to index
      %get3A_230 = arith.index_cast %mul3A_139 : i32 to index
      %get3A_231 = tpu.vector_load %arg6[%get3A_227, %get3A_228, %get3A_229, %get3A_230] {strides = array<i32>} : memref<16x8x2x128xf32, #tpu.memory_space<vmem>>, vector<16xf32>,
      %get3A_232 = arith.constant 6 : i32
      %get3A_233 = arith.constant 1 : i32
      %get3A_234 = arith.index_cast %select_n3A : i32 to index
      %get3A_235 = arith.index_cast %get3A_232 : i32 to index
      %get3A_236 = arith.index_cast %get3A_233 : i32 to index
      %get3A_237 = arith.index_cast %mul3A_139 : i32 to index
      %get3A_238 = tpu.vector_load %arg6[%get3A_234, %get3A_235, %get3A_236, %get3A_237] {strides = array<i32>} : memref<16x8x2x128xf32, #tpu.memory_space<vmem>>, vector<16xf32>,
      %get3A_239 = arith.constant 7 : i32
      %get3A_240 = arith.constant 0 : i32
      %get3A_241 = arith.index_cast %select_n3A : i32 to index
      %get3A_242 = arith.index_cast %get3A_239 : i32 to index
      %get3A_243 = arith.index_cast %get3A_240 : i32 to index
      %get3A_244 = arith.index_cast %mul3A_139 : i32 to index
      %get3A_245 = tpu.vector_load %arg6[%get3A_241, %get3A_242, %get3A_243, %get3A_244] {strides = array<i32>} : memref<16x8x2x128xf32, #tpu.memory_space<vmem>>, vector<16xf32>,
      %get3A_246 = arith.constant 7 : i32
      %get3A_247 = arith.constant 1 : i32
      %get3A_248 = arith.index_cast %select_n3A : i32 to index
      %get3A_249 = arith.index_cast %get3A_246 : i32 to index
      %get3A_250 = arith.index_cast %get3A_247 : i32 to index
      %get3A_251 = arith.index_cast %mul3A_139 : i32 to index
      %get3A_252 = tpu.vector_load %arg6[%get3A_248, %get3A_249, %get3A_250, %get3A_251] {strides = array<i32>} : memref<16x8x2x128xf32, #tpu.memory_space<vmem>>, vector<16xf32>,
      %add3A_253 = arith.addf %get3A_147, %get3A_154 : vector<16xf32>
      %add3A_254 = arith.addf %get3A_161, %get3A_168 : vector<16xf32>
      %add3A_255 = arith.addf %get3A_175, %get3A_182 : vector<16xf32>
      %add3A_256 = arith.addf %get3A_189, %get3A_196 : vector<16xf32>
      %add3A_257 = arith.addf %get3A_203, %get3A_210 : vector<16xf32>
      %add3A_258 = arith.addf %get3A_217, %get3A_224 : vector<16xf32>
      %add3A_259 = arith.addf %get3A_231, %get3A_238 : vector<16xf32>
      %add3A_260 = arith.addf %get3A_245, %get3A_252 : vector<16xf32>
      %add3A_261 = arith.addf %add3A_253, %add3A_254 : vector<16xf32>
      %add3A_262 = arith.addf %add3A_255, %add3A_256 : vector<16xf32>
      %add3A_263 = arith.addf %add3A_257, %add3A_258 : vector<16xf32>
      %add3A_264 = arith.addf %add3A_259, %add3A_260 : vector<16xf32>
      %add3A_265 = arith.addf %add3A_261, %add3A_262 : vector<16xf32>
      %add3A_266 = arith.addf %add3A_263, %add3A_264 : vector<16xf32>
      %add3A_267 = arith.addf %add3A_265, %add3A_266 : vector<16xf32>
      %sub3A_268 = arith.subf %get3A_245, %get3A_147 : vector<16xf32>
      %sub3A_269 = arith.subf %get3A_252, %get3A_154 : vector<16xf32>
      %mul3A_270 = arith.mulf %sub3A_268, %sub3A_268 : vector<16xf32>
      %mul3A_271 = arith.mulf %sub3A_269, %sub3A_269 : vector<16xf32>
      %add3A_272 = arith.addf %mul3A_270, %mul3A_271 : vector<16xf32>
      %bitcast_convert_type3A = tpu.bitcast %add3A_272 : vector<16xf32> -> vector<16xi32>
      %shift_right_arithmetic3A = arith.constant 1 : i32
      %shift_right_arithmetic3A_273 = vector.broadcast %shift_right_arithmetic3A : i32 to vector<16xi32>
      %shift_right_arithmetic3A_274 = arith.shrsi %bitcast_convert_type3A, %shift_right_arithmetic3A_273 : vector<16xi32>
      %sub3A_275 = arith.constant 1597463007 : i32
      %sub3A_276 = vector.broadcast %sub3A_275 : i32 to vector<16xi32>
      %sub3A_277 = arith.subi %sub3A_276, %shift_right_arithmetic3A_274 : vector<16xi32>
      %bitcast_convert_type3A_278 = tpu.bitcast %sub3A_277 : vector<16xi32> -> vector<16xf32>
      %mul3A_279 = arith.constant 5.000000e-01 : f32
      %mul3A_280 = vector.broadcast %mul3A_279 : f32 to vector<16xf32>
      %mul3A_281 = arith.mulf %add3A_272, %mul3A_280 : vector<16xf32>
      %mul3A_282 = arith.mulf %mul3A_281, %bitcast_convert_type3A_278 : vector<16xf32>
      %mul3A_283 = arith.mulf %mul3A_282, %bitcast_convert_type3A_278 : vector<16xf32>
      %sub3A_284 = arith.constant 1.500000e+00 : f32
      %sub3A_285 = vector.broadcast %sub3A_284 : f32 to vector<16xf32>
      %sub3A_286 = arith.subf %sub3A_285, %mul3A_283 : vector<16xf32>
      %mul3A_287 = arith.mulf %bitcast_convert_type3A_278, %sub3A_286 : vector<16xf32>
      %mul3A_288 = arith.mulf %mul3A_281, %mul3A_287 : vector<16xf32>
      %mul3A_289 = arith.mulf %mul3A_288, %mul3A_287 : vector<16xf32>
      %sub3A_290 = arith.constant 1.500000e+00 : f32
      %sub3A_291 = vector.broadcast %sub3A_290 : f32 to vector<16xf32>
      %sub3A_292 = arith.subf %sub3A_291, %mul3A_289 : vector<16xf32>
      %mul3A_293 = arith.mulf %mul3A_287, %sub3A_292 : vector<16xf32>
      %mul3A_294 = arith.mulf %add3A_272, %mul3A_293 : vector<16xf32>
      %mul3A_295 = arith.mulf %get3A_245, %get3A_245 : vector<16xf32>
      %mul3A_296 = arith.mulf %get3A_252, %get3A_252 : vector<16xf32>
      %add3A_297 = arith.addf %mul3A_295, %mul3A_296 : vector<16xf32>
      %bitcast_convert_type3A_298 = tpu.bitcast %add3A_297 : vector<16xf32> -> vector<16xi32>
      %shift_right_arithmetic3A_299 = arith.constant 1 : i32
      %shift_right_arithmetic3A_300 = vector.broadcast %shift_right_arithmetic3A_299 : i32 to vector<16xi32>
      %shift_right_arithmetic3A_301 = arith.shrsi %bitcast_convert_type3A_298, %shift_right_arithmetic3A_300 : vector<16xi32>
      %sub3A_302 = arith.constant 1597463007 : i32
      %sub3A_303 = vector.broadcast %sub3A_302 : i32 to vector<16xi32>
      %sub3A_304 = arith.subi %sub3A_303, %shift_right_arithmetic3A_301 : vector<16xi32>
      %bitcast_convert_type3A_305 = tpu.bitcast %sub3A_304 : vector<16xi32> -> vector<16xf32>
      %mul3A_306 = arith.constant 5.000000e-01 : f32
      %mul3A_307 = vector.broadcast %mul3A_306 : f32 to vector<16xf32>
      %mul3A_308 = arith.mulf %add3A_297, %mul3A_307 : vector<16xf32>
      %mul3A_309 = arith.mulf %mul3A_308, %bitcast_convert_type3A_305 : vector<16xf32>
      %mul3A_310 = arith.mulf %mul3A_309, %bitcast_convert_type3A_305 : vector<16xf32>
      %sub3A_311 = arith.constant 1.500000e+00 : f32
      %sub3A_312 = vector.broadcast %sub3A_311 : f32 to vector<16xf32>
      %sub3A_313 = arith.subf %sub3A_312, %mul3A_310 : vector<16xf32>
      %mul3A_314 = arith.mulf %bitcast_convert_type3A_305, %sub3A_313 : vector<16xf32>
      %mul3A_315 = arith.mulf %mul3A_308, %mul3A_314 : vector<16xf32>
      %mul3A_316 = arith.mulf %mul3A_315, %mul3A_314 : vector<16xf32>
      %sub3A_317 = arith.constant 1.500000e+00 : f32
      %sub3A_318 = vector.broadcast %sub3A_317 : f32 to vector<16xf32>
      %sub3A_319 = arith.subf %sub3A_318, %mul3A_316 : vector<16xf32>
      %mul3A_320 = arith.mulf %mul3A_314, %sub3A_319 : vector<16xf32>
      %mul3A_321 = arith.mulf %add3A_297, %mul3A_320 : vector<16xf32>
      %abs3A = math.absf %get3A_245 : vector<16xf32>
      %abs3A_322 = math.absf %get3A_252 : vector<16xf32>
      %max3A = arith.maximumf %abs3A, %abs3A_322 : vector<16xf32>
      %min3A = arith.minimumf %abs3A, %abs3A_322 : vector<16xf32>
      %mul3A_323 = arith.constant 0.414213568 : f32
      %mul3A_324 = vector.broadcast %mul3A_323 : f32 to vector<16xf32>
      %mul3A_325 = arith.mulf %mul3A_324, %max3A : vector<16xf32>
      %gt3A = arith.cmpf ogt, %min3A, %mul3A_325 : vector<16xf32>
      %sub3A_326 = arith.subf %min3A, %max3A : vector<16xf32>
      %select_n3A_327 = arith.select %gt3A, %sub3A_326, %min3A : vector<16xi1>, vector<16xf32>
      %add3A_328 = arith.addf %min3A, %max3A : vector<16xf32>
      %select_n3A_329 = arith.select %gt3A, %add3A_328, %max3A : vector<16xi1>, vector<16xf32>
      %max3A_330 = arith.constant 9.99999991E-38 : f32
      %max3A_331 = vector.broadcast %max3A_330 : f32 to vector<16xf32>
      %max3A_332 = arith.maximumf %select_n3A_329, %max3A_331 : vector<16xf32>
      %div3A_333 = arith.divf %select_n3A_327, %max3A_332 : vector<16xf32>
      %mul3A_334 = arith.mulf %div3A_333, %div3A_333 : vector<16xf32>
      %mul3A_335 = arith.constant 0.000000e+00 : f32
      %mul3A_336 = vector.broadcast %mul3A_335 : f32 to vector<16xf32>
      %mul3A_337 = arith.mulf %mul3A_334, %mul3A_336 : vector<16xf32>
      %add3A_338 = arith.constant -0.0909090936 : f32
      %add3A_339 = vector.broadcast %add3A_338 : f32 to vector<16xf32>
      %add3A_340 = arith.addf %add3A_339, %mul3A_337 : vector<16xf32>
      %mul3A_341 = arith.mulf %mul3A_334, %add3A_340 : vector<16xf32>
      %add3A_342 = arith.constant 0.111111112 : f32
      %add3A_343 = vector.broadcast %add3A_342 : f32 to vector<16xf32>
      %add3A_344 = arith.addf %add3A_343, %mul3A_341 : vector<16xf32>
      %mul3A_345 = arith.mulf %mul3A_334, %add3A_344 : vector<16xf32>
      %add3A_346 = arith.constant -0.142857149 : f32
      %add3A_347 = vector.broadcast %add3A_346 : f32 to vector<16xf32>
      %add3A_348 = arith.addf %add3A_347, %mul3A_345 : vector<16xf32>
      %mul3A_349 = arith.mulf %mul3A_334, %add3A_348 : vector<16xf32>
      %add3A_350 = arith.constant 2.000000e-01 : f32
      %add3A_351 = vector.broadcast %add3A_350 : f32 to vector<16xf32>
      %add3A_352 = arith.addf %add3A_351, %mul3A_349 : vector<16xf32>
      %mul3A_353 = arith.mulf %mul3A_334, %add3A_352 : vector<16xf32>
      %add3A_354 = arith.constant -0.333333343 : f32
      %add3A_355 = vector.broadcast %add3A_354 : f32 to vector<16xf32>
      %add3A_356 = arith.addf %add3A_355, %mul3A_353 : vector<16xf32>
      %mul3A_357 = arith.mulf %mul3A_334, %add3A_356 : vector<16xf32>
      %mul3A_358 = arith.mulf %div3A_333, %mul3A_357 : vector<16xf32>
      %add3A_359 = arith.addf %div3A_333, %mul3A_358 : vector<16xf32>
      %add3A_360 = arith.constant 0.785398185 : f32
      %add3A_361 = vector.broadcast %add3A_360 : f32 to vector<16xf32>
      %add3A_362 = arith.addf %add3A_361, %add3A_359 : vector<16xf32>
      %select_n3A_363 = arith.select %gt3A, %add3A_362, %add3A_359 : vector<16xi1>, vector<16xf32>
      %gt3A_364 = arith.cmpf ogt, %abs3A, %abs3A_322 : vector<16xf32>
      %sub3A_365 = arith.constant 1.57079637 : f32
      %sub3A_366 = vector.broadcast %sub3A_365 : f32 to vector<16xf32>
      %sub3A_367 = arith.subf %sub3A_366, %select_n3A_363 : vector<16xf32>
      %select_n3A_368 = arith.select %gt3A_364, %sub3A_367, %select_n3A_363 : vector<16xi1>, vector<16xf32>
      %lt3A_369 = arith.constant 0.000000e+00 : f32
      %lt3A_370 = vector.broadcast %lt3A_369 : f32 to vector<16xf32>
      %lt3A_371 = arith.cmpf olt, %get3A_252, %lt3A_370 : vector<16xf32>
      %sub3A_372 = arith.constant 3.14159274 : f32
      %sub3A_373 = vector.broadcast %sub3A_372 : f32 to vector<16xf32>
      %sub3A_374 = arith.subf %sub3A_373, %select_n3A_368 : vector<16xf32>
      %select_n3A_375 = arith.select %lt3A_371, %sub3A_374, %select_n3A_368 : vector<16xi1>, vector<16xf32>
      %lt3A_376 = arith.constant 0.000000e+00 : f32
      %lt3A_377 = vector.broadcast %lt3A_376 : f32 to vector<16xf32>
      %lt3A_378 = arith.cmpf olt, %get3A_245, %lt3A_377 : vector<16xf32>
      %sub3A_379 = arith.constant 6.28318548 : f32
      %sub3A_380 = vector.broadcast %sub3A_379 : f32 to vector<16xf32>
      %sub3A_381 = arith.subf %sub3A_380, %select_n3A_375 : vector<16xf32>
      %select_n3A_382 = arith.select %lt3A_378, %sub3A_381, %select_n3A_375 : vector<16xi1>, vector<16xf32>
      %swap3A = arith.index_cast %add3A_141 : i32 to index
      %swap3A_383 = arith.index_cast %mul3A_139 : i32 to index
      %swap3A_384 = tpu.vector_load %arg8[%swap3A, %swap3A_383] {strides = array<i32>} : memref<64x128xf32, #tpu.memory_space<vmem>>, vector<16xf32>,
      tpu.vector_store %arg8[%swap3A, %swap3A_383], %select_n3A_382 {strides = array<i32>} : memref<64x128xf32, #tpu.memory_space<vmem>>, vector<16xf32>,
      %mul3A_385 = arith.constant 1.27323949 : f32
      %mul3A_386 = vector.broadcast %mul3A_385 : f32 to vector<16xf32>
      %mul3A_387 = arith.mulf %select_n3A_382, %mul3A_386 : vector<16xf32>
      %convert_element_type3A = arith.fptosi %mul3A_387 : vector<16xf32> to vector<16xi32>
      %ne3A_388 = arith.constant 0.000000e+00 : f32
      %ne3A_389 = vector.broadcast %ne3A_388 : f32 to vector<16xf32>
      %ne3A_390 = arith.cmpf one, %add3A_267, %ne3A_389 : vector<16xf32>
      %jit3A_391 = arith.constant -1 : i32
      %broadcast_in_dim3A_392 = vector.broadcast %jit3A_391 : i32 to vector<16xi32>
      %select_n3A_393 = arith.select %ne3A_390, %convert_element_type3A, %broadcast_in_dim3A_392 : vector<16xi1>, vector<16xi32>
      %ge3A = arith.constant 0 : i32
      %ge3A_394 = vector.broadcast %ge3A : i32 to vector<16xi32>
      %ge3A_395 = arith.cmpi sge, %select_n3A_393, %ge3A_394 : vector<16xi32>
      %lt3A_396 = arith.constant 8 : i32
      %lt3A_397 = vector.broadcast %lt3A_396 : i32 to vector<16xi32>
      %lt3A_398 = arith.cmpi slt, %select_n3A_393, %lt3A_397 : vector<16xi32>
      %and3A_399 = arith.andi %ge3A_395, %lt3A_398 : vector<16xi1>
      %mul3A_400 = arith.constant 128 : i32
      %mul3A_401 = vector.broadcast %mul3A_400 : i32 to vector<16xi32>
      %mul3A_402 = arith.muli %select_n3A_393, %mul3A_401 : vector<16xi32>
      %add3A_403 = vector.broadcast %mul3A_139 : i32 to vector<16xi32>
      %add3A_404 = arith.addi %add3A_403, %iota3A : vector<16xi32>
      %add3A_405 = arith.addi %mul3A_402, %add3A_404 : vector<16xi32>
      tpu.vector_store_idx %arg9[%add3A_405], %mul3A_294 masked %and3A_399 {add = true} : memref<1024xf32, #tpu.memory_space<vmem>>[vector<16xi32>], vector<16xf32>, vector<16xi1>
      tpu.vector_store_idx %arg10[%add3A_405], %mul3A_321 masked %and3A_399 {add = true} : memref<1024xf32, #tpu.memory_space<vmem>>[vector<16xi32>], vector<16xf32>, vector<16xi1>
      tpu.vector_store_idx %arg11[%add3A_405], %select_n3A_382 masked %and3A_399 {add = true} : memref<1024xf32, #tpu.memory_space<vmem>>[vector<16xi32>], vector<16xf32>, vector<16xi1>
      tpu.vector_store_idx %arg12[%add3A_405], %broadcast_in_dim3A_3 masked %and3A_399 {add = true} : memref<1024xf32, #tpu.memory_space<vmem>>[vector<16xi32>], vector<16xf32>, vector<16xi1>
      %mul3A_406 = arith.constant 2 : i32
      %mul3A_407 = arith.muli %scan3A_103, %mul3A_406 : i32
      %add3A_408 = arith.constant 1 : i32
      %add3A_409 = arith.addi %mul3A_407, %add3A_408 : i32
      %jit3A_410 = arith.constant 8 : i32
      %div3A_411 = arith.divsi %add3A_409, %jit3A_410 : i32
      %sign3A_412 = arith.constant 0 : i32
      %sign3A_413 = arith.cmpi sgt, %add3A_409, %sign3A_412 : i32
      %sign3A_414 = arith.extui %sign3A_413 : i1 to i32
      %sign3A_415 = arith.constant 0 : i32
      %sign3A_416 = arith.cmpi slt, %add3A_409, %sign3A_415 : i32
      %sign3A_417 = arith.extui %sign3A_416 : i1 to i32
      %sign3A_418 = arith.subi %sign3A_414, %sign3A_417 : i32
      %sign3A_419 = arith.constant 0 : i32
      %sign3A_420 = arith.cmpi sgt, %jit3A_410, %sign3A_419 : i32
      %sign3A_421 = arith.extui %sign3A_420 : i1 to i32
      %sign3A_422 = arith.constant 0 : i32
      %sign3A_423 = arith.cmpi slt, %jit3A_410, %sign3A_422 : i32
      %sign3A_424 = arith.extui %sign3A_423 : i1 to i32
      %sign3A_425 = arith.subi %sign3A_421, %sign3A_424 : i32
      %ne3A_426 = arith.cmpi ne, %sign3A_418, %sign3A_425 : i32
      %rem3A_427 = arith.remsi %add3A_409, %jit3A_410 : i32
      %ne3A_428 = arith.constant 0 : i32
      %ne3A_429 = arith.cmpi ne, %rem3A_427, %ne3A_428 : i32
      %and3A_430 = arith.andi %ne3A_426, %ne3A_429 : i1
      %sub3A_431 = arith.constant 1 : i32
      %sub3A_432 = arith.subi %div3A_411, %sub3A_431 : i32
      %select_n3A_433 = arith.select %and3A_430, %sub3A_432, %div3A_411 : i32
      %jit3A_434 = arith.constant 8 : i32
      %eq3A_435 = arith.constant 0 : i32
      %eq3A_436 = arith.cmpi eq, %jit3A_434, %eq3A_435 : i32
      %jit3A_437 = arith.constant 1 : i32
      %select_n3A_438 = arith.select %eq3A_436, %jit3A_437, %jit3A_434 : i32
      %rem3A_439 = arith.remsi %add3A_409, %select_n3A_438 : i32
      %ne3A_440 = arith.constant 0 : i32
      %ne3A_441 = arith.cmpi ne, %rem3A_439, %ne3A_440 : i32
      %lt3A_442 = arith.constant 0 : i32
      %lt3A_443 = arith.cmpi slt, %rem3A_439, %lt3A_442 : i32
      %lt3A_444 = arith.constant 0 : i32
      %lt3A_445 = arith.cmpi slt, %select_n3A_438, %lt3A_444 : i32
      %ne3A_446 = arith.xori %lt3A_443, %lt3A_445 : i1
      %and3A_447 = arith.andi %ne3A_446, %ne3A_441 : i1
      %add3A_448 = arith.addi %rem3A_439, %select_n3A_438 : i32
      %select_n3A_449 = arith.select %and3A_447, %add3A_448, %rem3A_439 : i32
      %mul3A_450 = arith.constant 16 : i32
      %mul3A_451 = arith.muli %select_n3A_449, %mul3A_450 : i32
      %add3A_452 = arith.constant 48 : i32
      %add3A_453 = arith.addi %add3A_452, %select_n3A_433 : i32
      %get3A_454 = arith.constant 0 : i32
      %get3A_455 = arith.constant 0 : i32
      %get3A_456 = arith.index_cast %select_n3A_433 : i32 to index
      %get3A_457 = arith.index_cast %get3A_454 : i32 to index
      %get3A_458 = arith.index_cast %get3A_455 : i32 to index
      %get3A_459 = arith.index_cast %mul3A_451 : i32 to index
      %get3A_460 = tpu.vector_load %arg6[%get3A_456, %get3A_457, %get3A_458, %get3A_459] {strides = array<i32>} : memref<16x8x2x128xf32, #tpu.memory_space<vmem>>, vector<16xf32>,
      %get3A_461 = arith.constant 0 : i32
      %get3A_462 = arith.constant 1 : i32
      %get3A_463 = arith.index_cast %select_n3A_433 : i32 to index
      %get3A_464 = arith.index_cast %get3A_461 : i32 to index
      %get3A_465 = arith.index_cast %get3A_462 : i32 to index
      %get3A_466 = arith.index_cast %mul3A_451 : i32 to index
      %get3A_467 = tpu.vector_load %arg6[%get3A_463, %get3A_464, %get3A_465, %get3A_466] {strides = array<i32>} : memref<16x8x2x128xf32, #tpu.memory_space<vmem>>, vector<16xf32>,
      %get3A_468 = arith.constant 1 : i32
      %get3A_469 = arith.constant 0 : i32
      %get3A_470 = arith.index_cast %select_n3A_433 : i32 to index
      %get3A_471 = arith.index_cast %get3A_468 : i32 to index
      %get3A_472 = arith.index_cast %get3A_469 : i32 to index
      %get3A_473 = arith.index_cast %mul3A_451 : i32 to index
      %get3A_474 = tpu.vector_load %arg6[%get3A_470, %get3A_471, %get3A_472, %get3A_473] {strides = array<i32>} : memref<16x8x2x128xf32, #tpu.memory_space<vmem>>, vector<16xf32>,
      %get3A_475 = arith.constant 1 : i32
      %get3A_476 = arith.constant 1 : i32
      %get3A_477 = arith.index_cast %select_n3A_433 : i32 to index
      %get3A_478 = arith.index_cast %get3A_475 : i32 to index
      %get3A_479 = arith.index_cast %get3A_476 : i32 to index
      %get3A_480 = arith.index_cast %mul3A_451 : i32 to index
      %get3A_481 = tpu.vector_load %arg6[%get3A_477, %get3A_478, %get3A_479, %get3A_480] {strides = array<i32>} : memref<16x8x2x128xf32, #tpu.memory_space<vmem>>, vector<16xf32>,
      %get3A_482 = arith.constant 2 : i32
      %get3A_483 = arith.constant 0 : i32
      %get3A_484 = arith.index_cast %select_n3A_433 : i32 to index
      %get3A_485 = arith.index_cast %get3A_482 : i32 to index
      %get3A_486 = arith.index_cast %get3A_483 : i32 to index
      %get3A_487 = arith.index_cast %mul3A_451 : i32 to index
      %get3A_488 = tpu.vector_load %arg6[%get3A_484, %get3A_485, %get3A_486, %get3A_487] {strides = array<i32>} : memref<16x8x2x128xf32, #tpu.memory_space<vmem>>, vector<16xf32>,
      %get3A_489 = arith.constant 2 : i32
      %get3A_490 = arith.constant 1 : i32
      %get3A_491 = arith.index_cast %select_n3A_433 : i32 to index
      %get3A_492 = arith.index_cast %get3A_489 : i32 to index
      %get3A_493 = arith.index_cast %get3A_490 : i32 to index
      %get3A_494 = arith.index_cast %mul3A_451 : i32 to index
      %get3A_495 = tpu.vector_load %arg6[%get3A_491, %get3A_492, %get3A_493, %get3A_494] {strides = array<i32>} : memref<16x8x2x128xf32, #tpu.memory_space<vmem>>, vector<16xf32>,
      %get3A_496 = arith.constant 3 : i32
      %get3A_497 = arith.constant 0 : i32
      %get3A_498 = arith.index_cast %select_n3A_433 : i32 to index
      %get3A_499 = arith.index_cast %get3A_496 : i32 to index
      %get3A_500 = arith.index_cast %get3A_497 : i32 to index
      %get3A_501 = arith.index_cast %mul3A_451 : i32 to index
      %get3A_502 = tpu.vector_load %arg6[%get3A_498, %get3A_499, %get3A_500, %get3A_501] {strides = array<i32>} : memref<16x8x2x128xf32, #tpu.memory_space<vmem>>, vector<16xf32>,
      %get3A_503 = arith.constant 3 : i32
      %get3A_504 = arith.constant 1 : i32
      %get3A_505 = arith.index_cast %select_n3A_433 : i32 to index
      %get3A_506 = arith.index_cast %get3A_503 : i32 to index
      %get3A_507 = arith.index_cast %get3A_504 : i32 to index
      %get3A_508 = arith.index_cast %mul3A_451 : i32 to index
      %get3A_509 = tpu.vector_load %arg6[%get3A_505, %get3A_506, %get3A_507, %get3A_508] {strides = array<i32>} : memref<16x8x2x128xf32, #tpu.memory_space<vmem>>, vector<16xf32>,
      %get3A_510 = arith.constant 4 : i32
      %get3A_511 = arith.constant 0 : i32
      %get3A_512 = arith.index_cast %select_n3A_433 : i32 to index
      %get3A_513 = arith.index_cast %get3A_510 : i32 to index
      %get3A_514 = arith.index_cast %get3A_511 : i32 to index
      %get3A_515 = arith.index_cast %mul3A_451 : i32 to index
      %get3A_516 = tpu.vector_load %arg6[%get3A_512, %get3A_513, %get3A_514, %get3A_515] {strides = array<i32>} : memref<16x8x2x128xf32, #tpu.memory_space<vmem>>, vector<16xf32>,
      %get3A_517 = arith.constant 4 : i32
      %get3A_518 = arith.constant 1 : i32
      %get3A_519 = arith.index_cast %select_n3A_433 : i32 to index
      %get3A_520 = arith.index_cast %get3A_517 : i32 to index
      %get3A_521 = arith.index_cast %get3A_518 : i32 to index
      %get3A_522 = arith.index_cast %mul3A_451 : i32 to index
      %get3A_523 = tpu.vector_load %arg6[%get3A_519, %get3A_520, %get3A_521, %get3A_522] {strides = array<i32>} : memref<16x8x2x128xf32, #tpu.memory_space<vmem>>, vector<16xf32>,
      %get3A_524 = arith.constant 5 : i32
      %get3A_525 = arith.constant 0 : i32
      %get3A_526 = arith.index_cast %select_n3A_433 : i32 to index
      %get3A_527 = arith.index_cast %get3A_524 : i32 to index
      %get3A_528 = arith.index_cast %get3A_525 : i32 to index
      %get3A_529 = arith.index_cast %mul3A_451 : i32 to index
      %get3A_530 = tpu.vector_load %arg6[%get3A_526, %get3A_527, %get3A_528, %get3A_529] {strides = array<i32>} : memref<16x8x2x128xf32, #tpu.memory_space<vmem>>, vector<16xf32>,
      %get3A_531 = arith.constant 5 : i32
      %get3A_532 = arith.constant 1 : i32
      %get3A_533 = arith.index_cast %select_n3A_433 : i32 to index
      %get3A_534 = arith.index_cast %get3A_531 : i32 to index
      %get3A_535 = arith.index_cast %get3A_532 : i32 to index
      %get3A_536 = arith.index_cast %mul3A_451 : i32 to index
      %get3A_537 = tpu.vector_load %arg6[%get3A_533, %get3A_534, %get3A_535, %get3A_536] {strides = array<i32>} : memref<16x8x2x128xf32, #tpu.memory_space<vmem>>, vector<16xf32>,
      %get3A_538 = arith.constant 6 : i32
      %get3A_539 = arith.constant 0 : i32
      %get3A_540 = arith.index_cast %select_n3A_433 : i32 to index
      %get3A_541 = arith.index_cast %get3A_538 : i32 to index
      %get3A_542 = arith.index_cast %get3A_539 : i32 to index
      %get3A_543 = arith.index_cast %mul3A_451 : i32 to index
      %get3A_544 = tpu.vector_load %arg6[%get3A_540, %get3A_541, %get3A_542, %get3A_543] {strides = array<i32>} : memref<16x8x2x128xf32, #tpu.memory_space<vmem>>, vector<16xf32>,
      %get3A_545 = arith.constant 6 : i32
      %get3A_546 = arith.constant 1 : i32
      %get3A_547 = arith.index_cast %select_n3A_433 : i32 to index
      %get3A_548 = arith.index_cast %get3A_545 : i32 to index
      %get3A_549 = arith.index_cast %get3A_546 : i32 to index
      %get3A_550 = arith.index_cast %mul3A_451 : i32 to index
      %get3A_551 = tpu.vector_load %arg6[%get3A_547, %get3A_548, %get3A_549, %get3A_550] {strides = array<i32>} : memref<16x8x2x128xf32, #tpu.memory_space<vmem>>, vector<16xf32>,
      %get3A_552 = arith.constant 7 : i32
      %get3A_553 = arith.constant 0 : i32
      %get3A_554 = arith.index_cast %select_n3A_433 : i32 to index
      %get3A_555 = arith.index_cast %get3A_552 : i32 to index
      %get3A_556 = arith.index_cast %get3A_553 : i32 to index
      %get3A_557 = arith.index_cast %mul3A_451 : i32 to index
      %get3A_558 = tpu.vector_load %arg6[%get3A_554, %get3A_555, %get3A_556, %get3A_557] {strides = array<i32>} : memref<16x8x2x128xf32, #tpu.memory_space<vmem>>, vector<16xf32>,
      %get3A_559 = arith.constant 7 : i32
      %get3A_560 = arith.constant 1 : i32
      %get3A_561 = arith.index_cast %select_n3A_433 : i32 to index
      %get3A_562 = arith.index_cast %get3A_559 : i32 to index
      %get3A_563 = arith.index_cast %get3A_560 : i32 to index
      %get3A_564 = arith.index_cast %mul3A_451 : i32 to index
      %get3A_565 = tpu.vector_load %arg6[%get3A_561, %get3A_562, %get3A_563, %get3A_564] {strides = array<i32>} : memref<16x8x2x128xf32, #tpu.memory_space<vmem>>, vector<16xf32>,
      %add3A_566 = arith.addf %get3A_460, %get3A_467 : vector<16xf32>
      %add3A_567 = arith.addf %get3A_474, %get3A_481 : vector<16xf32>
      %add3A_568 = arith.addf %get3A_488, %get3A_495 : vector<16xf32>
      %add3A_569 = arith.addf %get3A_502, %get3A_509 : vector<16xf32>
      %add3A_570 = arith.addf %get3A_516, %get3A_523 : vector<16xf32>
      %add3A_571 = arith.addf %get3A_530, %get3A_537 : vector<16xf32>
      %add3A_572 = arith.addf %get3A_544, %get3A_551 : vector<16xf32>
      %add3A_573 = arith.addf %get3A_558, %get3A_565 : vector<16xf32>
      %add3A_574 = arith.addf %add3A_566, %add3A_567 : vector<16xf32>
      %add3A_575 = arith.addf %add3A_568, %add3A_569 : vector<16xf32>
      %add3A_576 = arith.addf %add3A_570, %add3A_571 : vector<16xf32>
      %add3A_577 = arith.addf %add3A_572, %add3A_573 : vector<16xf32>
      %add3A_578 = arith.addf %add3A_574, %add3A_575 : vector<16xf32>
      %add3A_579 = arith.addf %add3A_576, %add3A_577 : vector<16xf32>
      %add3A_580 = arith.addf %add3A_578, %add3A_579 : vector<16xf32>
      %sub3A_581 = arith.subf %get3A_558, %get3A_460 : vector<16xf32>
      %sub3A_582 = arith.subf %get3A_565, %get3A_467 : vector<16xf32>
      %mul3A_583 = arith.mulf %sub3A_581, %sub3A_581 : vector<16xf32>
      %mul3A_584 = arith.mulf %sub3A_582, %sub3A_582 : vector<16xf32>
      %add3A_585 = arith.addf %mul3A_583, %mul3A_584 : vector<16xf32>
      %bitcast_convert_type3A_586 = tpu.bitcast %add3A_585 : vector<16xf32> -> vector<16xi32>
      %shift_right_arithmetic3A_587 = arith.constant 1 : i32
      %shift_right_arithmetic3A_588 = vector.broadcast %shift_right_arithmetic3A_587 : i32 to vector<16xi32>
      %shift_right_arithmetic3A_589 = arith.shrsi %bitcast_convert_type3A_586, %shift_right_arithmetic3A_588 : vector<16xi32>
      %sub3A_590 = arith.constant 1597463007 : i32
      %sub3A_591 = vector.broadcast %sub3A_590 : i32 to vector<16xi32>
      %sub3A_592 = arith.subi %sub3A_591, %shift_right_arithmetic3A_589 : vector<16xi32>
      %bitcast_convert_type3A_593 = tpu.bitcast %sub3A_592 : vector<16xi32> -> vector<16xf32>
      %mul3A_594 = arith.constant 5.000000e-01 : f32
      %mul3A_595 = vector.broadcast %mul3A_594 : f32 to vector<16xf32>
      %mul3A_596 = arith.mulf %add3A_585, %mul3A_595 : vector<16xf32>
      %mul3A_597 = arith.mulf %mul3A_596, %bitcast_convert_type3A_593 : vector<16xf32>
      %mul3A_598 = arith.mulf %mul3A_597, %bitcast_convert_type3A_593 : vector<16xf32>
      %sub3A_599 = arith.constant 1.500000e+00 : f32
      %sub3A_600 = vector.broadcast %sub3A_599 : f32 to vector<16xf32>
      %sub3A_601 = arith.subf %sub3A_600, %mul3A_598 : vector<16xf32>
      %mul3A_602 = arith.mulf %bitcast_convert_type3A_593, %sub3A_601 : vector<16xf32>
      %mul3A_603 = arith.mulf %mul3A_596, %mul3A_602 : vector<16xf32>
      %mul3A_604 = arith.mulf %mul3A_603, %mul3A_602 : vector<16xf32>
      %sub3A_605 = arith.constant 1.500000e+00 : f32
      %sub3A_606 = vector.broadcast %sub3A_605 : f32 to vector<16xf32>
      %sub3A_607 = arith.subf %sub3A_606, %mul3A_604 : vector<16xf32>
      %mul3A_608 = arith.mulf %mul3A_602, %sub3A_607 : vector<16xf32>
      %mul3A_609 = arith.mulf %add3A_585, %mul3A_608 : vector<16xf32>
      %mul3A_610 = arith.mulf %get3A_558, %get3A_558 : vector<16xf32>
      %mul3A_611 = arith.mulf %get3A_565, %get3A_565 : vector<16xf32>
      %add3A_612 = arith.addf %mul3A_610, %mul3A_611 : vector<16xf32>
      %bitcast_convert_type3A_613 = tpu.bitcast %add3A_612 : vector<16xf32> -> vector<16xi32>
      %shift_right_arithmetic3A_614 = arith.constant 1 : i32
      %shift_right_arithmetic3A_615 = vector.broadcast %shift_right_arithmetic3A_614 : i32 to vector<16xi32>
      %shift_right_arithmetic3A_616 = arith.shrsi %bitcast_convert_type3A_613, %shift_right_arithmetic3A_615 : vector<16xi32>
      %sub3A_617 = arith.constant 1597463007 : i32
      %sub3A_618 = vector.broadcast %sub3A_617 : i32 to vector<16xi32>
      %sub3A_619 = arith.subi %sub3A_618, %shift_right_arithmetic3A_616 : vector<16xi32>
      %bitcast_convert_type3A_620 = tpu.bitcast %sub3A_619 : vector<16xi32> -> vector<16xf32>
      %mul3A_621 = arith.constant 5.000000e-01 : f32
      %mul3A_622 = vector.broadcast %mul3A_621 : f32 to vector<16xf32>
      %mul3A_623 = arith.mulf %add3A_612, %mul3A_622 : vector<16xf32>
      %mul3A_624 = arith.mulf %mul3A_623, %bitcast_convert_type3A_620 : vector<16xf32>
      %mul3A_625 = arith.mulf %mul3A_624, %bitcast_convert_type3A_620 : vector<16xf32>
      %sub3A_626 = arith.constant 1.500000e+00 : f32
      %sub3A_627 = vector.broadcast %sub3A_626 : f32 to vector<16xf32>
      %sub3A_628 = arith.subf %sub3A_627, %mul3A_625 : vector<16xf32>
      %mul3A_629 = arith.mulf %bitcast_convert_type3A_620, %sub3A_628 : vector<16xf32>
      %mul3A_630 = arith.mulf %mul3A_623, %mul3A_629 : vector<16xf32>
      %mul3A_631 = arith.mulf %mul3A_630, %mul3A_629 : vector<16xf32>
      %sub3A_632 = arith.constant 1.500000e+00 : f32
      %sub3A_633 = vector.broadcast %sub3A_632 : f32 to vector<16xf32>
      %sub3A_634 = arith.subf %sub3A_633, %mul3A_631 : vector<16xf32>
      %mul3A_635 = arith.mulf %mul3A_629, %sub3A_634 : vector<16xf32>
      %mul3A_636 = arith.mulf %add3A_612, %mul3A_635 : vector<16xf32>
      %abs3A_637 = math.absf %get3A_558 : vector<16xf32>
      %abs3A_638 = math.absf %get3A_565 : vector<16xf32>
      %max3A_639 = arith.maximumf %abs3A_637, %abs3A_638 : vector<16xf32>
      %min3A_640 = arith.minimumf %abs3A_637, %abs3A_638 : vector<16xf32>
      %mul3A_641 = arith.constant 0.414213568 : f32
      %mul3A_642 = vector.broadcast %mul3A_641 : f32 to vector<16xf32>
      %mul3A_643 = arith.mulf %mul3A_642, %max3A_639 : vector<16xf32>
      %gt3A_644 = arith.cmpf ogt, %min3A_640, %mul3A_643 : vector<16xf32>
      %sub3A_645 = arith.subf %min3A_640, %max3A_639 : vector<16xf32>
      %select_n3A_646 = arith.select %gt3A_644, %sub3A_645, %min3A_640 : vector<16xi1>, vector<16xf32>
      %add3A_647 = arith.addf %min3A_640, %max3A_639 : vector<16xf32>
      %select_n3A_648 = arith.select %gt3A_644, %add3A_647, %max3A_639 : vector<16xi1>, vector<16xf32>
      %max3A_649 = arith.constant 9.99999991E-38 : f32
      %max3A_650 = vector.broadcast %max3A_649 : f32 to vector<16xf32>
      %max3A_651 = arith.maximumf %select_n3A_648, %max3A_650 : vector<16xf32>
      %div3A_652 = arith.divf %select_n3A_646, %max3A_651 : vector<16xf32>
      %mul3A_653 = arith.mulf %div3A_652, %div3A_652 : vector<16xf32>
      %mul3A_654 = arith.constant 0.000000e+00 : f32
      %mul3A_655 = vector.broadcast %mul3A_654 : f32 to vector<16xf32>
      %mul3A_656 = arith.mulf %mul3A_653, %mul3A_655 : vector<16xf32>
      %add3A_657 = arith.constant -0.0909090936 : f32
      %add3A_658 = vector.broadcast %add3A_657 : f32 to vector<16xf32>
      %add3A_659 = arith.addf %add3A_658, %mul3A_656 : vector<16xf32>
      %mul3A_660 = arith.mulf %mul3A_653, %add3A_659 : vector<16xf32>
      %add3A_661 = arith.constant 0.111111112 : f32
      %add3A_662 = vector.broadcast %add3A_661 : f32 to vector<16xf32>
      %add3A_663 = arith.addf %add3A_662, %mul3A_660 : vector<16xf32>
      %mul3A_664 = arith.mulf %mul3A_653, %add3A_663 : vector<16xf32>
      %add3A_665 = arith.constant -0.142857149 : f32
      %add3A_666 = vector.broadcast %add3A_665 : f32 to vector<16xf32>
      %add3A_667 = arith.addf %add3A_666, %mul3A_664 : vector<16xf32>
      %mul3A_668 = arith.mulf %mul3A_653, %add3A_667 : vector<16xf32>
      %add3A_669 = arith.constant 2.000000e-01 : f32
      %add3A_670 = vector.broadcast %add3A_669 : f32 to vector<16xf32>
      %add3A_671 = arith.addf %add3A_670, %mul3A_668 : vector<16xf32>
      %mul3A_672 = arith.mulf %mul3A_653, %add3A_671 : vector<16xf32>
      %add3A_673 = arith.constant -0.333333343 : f32
      %add3A_674 = vector.broadcast %add3A_673 : f32 to vector<16xf32>
      %add3A_675 = arith.addf %add3A_674, %mul3A_672 : vector<16xf32>
      %mul3A_676 = arith.mulf %mul3A_653, %add3A_675 : vector<16xf32>
      %mul3A_677 = arith.mulf %div3A_652, %mul3A_676 : vector<16xf32>
      %add3A_678 = arith.addf %div3A_652, %mul3A_677 : vector<16xf32>
      %add3A_679 = arith.constant 0.785398185 : f32
      %add3A_680 = vector.broadcast %add3A_679 : f32 to vector<16xf32>
      %add3A_681 = arith.addf %add3A_680, %add3A_678 : vector<16xf32>
      %select_n3A_682 = arith.select %gt3A_644, %add3A_681, %add3A_678 : vector<16xi1>, vector<16xf32>
      %gt3A_683 = arith.cmpf ogt, %abs3A_637, %abs3A_638 : vector<16xf32>
      %sub3A_684 = arith.constant 1.57079637 : f32
      %sub3A_685 = vector.broadcast %sub3A_684 : f32 to vector<16xf32>
      %sub3A_686 = arith.subf %sub3A_685, %select_n3A_682 : vector<16xf32>
      %select_n3A_687 = arith.select %gt3A_683, %sub3A_686, %select_n3A_682 : vector<16xi1>, vector<16xf32>
      %lt3A_688 = arith.constant 0.000000e+00 : f32
      %lt3A_689 = vector.broadcast %lt3A_688 : f32 to vector<16xf32>
      %lt3A_690 = arith.cmpf olt, %get3A_565, %lt3A_689 : vector<16xf32>
      %sub3A_691 = arith.constant 3.14159274 : f32
      %sub3A_692 = vector.broadcast %sub3A_691 : f32 to vector<16xf32>
      %sub3A_693 = arith.subf %sub3A_692, %select_n3A_687 : vector<16xf32>
      %select_n3A_694 = arith.select %lt3A_690, %sub3A_693, %select_n3A_687 : vector<16xi1>, vector<16xf32>
      %lt3A_695 = arith.constant 0.000000e+00 : f32
      %lt3A_696 = vector.broadcast %lt3A_695 : f32 to vector<16xf32>
      %lt3A_697 = arith.cmpf olt, %get3A_558, %lt3A_696 : vector<16xf32>
      %sub3A_698 = arith.constant 6.28318548 : f32
      %sub3A_699 = vector.broadcast %sub3A_698 : f32 to vector<16xf32>
      %sub3A_700 = arith.subf %sub3A_699, %select_n3A_694 : vector<16xf32>
      %select_n3A_701 = arith.select %lt3A_697, %sub3A_700, %select_n3A_694 : vector<16xi1>, vector<16xf32>
      %swap3A_702 = arith.index_cast %add3A_453 : i32 to index
      %swap3A_703 = arith.index_cast %mul3A_451 : i32 to index
      %swap3A_704 = tpu.vector_load %arg8[%swap3A_702, %swap3A_703] {strides = array<i32>} : memref<64x128xf32, #tpu.memory_space<vmem>>, vector<16xf32>,
      tpu.vector_store %arg8[%swap3A_702, %swap3A_703], %select_n3A_701 {strides = array<i32>} : memref<64x128xf32, #tpu.memory_space<vmem>>, vector<16xf32>,
      %mul3A_705 = arith.constant 1.27323949 : f32
      %mul3A_706 = vector.broadcast %mul3A_705 : f32 to vector<16xf32>
      %mul3A_707 = arith.mulf %select_n3A_701, %mul3A_706 : vector<16xf32>
      %convert_element_type3A_708 = arith.fptosi %mul3A_707 : vector<16xf32> to vector<16xi32>
      %ne3A_709 = arith.constant 0.000000e+00 : f32
      %ne3A_710 = vector.broadcast %ne3A_709 : f32 to vector<16xf32>
      %ne3A_711 = arith.cmpf one, %add3A_580, %ne3A_710 : vector<16xf32>
      %jit3A_712 = arith.constant -1 : i32
      %broadcast_in_dim3A_713 = vector.broadcast %jit3A_712 : i32 to vector<16xi32>
      %select_n3A_714 = arith.select %ne3A_711, %convert_element_type3A_708, %broadcast_in_dim3A_713 : vector<16xi1>, vector<16xi32>
      %ge3A_715 = arith.constant 0 : i32
      %ge3A_716 = vector.broadcast %ge3A_715 : i32 to vector<16xi32>
      %ge3A_717 = arith.cmpi sge, %select_n3A_714, %ge3A_716 : vector<16xi32>
      %lt3A_718 = arith.constant 8 : i32
      %lt3A_719 = vector.broadcast %lt3A_718 : i32 to vector<16xi32>
      %lt3A_720 = arith.cmpi slt, %select_n3A_714, %lt3A_719 : vector<16xi32>
      %and3A_721 = arith.andi %ge3A_717, %lt3A_720 : vector<16xi1>
      %mul3A_722 = arith.constant 128 : i32
      %mul3A_723 = vector.broadcast %mul3A_722 : i32 to vector<16xi32>
      %mul3A_724 = arith.muli %select_n3A_714, %mul3A_723 : vector<16xi32>
      %add3A_725 = vector.broadcast %mul3A_451 : i32 to vector<16xi32>
      %add3A_726 = arith.addi %add3A_725, %iota3A : vector<16xi32>
      %add3A_727 = arith.addi %mul3A_724, %add3A_726 : vector<16xi32>
      tpu.vector_store_idx %arg9[%add3A_727], %mul3A_609 masked %and3A_721 {add = true} : memref<1024xf32, #tpu.memory_space<vmem>>[vector<16xi32>], vector<16xf32>, vector<16xi1>
      tpu.vector_store_idx %arg10[%add3A_727], %mul3A_636 masked %and3A_721 {add = true} : memref<1024xf32, #tpu.memory_space<vmem>>[vector<16xi32>], vector<16xf32>, vector<16xi1>
      tpu.vector_store_idx %arg11[%add3A_727], %select_n3A_701 masked %and3A_721 {add = true} : memref<1024xf32, #tpu.memory_space<vmem>>[vector<16xi32>], vector<16xf32>, vector<16xi1>
      tpu.vector_store_idx %arg12[%add3A_727], %broadcast_in_dim3A_3 masked %and3A_721 {add = true} : memref<1024xf32, #tpu.memory_space<vmem>>[vector<16xi32>], vector<16xf32>, vector<16xi1>
    }
    %scan3A_96 = arith.constant 64 : i32
    %scan3A_97 = arith.constant 0 : i32
    %scan3A_98 = arith.constant 0 : i32
    %scan3A_99 = arith.constant 8 : i32
    %scan3A_100 = arith.addi %scan3A_98, %scan3A_99 : i32
    %scan3A_101 = arith.constant 1 : i32
    scf.for %scan3A_103 = %scan3A_98 to %scan3A_100 step %scan3A_101  : i32 {
      %mul3A_104 = arith.constant 16 : i32
      %mul3A_105 = arith.muli %scan3A_103, %mul3A_104 : i32
      %add3A_106 = arith.constant 0 : i32
      %add3A_107 = arith.addi %add3A_106, %mul3A_105 : i32
      %get3A = arith.index_cast %add3A_107 : i32 to index
      %get3A_108 = tpu.vector_load %arg12[%get3A] {strides = array<i32>} : memref<1024xf32, #tpu.memory_space<vmem>>, vector<16xf32>,
      %add3A_109 = arith.constant 9.99999974E-5 : f32
      %add3A_110 = vector.broadcast %add3A_109 : f32 to vector<16xf32>
      %add3A_111 = arith.addf %get3A_108, %add3A_110 : vector<16xf32>
      %div3A = arith.constant 1.000000e+00 : f32
      %div3A_112 = vector.broadcast %div3A : f32 to vector<16xf32>
      %div3A_113 = arith.divf %div3A_112, %add3A_111 : vector<16xf32>
      %get3A_114 = arith.index_cast %add3A_107 : i32 to index
      %get3A_115 = tpu.vector_load %arg9[%get3A_114] {strides = array<i32>} : memref<1024xf32, #tpu.memory_space<vmem>>, vector<16xf32>,
      %mul3A_116 = arith.mulf %get3A_115, %div3A_113 : vector<16xf32>
      %swap3A = arith.constant 0 : i32
      %swap3A_117 = arith.constant 0 : i32
      %swap3A_118 = arith.index_cast %swap3A : i32 to index
      %swap3A_119 = arith.index_cast %swap3A_117 : i32 to index
      %swap3A_120 = arith.index_cast %mul3A_105 : i32 to index
      %swap3A_121 = tpu.vector_load %arg7[%swap3A_118, %swap3A_119, %swap3A_120] {strides = array<i32>} : memref<3x8x128xf32, #tpu.memory_space<vmem>>, vector<16xf32>,
      tpu.vector_store %arg7[%swap3A_118, %swap3A_119, %swap3A_120], %mul3A_116 {strides = array<i32>} : memref<3x8x128xf32, #tpu.memory_space<vmem>>, vector<16xf32>,
      %get3A_122 = arith.index_cast %add3A_107 : i32 to index
      %get3A_123 = tpu.vector_load %arg10[%get3A_122] {strides = array<i32>} : memref<1024xf32, #tpu.memory_space<vmem>>, vector<16xf32>,
      %mul3A_124 = arith.mulf %get3A_123, %div3A_113 : vector<16xf32>
      %swap3A_125 = arith.constant 1 : i32
      %swap3A_126 = arith.constant 0 : i32
      %swap3A_127 = arith.index_cast %swap3A_125 : i32 to index
      %swap3A_128 = arith.index_cast %swap3A_126 : i32 to index
      %swap3A_129 = arith.index_cast %mul3A_105 : i32 to index
      %swap3A_130 = tpu.vector_load %arg7[%swap3A_127, %swap3A_128, %swap3A_129] {strides = array<i32>} : memref<3x8x128xf32, #tpu.memory_space<vmem>>, vector<16xf32>,
      tpu.vector_store %arg7[%swap3A_127, %swap3A_128, %swap3A_129], %mul3A_124 {strides = array<i32>} : memref<3x8x128xf32, #tpu.memory_space<vmem>>, vector<16xf32>,
      %get3A_131 = arith.index_cast %add3A_107 : i32 to index
      %get3A_132 = tpu.vector_load %arg11[%get3A_131] {strides = array<i32>} : memref<1024xf32, #tpu.memory_space<vmem>>, vector<16xf32>,
      %mul3A_133 = arith.mulf %get3A_132, %div3A_113 : vector<16xf32>
      %swap3A_134 = arith.constant 2 : i32
      %swap3A_135 = arith.constant 0 : i32
      %swap3A_136 = arith.index_cast %swap3A_134 : i32 to index
      %swap3A_137 = arith.index_cast %swap3A_135 : i32 to index
      %swap3A_138 = arith.index_cast %mul3A_105 : i32 to index
      %swap3A_139 = tpu.vector_load %arg7[%swap3A_136, %swap3A_137, %swap3A_138] {strides = array<i32>} : memref<3x8x128xf32, #tpu.memory_space<vmem>>, vector<16xf32>,
      tpu.vector_store %arg7[%swap3A_136, %swap3A_137, %swap3A_138], %mul3A_133 {strides = array<i32>} : memref<3x8x128xf32, #tpu.memory_space<vmem>>, vector<16xf32>,
      %add3A_140 = arith.constant 128 : i32
      %add3A_141 = arith.addi %add3A_140, %mul3A_105 : i32
      %get3A_142 = arith.index_cast %add3A_141 : i32 to index
      %get3A_143 = tpu.vector_load %arg12[%get3A_142] {strides = array<i32>} : memref<1024xf32, #tpu.memory_space<vmem>>, vector<16xf32>,
      %add3A_144 = arith.constant 9.99999974E-5 : f32
      %add3A_145 = vector.broadcast %add3A_144 : f32 to vector<16xf32>
      %add3A_146 = arith.addf %get3A_143, %add3A_145 : vector<16xf32>
      %div3A_147 = arith.constant 1.000000e+00 : f32
      %div3A_148 = vector.broadcast %div3A_147 : f32 to vector<16xf32>
      %div3A_149 = arith.divf %div3A_148, %add3A_146 : vector<16xf32>
      %get3A_150 = arith.index_cast %add3A_141 : i32 to index
      %get3A_151 = tpu.vector_load %arg9[%get3A_150] {strides = array<i32>} : memref<1024xf32, #tpu.memory_space<vmem>>, vector<16xf32>,
      %mul3A_152 = arith.mulf %get3A_151, %div3A_149 : vector<16xf32>
      %swap3A_153 = arith.constant 0 : i32
      %swap3A_154 = arith.constant 1 : i32
      %swap3A_155 = arith.index_cast %swap3A_153 : i32 to index
      %swap3A_156 = arith.index_cast %swap3A_154 : i32 to index
      %swap3A_157 = arith.index_cast %mul3A_105 : i32 to index
      %swap3A_158 = tpu.vector_load %arg7[%swap3A_155, %swap3A_156, %swap3A_157] {strides = array<i32>} : memref<3x8x128xf32, #tpu.memory_space<vmem>>, vector<16xf32>,
      tpu.vector_store %arg7[%swap3A_155, %swap3A_156, %swap3A_157], %mul3A_152 {strides = array<i32>} : memref<3x8x128xf32, #tpu.memory_space<vmem>>, vector<16xf32>,
      %get3A_159 = arith.index_cast %add3A_141 : i32 to index
      %get3A_160 = tpu.vector_load %arg10[%get3A_159] {strides = array<i32>} : memref<1024xf32, #tpu.memory_space<vmem>>, vector<16xf32>,
      %mul3A_161 = arith.mulf %get3A_160, %div3A_149 : vector<16xf32>
      %swap3A_162 = arith.constant 1 : i32
      %swap3A_163 = arith.constant 1 : i32
      %swap3A_164 = arith.index_cast %swap3A_162 : i32 to index
      %swap3A_165 = arith.index_cast %swap3A_163 : i32 to index
      %swap3A_166 = arith.index_cast %mul3A_105 : i32 to index
      %swap3A_167 = tpu.vector_load %arg7[%swap3A_164, %swap3A_165, %swap3A_166] {strides = array<i32>} : memref<3x8x128xf32, #tpu.memory_space<vmem>>, vector<16xf32>,
      tpu.vector_store %arg7[%swap3A_164, %swap3A_165, %swap3A_166], %mul3A_161 {strides = array<i32>} : memref<3x8x128xf32, #tpu.memory_space<vmem>>, vector<16xf32>,
      %get3A_168 = arith.index_cast %add3A_141 : i32 to index
      %get3A_169 = tpu.vector_load %arg11[%get3A_168] {strides = array<i32>} : memref<1024xf32, #tpu.memory_space<vmem>>, vector<16xf32>,
      %mul3A_170 = arith.mulf %get3A_169, %div3A_149 : vector<16xf32>
      %swap3A_171 = arith.constant 2 : i32
      %swap3A_172 = arith.constant 1 : i32
      %swap3A_173 = arith.index_cast %swap3A_171 : i32 to index
      %swap3A_174 = arith.index_cast %swap3A_172 : i32 to index
      %swap3A_175 = arith.index_cast %mul3A_105 : i32 to index
      %swap3A_176 = tpu.vector_load %arg7[%swap3A_173, %swap3A_174, %swap3A_175] {strides = array<i32>} : memref<3x8x128xf32, #tpu.memory_space<vmem>>, vector<16xf32>,
      tpu.vector_store %arg7[%swap3A_173, %swap3A_174, %swap3A_175], %mul3A_170 {strides = array<i32>} : memref<3x8x128xf32, #tpu.memory_space<vmem>>, vector<16xf32>,
      %add3A_177 = arith.constant 256 : i32
      %add3A_178 = arith.addi %add3A_177, %mul3A_105 : i32
      %get3A_179 = arith.index_cast %add3A_178 : i32 to index
      %get3A_180 = tpu.vector_load %arg12[%get3A_179] {strides = array<i32>} : memref<1024xf32, #tpu.memory_space<vmem>>, vector<16xf32>,
      %add3A_181 = arith.constant 9.99999974E-5 : f32
      %add3A_182 = vector.broadcast %add3A_181 : f32 to vector<16xf32>
      %add3A_183 = arith.addf %get3A_180, %add3A_182 : vector<16xf32>
      %div3A_184 = arith.constant 1.000000e+00 : f32
      %div3A_185 = vector.broadcast %div3A_184 : f32 to vector<16xf32>
      %div3A_186 = arith.divf %div3A_185, %add3A_183 : vector<16xf32>
      %get3A_187 = arith.index_cast %add3A_178 : i32 to index
      %get3A_188 = tpu.vector_load %arg9[%get3A_187] {strides = array<i32>} : memref<1024xf32, #tpu.memory_space<vmem>>, vector<16xf32>,
      %mul3A_189 = arith.mulf %get3A_188, %div3A_186 : vector<16xf32>
      %swap3A_190 = arith.constant 0 : i32
      %swap3A_191 = arith.constant 2 : i32
      %swap3A_192 = arith.index_cast %swap3A_190 : i32 to index
      %swap3A_193 = arith.index_cast %swap3A_191 : i32 to index
      %swap3A_194 = arith.index_cast %mul3A_105 : i32 to index
      %swap3A_195 = tpu.vector_load %arg7[%swap3A_192, %swap3A_193, %swap3A_194] {strides = array<i32>} : memref<3x8x128xf32, #tpu.memory_space<vmem>>, vector<16xf32>,
      tpu.vector_store %arg7[%swap3A_192, %swap3A_193, %swap3A_194], %mul3A_189 {strides = array<i32>} : memref<3x8x128xf32, #tpu.memory_space<vmem>>, vector<16xf32>,
      %get3A_196 = arith.index_cast %add3A_178 : i32 to index
      %get3A_197 = tpu.vector_load %arg10[%get3A_196] {strides = array<i32>} : memref<1024xf32, #tpu.memory_space<vmem>>, vector<16xf32>,
      %mul3A_198 = arith.mulf %get3A_197, %div3A_186 : vector<16xf32>
      %swap3A_199 = arith.constant 1 : i32
      %swap3A_200 = arith.constant 2 : i32
      %swap3A_201 = arith.index_cast %swap3A_199 : i32 to index
      %swap3A_202 = arith.index_cast %swap3A_200 : i32 to index
      %swap3A_203 = arith.index_cast %mul3A_105 : i32 to index
      %swap3A_204 = tpu.vector_load %arg7[%swap3A_201, %swap3A_202, %swap3A_203] {strides = array<i32>} : memref<3x8x128xf32, #tpu.memory_space<vmem>>, vector<16xf32>,
      tpu.vector_store %arg7[%swap3A_201, %swap3A_202, %swap3A_203], %mul3A_198 {strides = array<i32>} : memref<3x8x128xf32, #tpu.memory_space<vmem>>, vector<16xf32>,
      %get3A_205 = arith.index_cast %add3A_178 : i32 to index
      %get3A_206 = tpu.vector_load %arg11[%get3A_205] {strides = array<i32>} : memref<1024xf32, #tpu.memory_space<vmem>>, vector<16xf32>,
      %mul3A_207 = arith.mulf %get3A_206, %div3A_186 : vector<16xf32>
      %swap3A_208 = arith.constant 2 : i32
      %swap3A_209 = arith.constant 2 : i32
      %swap3A_210 = arith.index_cast %swap3A_208 : i32 to index
      %swap3A_211 = arith.index_cast %swap3A_209 : i32 to index
      %swap3A_212 = arith.index_cast %mul3A_105 : i32 to index
      %swap3A_213 = tpu.vector_load %arg7[%swap3A_210, %swap3A_211, %swap3A_212] {strides = array<i32>} : memref<3x8x128xf32, #tpu.memory_space<vmem>>, vector<16xf32>,
      tpu.vector_store %arg7[%swap3A_210, %swap3A_211, %swap3A_212], %mul3A_207 {strides = array<i32>} : memref<3x8x128xf32, #tpu.memory_space<vmem>>, vector<16xf32>,
      %add3A_214 = arith.constant 384 : i32
      %add3A_215 = arith.addi %add3A_214, %mul3A_105 : i32
      %get3A_216 = arith.index_cast %add3A_215 : i32 to index
      %get3A_217 = tpu.vector_load %arg12[%get3A_216] {strides = array<i32>} : memref<1024xf32, #tpu.memory_space<vmem>>, vector<16xf32>,
      %add3A_218 = arith.constant 9.99999974E-5 : f32
      %add3A_219 = vector.broadcast %add3A_218 : f32 to vector<16xf32>
      %add3A_220 = arith.addf %get3A_217, %add3A_219 : vector<16xf32>
      %div3A_221 = arith.constant 1.000000e+00 : f32
      %div3A_222 = vector.broadcast %div3A_221 : f32 to vector<16xf32>
      %div3A_223 = arith.divf %div3A_222, %add3A_220 : vector<16xf32>
      %get3A_224 = arith.index_cast %add3A_215 : i32 to index
      %get3A_225 = tpu.vector_load %arg9[%get3A_224] {strides = array<i32>} : memref<1024xf32, #tpu.memory_space<vmem>>, vector<16xf32>,
      %mul3A_226 = arith.mulf %get3A_225, %div3A_223 : vector<16xf32>
      %swap3A_227 = arith.constant 0 : i32
      %swap3A_228 = arith.constant 3 : i32
      %swap3A_229 = arith.index_cast %swap3A_227 : i32 to index
      %swap3A_230 = arith.index_cast %swap3A_228 : i32 to index
      %swap3A_231 = arith.index_cast %mul3A_105 : i32 to index
      %swap3A_232 = tpu.vector_load %arg7[%swap3A_229, %swap3A_230, %swap3A_231] {strides = array<i32>} : memref<3x8x128xf32, #tpu.memory_space<vmem>>, vector<16xf32>,
      tpu.vector_store %arg7[%swap3A_229, %swap3A_230, %swap3A_231], %mul3A_226 {strides = array<i32>} : memref<3x8x128xf32, #tpu.memory_space<vmem>>, vector<16xf32>,
      %get3A_233 = arith.index_cast %add3A_215 : i32 to index
      %get3A_234 = tpu.vector_load %arg10[%get3A_233] {strides = array<i32>} : memref<1024xf32, #tpu.memory_space<vmem>>, vector<16xf32>,
      %mul3A_235 = arith.mulf %get3A_234, %div3A_223 : vector<16xf32>
      %swap3A_236 = arith.constant 1 : i32
      %swap3A_237 = arith.constant 3 : i32
      %swap3A_238 = arith.index_cast %swap3A_236 : i32 to index
      %swap3A_239 = arith.index_cast %swap3A_237 : i32 to index
      %swap3A_240 = arith.index_cast %mul3A_105 : i32 to index
      %swap3A_241 = tpu.vector_load %arg7[%swap3A_238, %swap3A_239, %swap3A_240] {strides = array<i32>} : memref<3x8x128xf32, #tpu.memory_space<vmem>>, vector<16xf32>,
      tpu.vector_store %arg7[%swap3A_238, %swap3A_239, %swap3A_240], %mul3A_235 {strides = array<i32>} : memref<3x8x128xf32, #tpu.memory_space<vmem>>, vector<16xf32>,
      %get3A_242 = arith.index_cast %add3A_215 : i32 to index
      %get3A_243 = tpu.vector_load %arg11[%get3A_242] {strides = array<i32>} : memref<1024xf32, #tpu.memory_space<vmem>>, vector<16xf32>,
      %mul3A_244 = arith.mulf %get3A_243, %div3A_223 : vector<16xf32>
      %swap3A_245 = arith.constant 2 : i32
      %swap3A_246 = arith.constant 3 : i32
      %swap3A_247 = arith.index_cast %swap3A_245 : i32 to index
      %swap3A_248 = arith.index_cast %swap3A_246 : i32 to index
      %swap3A_249 = arith.index_cast %mul3A_105 : i32 to index
      %swap3A_250 = tpu.vector_load %arg7[%swap3A_247, %swap3A_248, %swap3A_249] {strides = array<i32>} : memref<3x8x128xf32, #tpu.memory_space<vmem>>, vector<16xf32>,
      tpu.vector_store %arg7[%swap3A_247, %swap3A_248, %swap3A_249], %mul3A_244 {strides = array<i32>} : memref<3x8x128xf32, #tpu.memory_space<vmem>>, vector<16xf32>,
      %add3A_251 = arith.constant 512 : i32
      %add3A_252 = arith.addi %add3A_251, %mul3A_105 : i32
      %get3A_253 = arith.index_cast %add3A_252 : i32 to index
      %get3A_254 = tpu.vector_load %arg12[%get3A_253] {strides = array<i32>} : memref<1024xf32, #tpu.memory_space<vmem>>, vector<16xf32>,
      %add3A_255 = arith.constant 9.99999974E-5 : f32
      %add3A_256 = vector.broadcast %add3A_255 : f32 to vector<16xf32>
      %add3A_257 = arith.addf %get3A_254, %add3A_256 : vector<16xf32>
      %div3A_258 = arith.constant 1.000000e+00 : f32
      %div3A_259 = vector.broadcast %div3A_258 : f32 to vector<16xf32>
      %div3A_260 = arith.divf %div3A_259, %add3A_257 : vector<16xf32>
      %get3A_261 = arith.index_cast %add3A_252 : i32 to index
      %get3A_262 = tpu.vector_load %arg9[%get3A_261] {strides = array<i32>} : memref<1024xf32, #tpu.memory_space<vmem>>, vector<16xf32>,
      %mul3A_263 = arith.mulf %get3A_262, %div3A_260 : vector<16xf32>
      %swap3A_264 = arith.constant 0 : i32
      %swap3A_265 = arith.constant 4 : i32
      %swap3A_266 = arith.index_cast %swap3A_264 : i32 to index
      %swap3A_267 = arith.index_cast %swap3A_265 : i32 to index
      %swap3A_268 = arith.index_cast %mul3A_105 : i32 to index
      %swap3A_269 = tpu.vector_load %arg7[%swap3A_266, %swap3A_267, %swap3A_268] {strides = array<i32>} : memref<3x8x128xf32, #tpu.memory_space<vmem>>, vector<16xf32>,
      tpu.vector_store %arg7[%swap3A_266, %swap3A_267, %swap3A_268], %mul3A_263 {strides = array<i32>} : memref<3x8x128xf32, #tpu.memory_space<vmem>>, vector<16xf32>,
      %get3A_270 = arith.index_cast %add3A_252 : i32 to index
      %get3A_271 = tpu.vector_load %arg10[%get3A_270] {strides = array<i32>} : memref<1024xf32, #tpu.memory_space<vmem>>, vector<16xf32>,
      %mul3A_272 = arith.mulf %get3A_271, %div3A_260 : vector<16xf32>
      %swap3A_273 = arith.constant 1 : i32
      %swap3A_274 = arith.constant 4 : i32
      %swap3A_275 = arith.index_cast %swap3A_273 : i32 to index
      %swap3A_276 = arith.index_cast %swap3A_274 : i32 to index
      %swap3A_277 = arith.index_cast %mul3A_105 : i32 to index
      %swap3A_278 = tpu.vector_load %arg7[%swap3A_275, %swap3A_276, %swap3A_277] {strides = array<i32>} : memref<3x8x128xf32, #tpu.memory_space<vmem>>, vector<16xf32>,
      tpu.vector_store %arg7[%swap3A_275, %swap3A_276, %swap3A_277], %mul3A_272 {strides = array<i32>} : memref<3x8x128xf32, #tpu.memory_space<vmem>>, vector<16xf32>,
      %get3A_279 = arith.index_cast %add3A_252 : i32 to index
      %get3A_280 = tpu.vector_load %arg11[%get3A_279] {strides = array<i32>} : memref<1024xf32, #tpu.memory_space<vmem>>, vector<16xf32>,
      %mul3A_281 = arith.mulf %get3A_280, %div3A_260 : vector<16xf32>
      %swap3A_282 = arith.constant 2 : i32
      %swap3A_283 = arith.constant 4 : i32
      %swap3A_284 = arith.index_cast %swap3A_282 : i32 to index
      %swap3A_285 = arith.index_cast %swap3A_283 : i32 to index
      %swap3A_286 = arith.index_cast %mul3A_105 : i32 to index
      %swap3A_287 = tpu.vector_load %arg7[%swap3A_284, %swap3A_285, %swap3A_286] {strides = array<i32>} : memref<3x8x128xf32, #tpu.memory_space<vmem>>, vector<16xf32>,
      tpu.vector_store %arg7[%swap3A_284, %swap3A_285, %swap3A_286], %mul3A_281 {strides = array<i32>} : memref<3x8x128xf32, #tpu.memory_space<vmem>>, vector<16xf32>,
      %add3A_288 = arith.constant 640 : i32
      %add3A_289 = arith.addi %add3A_288, %mul3A_105 : i32
      %get3A_290 = arith.index_cast %add3A_289 : i32 to index
      %get3A_291 = tpu.vector_load %arg12[%get3A_290] {strides = array<i32>} : memref<1024xf32, #tpu.memory_space<vmem>>, vector<16xf32>,
      %add3A_292 = arith.constant 9.99999974E-5 : f32
      %add3A_293 = vector.broadcast %add3A_292 : f32 to vector<16xf32>
      %add3A_294 = arith.addf %get3A_291, %add3A_293 : vector<16xf32>
      %div3A_295 = arith.constant 1.000000e+00 : f32
      %div3A_296 = vector.broadcast %div3A_295 : f32 to vector<16xf32>
      %div3A_297 = arith.divf %div3A_296, %add3A_294 : vector<16xf32>
      %get3A_298 = arith.index_cast %add3A_289 : i32 to index
      %get3A_299 = tpu.vector_load %arg9[%get3A_298] {strides = array<i32>} : memref<1024xf32, #tpu.memory_space<vmem>>, vector<16xf32>,
      %mul3A_300 = arith.mulf %get3A_299, %div3A_297 : vector<16xf32>
      %swap3A_301 = arith.constant 0 : i32
      %swap3A_302 = arith.constant 5 : i32
      %swap3A_303 = arith.index_cast %swap3A_301 : i32 to index
      %swap3A_304 = arith.index_cast %swap3A_302 : i32 to index
      %swap3A_305 = arith.index_cast %mul3A_105 : i32 to index
      %swap3A_306 = tpu.vector_load %arg7[%swap3A_303, %swap3A_304, %swap3A_305] {strides = array<i32>} : memref<3x8x128xf32, #tpu.memory_space<vmem>>, vector<16xf32>,
      tpu.vector_store %arg7[%swap3A_303, %swap3A_304, %swap3A_305], %mul3A_300 {strides = array<i32>} : memref<3x8x128xf32, #tpu.memory_space<vmem>>, vector<16xf32>,
      %get3A_307 = arith.index_cast %add3A_289 : i32 to index
      %get3A_308 = tpu.vector_load %arg10[%get3A_307] {strides = array<i32>} : memref<1024xf32, #tpu.memory_space<vmem>>, vector<16xf32>,
      %mul3A_309 = arith.mulf %get3A_308, %div3A_297 : vector<16xf32>
      %swap3A_310 = arith.constant 1 : i32
      %swap3A_311 = arith.constant 5 : i32
      %swap3A_312 = arith.index_cast %swap3A_310 : i32 to index
      %swap3A_313 = arith.index_cast %swap3A_311 : i32 to index
      %swap3A_314 = arith.index_cast %mul3A_105 : i32 to index
      %swap3A_315 = tpu.vector_load %arg7[%swap3A_312, %swap3A_313, %swap3A_314] {strides = array<i32>} : memref<3x8x128xf32, #tpu.memory_space<vmem>>, vector<16xf32>,
      tpu.vector_store %arg7[%swap3A_312, %swap3A_313, %swap3A_314], %mul3A_309 {strides = array<i32>} : memref<3x8x128xf32, #tpu.memory_space<vmem>>, vector<16xf32>,
      %get3A_316 = arith.index_cast %add3A_289 : i32 to index
      %get3A_317 = tpu.vector_load %arg11[%get3A_316] {strides = array<i32>} : memref<1024xf32, #tpu.memory_space<vmem>>, vector<16xf32>,
      %mul3A_318 = arith.mulf %get3A_317, %div3A_297 : vector<16xf32>
      %swap3A_319 = arith.constant 2 : i32
      %swap3A_320 = arith.constant 5 : i32
      %swap3A_321 = arith.index_cast %swap3A_319 : i32 to index
      %swap3A_322 = arith.index_cast %swap3A_320 : i32 to index
      %swap3A_323 = arith.index_cast %mul3A_105 : i32 to index
      %swap3A_324 = tpu.vector_load %arg7[%swap3A_321, %swap3A_322, %swap3A_323] {strides = array<i32>} : memref<3x8x128xf32, #tpu.memory_space<vmem>>, vector<16xf32>,
      tpu.vector_store %arg7[%swap3A_321, %swap3A_322, %swap3A_323], %mul3A_318 {strides = array<i32>} : memref<3x8x128xf32, #tpu.memory_space<vmem>>, vector<16xf32>,
      %add3A_325 = arith.constant 768 : i32
      %add3A_326 = arith.addi %add3A_325, %mul3A_105 : i32
      %get3A_327 = arith.index_cast %add3A_326 : i32 to index
      %get3A_328 = tpu.vector_load %arg12[%get3A_327] {strides = array<i32>} : memref<1024xf32, #tpu.memory_space<vmem>>, vector<16xf32>,
      %add3A_329 = arith.constant 9.99999974E-5 : f32
      %add3A_330 = vector.broadcast %add3A_329 : f32 to vector<16xf32>
      %add3A_331 = arith.addf %get3A_328, %add3A_330 : vector<16xf32>
      %div3A_332 = arith.constant 1.000000e+00 : f32
      %div3A_333 = vector.broadcast %div3A_332 : f32 to vector<16xf32>
      %div3A_334 = arith.divf %div3A_333, %add3A_331 : vector<16xf32>
      %get3A_335 = arith.index_cast %add3A_326 : i32 to index
      %get3A_336 = tpu.vector_load %arg9[%get3A_335] {strides = array<i32>} : memref<1024xf32, #tpu.memory_space<vmem>>, vector<16xf32>,
      %mul3A_337 = arith.mulf %get3A_336, %div3A_334 : vector<16xf32>
      %swap3A_338 = arith.constant 0 : i32
      %swap3A_339 = arith.constant 6 : i32
      %swap3A_340 = arith.index_cast %swap3A_338 : i32 to index
      %swap3A_341 = arith.index_cast %swap3A_339 : i32 to index
      %swap3A_342 = arith.index_cast %mul3A_105 : i32 to index
      %swap3A_343 = tpu.vector_load %arg7[%swap3A_340, %swap3A_341, %swap3A_342] {strides = array<i32>} : memref<3x8x128xf32, #tpu.memory_space<vmem>>, vector<16xf32>,
      tpu.vector_store %arg7[%swap3A_340, %swap3A_341, %swap3A_342], %mul3A_337 {strides = array<i32>} : memref<3x8x128xf32, #tpu.memory_space<vmem>>, vector<16xf32>,
      %get3A_344 = arith.index_cast %add3A_326 : i32 to index
      %get3A_345 = tpu.vector_load %arg10[%get3A_344] {strides = array<i32>} : memref<1024xf32, #tpu.memory_space<vmem>>, vector<16xf32>,
      %mul3A_346 = arith.mulf %get3A_345, %div3A_334 : vector<16xf32>
      %swap3A_347 = arith.constant 1 : i32
      %swap3A_348 = arith.constant 6 : i32
      %swap3A_349 = arith.index_cast %swap3A_347 : i32 to index
      %swap3A_350 = arith.index_cast %swap3A_348 : i32 to index
      %swap3A_351 = arith.index_cast %mul3A_105 : i32 to index
      %swap3A_352 = tpu.vector_load %arg7[%swap3A_349, %swap3A_350, %swap3A_351] {strides = array<i32>} : memref<3x8x128xf32, #tpu.memory_space<vmem>>, vector<16xf32>,
      tpu.vector_store %arg7[%swap3A_349, %swap3A_350, %swap3A_351], %mul3A_346 {strides = array<i32>} : memref<3x8x128xf32, #tpu.memory_space<vmem>>, vector<16xf32>,
      %get3A_353 = arith.index_cast %add3A_326 : i32 to index
      %get3A_354 = tpu.vector_load %arg11[%get3A_353] {strides = array<i32>} : memref<1024xf32, #tpu.memory_space<vmem>>, vector<16xf32>,
      %mul3A_355 = arith.mulf %get3A_354, %div3A_334 : vector<16xf32>
      %swap3A_356 = arith.constant 2 : i32
      %swap3A_357 = arith.constant 6 : i32
      %swap3A_358 = arith.index_cast %swap3A_356 : i32 to index
      %swap3A_359 = arith.index_cast %swap3A_357 : i32 to index
      %swap3A_360 = arith.index_cast %mul3A_105 : i32 to index
      %swap3A_361 = tpu.vector_load %arg7[%swap3A_358, %swap3A_359, %swap3A_360] {strides = array<i32>} : memref<3x8x128xf32, #tpu.memory_space<vmem>>, vector<16xf32>,
      tpu.vector_store %arg7[%swap3A_358, %swap3A_359, %swap3A_360], %mul3A_355 {strides = array<i32>} : memref<3x8x128xf32, #tpu.memory_space<vmem>>, vector<16xf32>,
      %add3A_362 = arith.constant 896 : i32
      %add3A_363 = arith.addi %add3A_362, %mul3A_105 : i32
      %get3A_364 = arith.index_cast %add3A_363 : i32 to index
      %get3A_365 = tpu.vector_load %arg12[%get3A_364] {strides = array<i32>} : memref<1024xf32, #tpu.memory_space<vmem>>, vector<16xf32>,
      %add3A_366 = arith.constant 9.99999974E-5 : f32
      %add3A_367 = vector.broadcast %add3A_366 : f32 to vector<16xf32>
      %add3A_368 = arith.addf %get3A_365, %add3A_367 : vector<16xf32>
      %div3A_369 = arith.constant 1.000000e+00 : f32
      %div3A_370 = vector.broadcast %div3A_369 : f32 to vector<16xf32>
      %div3A_371 = arith.divf %div3A_370, %add3A_368 : vector<16xf32>
      %get3A_372 = arith.index_cast %add3A_363 : i32 to index
      %get3A_373 = tpu.vector_load %arg9[%get3A_372] {strides = array<i32>} : memref<1024xf32, #tpu.memory_space<vmem>>, vector<16xf32>,
      %mul3A_374 = arith.mulf %get3A_373, %div3A_371 : vector<16xf32>
      %swap3A_375 = arith.constant 0 : i32
      %swap3A_376 = arith.constant 7 : i32
      %swap3A_377 = arith.index_cast %swap3A_375 : i32 to index
      %swap3A_378 = arith.index_cast %swap3A_376 : i32 to index
      %swap3A_379 = arith.index_cast %mul3A_105 : i32 to index
      %swap3A_380 = tpu.vector_load %arg7[%swap3A_377, %swap3A_378, %swap3A_379] {strides = array<i32>} : memref<3x8x128xf32, #tpu.memory_space<vmem>>, vector<16xf32>,
      tpu.vector_store %arg7[%swap3A_377, %swap3A_378, %swap3A_379], %mul3A_374 {strides = array<i32>} : memref<3x8x128xf32, #tpu.memory_space<vmem>>, vector<16xf32>,
      %get3A_381 = arith.index_cast %add3A_363 : i32 to index
      %get3A_382 = tpu.vector_load %arg10[%get3A_381] {strides = array<i32>} : memref<1024xf32, #tpu.memory_space<vmem>>, vector<16xf32>,
      %mul3A_383 = arith.mulf %get3A_382, %div3A_371 : vector<16xf32>
      %swap3A_384 = arith.constant 1 : i32
      %swap3A_385 = arith.constant 7 : i32
      %swap3A_386 = arith.index_cast %swap3A_384 : i32 to index
      %swap3A_387 = arith.index_cast %swap3A_385 : i32 to index
      %swap3A_388 = arith.index_cast %mul3A_105 : i32 to index
      %swap3A_389 = tpu.vector_load %arg7[%swap3A_386, %swap3A_387, %swap3A_388] {strides = array<i32>} : memref<3x8x128xf32, #tpu.memory_space<vmem>>, vector<16xf32>,
      tpu.vector_store %arg7[%swap3A_386, %swap3A_387, %swap3A_388], %mul3A_383 {strides = array<i32>} : memref<3x8x128xf32, #tpu.memory_space<vmem>>, vector<16xf32>,
      %get3A_390 = arith.index_cast %add3A_363 : i32 to index
      %get3A_391 = tpu.vector_load %arg11[%get3A_390] {strides = array<i32>} : memref<1024xf32, #tpu.memory_space<vmem>>, vector<16xf32>,
      %mul3A_392 = arith.mulf %get3A_391, %div3A_371 : vector<16xf32>
      %swap3A_393 = arith.constant 2 : i32
      %swap3A_394 = arith.constant 7 : i32
      %swap3A_395 = arith.index_cast %swap3A_393 : i32 to index
      %swap3A_396 = arith.index_cast %swap3A_394 : i32 to index
      %swap3A_397 = arith.index_cast %mul3A_105 : i32 to index
      %swap3A_398 = tpu.vector_load %arg7[%swap3A_395, %swap3A_396, %swap3A_397] {strides = array<i32>} : memref<3x8x128xf32, #tpu.memory_space<vmem>>, vector<16xf32>,
      tpu.vector_store %arg7[%swap3A_395, %swap3A_396, %swap3A_397], %mul3A_392 {strides = array<i32>} : memref<3x8x128xf32, #tpu.memory_space<vmem>>, vector<16xf32>,
    }
    %scan3A_102 = arith.constant 8 : i32
    "tpu.region"() ({
      %run_scoped3A = tpu.sem_alloc : memref<!tpu.dma_semaphore, #tpu.memory_space<semaphore_mem>>
      %dma_start3A_103 = arith.constant 0 : i32
      %dma_start3A_104 = arith.constant 0 : i32
      %dma_start3A_105 = tpu.memref_slice %arg3[%dma_start3A_103, %dma_start3A_104, %mul3A_2] : memref<3x8x4096xf32, #tpu.memory_space<hbm>> -> memref<3x8x128xf32, #tpu.memory_space<hbm>>
      %dma_start3A_106 = arith.constant 0 : i32
      %dma_start3A_107 = arith.constant 0 : i32
      %dma_start3A_108 = tpu.memref_slice %arg3[%dma_start3A_106, %dma_start3A_107, %mul3A_2] : memref<3x8x4096xf32, #tpu.memory_space<hbm>> -> memref<3x8x128xf32, #tpu.memory_space<hbm>>
      tpu.enqueue_dma source(%arg7 : memref<3x8x128xf32, #tpu.memory_space<vmem>>) target(%dma_start3A_108 : memref<3x8x128xf32, #tpu.memory_space<hbm>>) target_semaphore(%run_scoped3A : memref<!tpu.dma_semaphore, #tpu.memory_space<semaphore_mem>>)
      %dma_wait3A_109 = arith.constant 0 : i32
      %dma_wait3A_110 = arith.constant 0 : i32
      %dma_wait3A_111 = tpu.memref_slice %arg3[%dma_wait3A_109, %dma_wait3A_110, %mul3A_2] : memref<3x8x4096xf32, #tpu.memory_space<hbm>> -> memref<3x8x128xf32, #tpu.memory_space<hbm>>
      %dma_wait3A_112 = arith.constant 0 : i32
      %dma_wait3A_113 = arith.constant 0 : i32
      %dma_wait3A_114 = tpu.memref_slice %arg3[%dma_wait3A_112, %dma_wait3A_113, %mul3A_2] : memref<3x8x4096xf32, #tpu.memory_space<hbm>> -> memref<3x8x128xf32, #tpu.memory_space<hbm>>
      tpu.wait_dma2 semaphore(%run_scoped3A : memref<!tpu.dma_semaphore, #tpu.memory_space<semaphore_mem>>) src(%arg7 : memref<3x8x128xf32, #tpu.memory_space<vmem>>) dst(%dma_wait3A_114 : memref<3x8x128xf32, #tpu.memory_space<hbm>>)
      tpu.yield
    }) : () -> ()
    "tpu.region"() ({
      %run_scoped3A = tpu.sem_alloc : memref<!tpu.dma_semaphore, #tpu.memory_space<semaphore_mem>>
      %dma_start3A_103 = arith.constant 0 : i32
      %dma_start3A_104 = tpu.memref_slice %arg4[%dma_start3A_103, %mul3A_2] : memref<64x4096xf32, #tpu.memory_space<hbm>> -> memref<64x128xf32, #tpu.memory_space<hbm>>
      %dma_start3A_105 = arith.constant 0 : i32
      %dma_start3A_106 = tpu.memref_slice %arg4[%dma_start3A_105, %mul3A_2] : memref<64x4096xf32, #tpu.memory_space<hbm>> -> memref<64x128xf32, #tpu.memory_space<hbm>>
      tpu.enqueue_dma source(%arg8 : memref<64x128xf32, #tpu.memory_space<vmem>>) target(%dma_start3A_106 : memref<64x128xf32, #tpu.memory_space<hbm>>) target_semaphore(%run_scoped3A : memref<!tpu.dma_semaphore, #tpu.memory_space<semaphore_mem>>)
      %dma_wait3A_107 = arith.constant 0 : i32
      %dma_wait3A_108 = tpu.memref_slice %arg4[%dma_wait3A_107, %mul3A_2] : memref<64x4096xf32, #tpu.memory_space<hbm>> -> memref<64x128xf32, #tpu.memory_space<hbm>>
      %dma_wait3A_109 = arith.constant 0 : i32
      %dma_wait3A_110 = tpu.memref_slice %arg4[%dma_wait3A_109, %mul3A_2] : memref<64x4096xf32, #tpu.memory_space<hbm>> -> memref<64x128xf32, #tpu.memory_space<hbm>>
      tpu.wait_dma2 semaphore(%run_scoped3A : memref<!tpu.dma_semaphore, #tpu.memory_space<semaphore_mem>>) src(%arg8 : memref<64x128xf32, #tpu.memory_space<vmem>>) dst(%dma_wait3A_110 : memref<64x128xf32, #tpu.memory_space<hbm>>)
      tpu.yield
    }) : () -> ()
    return
  }
}

</mosaic_0001>

<sc_bundles>
// kernel: kernel.3.cloned.1.call-start
scs
__scs_entry_jumppad:
0x0: {  	(pc) =	sbr.rel $0x88, $3  }
0x1: {  	(tag) =	ssettag $0x0;
	lr =	simm.s32 $0x1  }
0x2: {  	[smem:$0x3FA0] =	sst lr;
	_ =	strace $0xD0000000  }
0x3: {  	_ = 	snop  }
0x4: {  	_ = 	snop  }
0x5: {  	_ = 	snop  }
0x6: {  	_ = 	snop  }
0x7: {  	_ = 	snop  }
__scs_overlays_trampoline_lowered:
0x8: {  	[smem:$0x3FAF] =	sst s0  }
0x9: {  	[smem:$0x3FB0] =	sst s1  }
0xa: {  	[smem:$0x3FB1] =	sst s2  }
0xb: {  	[smem:$0x3FB2] =	sst s3  }
0xc: {  	[smem:$0x3FB3] =	sst s4  }
0xd: {  	[smem:$0x3FB4] =	sst s5  }
0xe: {  	[smem:$0x3FB5] =	sst s6  }
0xf: {  	[smem:$0x3FB6] =	sst s7  }
0x10: {  	[smem:$0x3FB7] =	sst s8  }
0x11: {  	[smem:$0x3FB8] =	sst s9;
	s0 =	simm.s32 @!p0 $0x0  }
0x12: {  	s1 =	sld [smem:$0x3F9E];
	s0 =	simm.s32 @p0 $0x1  }
0x13: {  	[smem:$0x3FB9] =	sst s0;
	s0 =	simm.s32 @!p1 $0x0  }
0x14: {  	s2 =	sld [smem:$0x3F9D];
	s0 =	simm.s32 @p1 $0x1  }
0x15: {  	[smem:$0x3FBA] =	sst s0;
	s0 =	simm.s32 @!p2 $0x0  }
0x16: {  	s3 =	sld [smem:$0x3FDB];
	s0 =	simm.s32 @p2 $0x1  }
0x17: {  	s4 =	simm.s32 $0x1BF5;
	[smem:$0x3FBC] =	sst s0  }
0x18: {  	s0 =	sld [smem:$0x3F9F];
	_ =	swait.ge [sflag:s4], $0x0  }
0x19: {  	s7 =	sld [smem:$0x3FA0]  }
0x1a: {  	s8 =	sadd.s32 $0xFFFFE003, lr  }
0x1b: {  	s9 =	sadd.s32 $0xFFFFFEF7, lr;
	s5 =	simm.s32 $0xFFFFFFFF;
	p2 =	slt.u32 s8, $0xFFFFF086  }
0x1c: {  	p1 =	slt.u32 s9, $0xF7A;
	s5 =	simm.s32 @!p2 $0x0  }
0x1d: {  	s5 =	simm.s32 @p1 $0x1;
	p0 =	seq.s32 s7, s2  }
0x1e: {  	s7 =	smul.u32 @!p0 $0xF7A, s2;
	p2 =	seq.s32 @!p0 s5, $0x0  }
0x1f: {  	s9 =	smul.u32 $0xF7A, s1;
	s8 =	simm.s32 @!p0 $0x1BF5;
	p2 =	por !p2, p0  }
0x20: {  	[sflag:s8] =	ssyncset.s32 @!p0 $0xFFFFF086;
	s6 =	sadd.s32 @!p0 s3, s7;
	s7 =	simm.s32 @!p0 $0x108  }
0x21: {  	s3 =	sadd.s32 s3, s9;
	s6 =	sadd.s32 @!p0 $0x88, s6;
	s7 =	simm.s32 @p2 $0x1082  }
0x22: {  	[simem:s7], [sflag:s8] =	dma.local @!p0 [hbm:s6], $0xF7A  }
0x23: {  	s9 =	sor.u32 $0xD0000000, s2;
	s6 =	simm.s32 $0x108;
	_ =	swait.ge @!p0 [sflag:s8], $0x0  }
0x24: {  	s3 =	sadd.s32 $0x88, s3;
	s6 =	simm.s32 @!p1 $0x1082;
	[sflag:s4] =	ssyncset.s32 $0xFFFFF086  }
0x25: {  	[simem:s6], [sflag:s4] =	dma.local [hbm:s3], $0xF7A  }
0x26: {  	[smem:$0x3FA0] =	sst s1;
	(tag) =	ssettag s2;
	_ =	strace s9  }
0x27: {  	s1 =	sld [smem:$0x3FB0]  }
0x28: {  	s2 =	sld [smem:$0x3FB1]  }
0x29: {  	s4 =	sld [smem:$0x3FB3]  }
0x2a: {  	p0 =	seq.s32 s5, $0x0;
	s5 =	sld [smem:$0x3FB4]  }
0x2b: {  	s6 =	sld [smem:$0x3FB5]  }
0x2c: {  	s7 =	sld [smem:$0x3FB6]  }
0x2d: {  	s3 =	simm.s32 $0x108;
	s8 =	sld [smem:$0x3FB7]  }
0x2e: {  	s3 =	simm.s32 @!p0 $0x1082;
	s9 =	sld [smem:$0x3FB8]  }
0x2f: {  	lr =	sadd.s32 s0, s3;
	s0 =	sld [smem:$0x3FAF]  }
0x30: {  	s3 =	sld [smem:$0x3FB2]  }
0x31: {  	[smem:$0x3FBB] =	sst s10  }
0x32: {  	s10 =	sld [smem:$0x3FB9];
	_ =	sdelay $0x3  }
0x33: {  	p0 =	seq.s32 s10, $0x1;
	s10 =	sld [smem:$0x3FBB];
	_ =	sdelay $0x3  }
0x34: {  	[smem:$0x3FBB] =	sst s10  }
0x35: {  	s10 =	sld [smem:$0x3FBA];
	_ =	sdelay $0x3  }
0x36: {  	p1 =	seq.s32 s10, $0x1;
	s10 =	sld [smem:$0x3FBB];
	_ =	sdelay $0x3  }
0x37: {  	[smem:$0x3FBB] =	sst s10  }
0x38: {  	s10 =	sld [smem:$0x3FBC]  }
0x39: {  	_ = 	snop;
	(pc) =	sbr.ind lr, $3  }
0x3a: {  	_ = 	snop  }
0x3b: {  	_ = 	snop  }
0x3c: {  	p2 =	seq.s32 s10, $0x1;
	s10 =	sld [smem:$0x3FBB]  }
0x3d: {  	_ =	shalt  }
0x3e: {  	_ =	shalt  }
0x3f: {  	_ =	shalt  }
0x40: {  	_ =	shalt  }
0x41: {  	_ =	shalt  }
0x42: {  	_ =	shalt  }
0x43: {  	_ =	shalt  }
0x44: {  	_ =	shalt  }
0x45: {  	_ =	shalt  }
0x46: {  	_ =	shalt  }
0x47: {  	_ =	shalt  }
0x48: {  	_ =	shalt  }
0x49: {  	_ =	shalt  }
0x4a: {  	_ =	shalt  }
0x4b: {  	_ =	shalt  }
0x4c: {  	_ =	shalt  }
0x4d: {  	_ =	shalt  }
0x4e: {  	_ =	shalt  }
0x4f: {  	_ =	shalt  }
0x50: {  	_ =	shalt  }
0x51: {  	_ =	shalt  }
0x52: {  	_ =	shalt  }
0x53: {  	_ =	shalt  }
0x54: {  	_ =	shalt  }
0x55: {  	_ =	shalt  }
0x56: {  	_ =	shalt  }
0x57: {  	_ =	shalt  }
0x58: {  	_ =	shalt  }
0x59: {  	_ =	shalt  }
0x5a: {  	_ =	shalt  }
0x5b: {  	_ =	shalt  }
0x5c: {  	_ =	shalt  }
0x5d: {  	_ =	shalt  }
0x5e: {  	_ =	shalt  }
0x5f: {  	_ =	shalt  }
0x60: {  	_ =	shalt  }
0x61: {  	_ =	shalt  }
0x62: {  	_ =	shalt  }
0x63: {  	_ =	shalt  }
0x64: {  	_ =	shalt  }
0x65: {  	_ =	shalt  }
0x66: {  	_ =	shalt  }
0x67: {  	_ =	shalt  }
0x68: {  	_ =	shalt  }
0x69: {  	_ =	shalt  }
0x6a: {  	_ =	shalt  }
0x6b: {  	_ =	shalt  }
0x6c: {  	_ =	shalt  }
0x6d: {  	_ =	shalt  }
0x6e: {  	_ =	shalt  }
0x6f: {  	_ =	shalt  }
0x70: {  	_ =	shalt  }
0x71: {  	_ =	shalt  }
0x72: {  	_ =	shalt  }
0x73: {  	_ =	shalt  }
0x74: {  	_ =	shalt  }
0x75: {  	_ =	shalt  }
0x76: {  	_ =	shalt  }
0x77: {  	_ =	shalt  }
0x78: {  	_ =	shalt  }
0x79: {  	_ =	shalt  }
0x7a: {  	_ =	shalt  }
0x7b: {  	_ =	shalt  }
0x7c: {  	_ =	shalt  }
0x7d: {  	_ =	shalt  }
0x7e: {  	_ =	shalt  }
0x7f: {  	_ =	shalt  }
0x80: {  	_ =	shalt  }
0x81: {  	_ =	shalt  }
0x82: {  	_ =	shalt  }
0x83: {  	_ =	shalt  }
0x84: {  	_ =	shalt  }
0x85: {  	_ =	shalt  }
0x86: {  	_ =	shalt  }
0x87: {  	_ =	shalt  }
.Lfunc_end0:
.L_simem_size_0:
called_computation_lowered:
.L_overlay_start_0:
0x88: {  	s2 =	sld [smem:$0x3FD9]  }
0x89: {  	s3 =	sld [smem:$0x3FFE];
	_ =	sdelay $0x1  }
0x8a: {  	s1 =	srdreg.scid  }
0x8b: {  	s0 =	sand.u32 $0x1, s1  }
0x8c: {  	s15 =	sshll.u32 s0, $0xA;
	s2 =	sadd.s32 s3, s2  }
0x8d: {  	s2 =	sadd.s32 s2, s15  }
0x8e: {  	[smem:$0x3FC7] =	sst s2  }
0x8f: {  	_ = 	snop  }
0x90: {  	s2 =	sld [smem:$0x3FD0];
	_ =	sdelay $0x2  }
0x91: {  	s4 =	simm.s32 $0xA;
	s5 =	simm.s32 $0x10;
	s16 =	sld [smem:$0x3FC9]  }
0x92: {  	[smem:s5], [sflag:s4] =	dma.local [hbm:s2], $0x1  }
0x93: {  	_ =	swait.eq [sflag:s4], $0x1  }
0x94: {  	[sflag:s4] =	ssyncset.done $0x0  }
0x95: {  	s17 =	sld [smem:$0x10];
	[sflag:s4] =	ssyncadd.s32 $0xFFFFFFFF  }
0x96: {  	s18 =	sld [smem:$0x11];
	(tm) =	ssettm $0x1  }
0x97: {  	s19 =	sld [smem:$0x3FFB];
	_ =	sdelay $0x3  }
0x98: {  	_ =	strace s19  }
0x99: {  	s5 =	sld [smem:$0x3FFC];
	_ =	sdelay $0x3  }
0x9a: {  	_ =	strace s5  }
0x9b: {  	s5 =	sld [smem:$0x3FFD];
	_ =	sdelay $0x3  }
0x9c: {  	_ =	strace s5  }
0x9d: {  	_ =	strace $0x8FFFFFFF  }
0x9e: {  	s20 =	sld [smem:$0x3FDB];
	_ =	sdelay $0x1  }
0x9f: {  	s6 =	simm.s32 $_scs_section_size  }
0xa0: {  	s7 =	simm.s32 $_size__tile_overlayer_lowered;
	s8 =	simm.s32 $_tile_overlayer_lowered  }
0xa1: {  	s23 =	simm.s32 $0x1BFF;
	s22 =	sshll.u32 s8, $0x1;
	s5 =	sadd.s32 s6, s20  }
0xa2: {  	s9 =	simm.s32 $0x0;
	s21 =	sshll.u32 s7, $0x1;
	s7 =	sadd.s32 s22, s5  }
0xa3: {  	[timem:s9], [sflag:s23] =	dma.local [hbm:s7], s21  }
0xa4: {  	_ =	swait.ge [sflag:s23], s21  }
0xa5: {  	s6 =	ssub.s32 $0x0, s21;
	[sflag:s23] =	ssyncset.done $0x0  }
0xa6: {  	[sflag:s23] =	ssyncadd.s32 s6;
	_ =	sdelay $0x1  }
0xa7: {  	s24 =	simm.s32 $0x1B8B  }
0xa8: {  	_ =	swait.ge [sflag:s24], $0x1  }
0xa9: {  	[sflag:s24] =	ssyncset.done $0x0  }
0xaa: {  	s25 =	simm.s32 $0x1B8E;
	[sflag:s24] =	ssyncadd.s32 $0xFFFFFFFF  }
0xab: {  	s26 =	simm.s32 $execute0_lowered;
	[smem:$0x3FD2] =	sst s25  }
0xac: {  	s6 =	sshll.u32 s26, $0x1;
	_ =	strace $0x80000046;
	[dreg:$0x1] =	wrdreg $0xFFFFFFFF  }
0xad: {  	s28 =	simm.s32 $_size_execute0_lowered;
	s5 =	sadd.s32 s5, s6;
	[dreg:$0x0] =	wrdreg $0x0  }
0xae: {  	s6 =	sshll.u32 s28, $0x1;
	[dreg:$0x2] =	wrdreg s5  }
0xaf: {  	[dreg:$0x3] =	wrdreg s6  }
0xb0: {  	[dreg:$0x4] =	wrdreg $0xC0  }
0xb1: {  	_ =	task [dreg:s9], $0x5FFFF  }
0xb2: {  	[dreg:$0x1] =	wrdreg $0xFFFFFFFF  }
0xb3: {  	[dreg:$0x0] =	wrdreg $0x60  }
0xb4: {  	[dreg:$0x2] =	wrdreg s16  }
0xb5: {  	[dreg:$0x3] =	wrdreg s17  }
0xb6: {  	[dreg:$0x4] =	wrdreg s18  }
0xb7: {  	[dreg:$0x5] =	wrdreg $0x9  }
0xb8: {  	_ =	task.clear_ibuf [dreg:s9], $0x6FFFF;
	_ =	strace $0x90000046  }
0xb9: {  	s29 =	simm.s32 $0x9;
	_ =	strace $0x80000048  }
0xba: {  	_ =	swait.ge [sflag:s29], $0x1  }
0xbb: {  	[sflag:s29] =	ssyncadd.s32 $0xFFFFFFFF  }
0xbc: {  	_ =	strace $0x90000048  }
0xbd: {  	_ =	sfence  }
0xbe: {  	s30 =	sld [smem:$0x0];
	_ =	sdelay $0x2  }
0xbf: {  	s31 =	sshll.u32 s1, $0xD;
	s1 =	sshrl.u32 s1, $0x2  }
0xc0: {  	s3 =	sand.u32 $0x4000, s31;
	s1 =	sadd.s32 s1, s30  }
0xc1: {  	s0 =	sor.u32 s3, s0;
	s1 =	sshll.u32 s1, $0x11  }
0xc2: {  	s0 =	sor.u32 s1, s0  }
0xc3: {  	s0 =	sadd.s32 $0x8F2B, s0  }
0xc4: {  	[sflag:s0] =	ssyncadd.remote.s32 $0x1  }
0xc5: {  	_ =	sfence.sel $0xFFFF  }
0xc6: {  	[dreg:$0x0] =	wrdreg $0xFFFFFFFF;
	(pc) =	sbr.abs _section_cstart, $3  }
0xc7: {  	[dreg:$0x1] =	wrdreg $0xFFFFFFFF  }
0xc8: {  	_ =	task.clear_ibuf [dreg:s9], $0x2FFFF;
	_ =	strace $0x9FFFFFFF  }
0xc9: {  	(tm) =	ssettm $0x7FFFFFFF  }
tec
execute0_lowered:
.L_overlay_start_1:
0x0: {  	(tag) =	ssettag $0x1  }
0x1: {  	s0 =	rddreg [dreg:$0x0]  }
0x2: {  	s1 =	rddreg [dreg:$0x1]  }
0x3: {  	s2 =	rddreg [dreg:$0x2];
	s3 =	srdreg.scid  }
0x4: {  	s4 =	stileid.u32;
	s7 =	simm.s32 $0x0;
	s10 =	simm.s32 $0x100  }
0x5: {  	s11 =	simm.s32 $0x2000;
	s12 =	simm.s32 $0x1;
	s13 =	simm.s32 $0x8000  }
0x6: {  	s14 =	simm.s32 $0x12C00;
	s15 =	simm.s32 $0x13000;
	s16 =	simm.s32 $0x13400  }
0x7: {  	s17 =	simm.s32 $0x13800;
	s18 =	simm.s32 $0x2;
	s21 =	simm.s32 $0x3  }
0x8: {  	s23 =	simm.s32 $0x0;
	s3 =	sand.u32 $0x1, s3;
	s4 =	sshll.u32 s4, $0x1  }
0x9: {  	[smem:$0x7FF] =	sst s7;
	s5 =	ssub.s32 $0x2, s3;
	s6 =	sor.u32 s3, s4  }
0xa: {  	_ =	strace $0x80000047;
	s30 =	sshrl.u32 s5, $0x1;
	s4 =	sshll.u32 s6, $0x5  }
0xb: {  	s31 =	sshll.u32 s6, $0x7;
	s9 =	ssub.s32 s5, s30;
	s3 =	sadd.s32 s0, s4  }
0xc: {  	s7 =	sadd.s32 s1, s31;
	s8 =	sadd.s32 s2, s31;
	s4 =	sadd.s32 $0x20000, s3  }
0xd: {  	v0 =	vimm.f32 $0.0e+00;
	v1 =	vlaneseq.u32;
	v2 =	vimm.f32 $1.000000000e+00;
	s5 =	sadd.s32 $0x40000, s3;
	s6 =	sadd.s32 $0x60000, s3;
	s9 =	smax.u32 s9, $0x1  }
.LBB2_1:
0xe: {  	s0 =	simm.s32 $0x0  }
0xf: {  	[tilespmem:s0], [sflag:$0x1] =	stream.strided.gather [hbm4b:s3+s10], $0x8000, s11, s10, $0x38;
	[tilespmem:$0x13C00] =	vst v63  }
0x10: {  	s1 =	simm.s32 $0x40;
	s0 =	simm.s32 $0x0  }
.LBB2_2:
0x11: {  	p0 =	sne.s32 s1, $0xFC0;
	[tilespmem:s0+$0x13800] =	vst v0;
	s2 =	smov.u32 s1;
	s1 =	sadd.s32 $0x40, s1  }
.Ltmp0:
0x12: {  	[tilespmem:s0+$0x13400] =	vst v0;
	(pc) =	sbr.rel @p0 .LBB2_2-.Ltmp0, $3  }
0x13: {  	[tilespmem:s0+$0x12C00] =	vst v0  }
0x14: {  	[tilespmem:s0+$0x13000] =	vst v0;
	_ =	sdelay $0x1  }
0x15: {  	s0 =	sshra.s32 s2, $0x2  }
0x16: {  	[tilespmem:s0+$0x13800] =	vst v0  }
0x17: {  	[tilespmem:s0+$0x13400] =	vst v0  }
0x18: {  	[tilespmem:s0+$0x12C00] =	vst v0  }
0x19: {  	[tilespmem:s0+$0x13000] =	vst v0  }
0x1a: {  	_ =	swait.ge [sflag:s12], $0x8000  }
0x1b: {  	[sflag:s12] =	ssyncset.done $0x0  }
0x1c: {  	s24 =	simm.s32 $0x0;
	s25 =	simm.s32 $0x0;
	[sflag:s12] =	ssyncadd.s32 $0xFFFF8000  }
0x1d: {  	[tilespmem:s13], [sflag:$0x2] =	stream.strided.gather [hbm4b:s4+s10], $0x8000, s11, s10, $0x38;
	[tilespmem:$0x13C00] =	vst v63  }
.LBB2_4:
0x1e: {  	s0 =	sshll.u32 s25, $0x9  }
0x1f: {  	s31 =	sand.u32 $0x60, s24;
	s26 =	sand.u32 $0x3FFFF800, s0  }
0x20: {  	s30 =	sor.u32 $0x700, s26;
	s2 =	sor.u32 s31, s26  }
0x21: {  	s28 =	sor.u32 s31, s30;
	v4 =	vld [tilespmem:s2+$0x780]  }
0x22: {  	v3 =	vld [tilespmem:s28+$0x0];
	_ =	sdelay $0x4  }
0x23: {  	v6 =	vand.u32 $0x7FFFFFFF, v4;
	v5 =	vand.u32 $0x7FFFFFFF, v3  }
0x24: {  	v7 =	vmax.f32 v5, v6  }
0x25: {  	v8 =	vmul.f32 $4.142135680e-01, v7  }
0x26: {  	v9 =	vmin.f32 v5, v6;
	v10 =	vadd.f32 v6, v5  }
0x27: {  	vm0 =	vgt.f32 v9, v8  }
0x28: {  	v8 =	vsel vm0, v10, v7  }
0x29: {  	v8 =	vmax.f32 v8, $9.999999910e-38  }
0x2a: {  	(erf) = vrcp.f32 v8;
	_ =	sdelay $0x6  }
0x2b: {  	v7 =	vsub.f32 v9, v7;
	_ =	sdelay $0x1  }
0x2c: {  	v7 =	vsel vm0, v7, v9;
	v8 =	vpop (erf)  }
0x2d: {  	v7 =	vmul.f32 v8, v7;
	_ =	sdelay $0x1  }
0x2e: {  	v8 =	vmul.f32 v7, v7;
	_ =	sdelay $0x1  }
0x2f: {  	v35 =	vmul.f32 $0.0e+00, v8;
	_ =	sdelay $0x1  }
0x30: {  	v9 =	vadd.f32 $-9.090909360e-02, v35;
	_ =	sdelay $0x1  }
0x31: {  	v9 =	vmul.f32 v9, v8;
	_ =	sdelay $0x1  }
0x32: {  	v9 =	vadd.f32 $1.111111120e-01, v9;
	_ =	sdelay $0x1  }
0x33: {  	v9 =	vmul.f32 v9, v8;
	_ =	sdelay $0x1  }
0x34: {  	v9 =	vadd.f32 $-1.428571490e-01, v9;
	_ =	sdelay $0x1  }
0x35: {  	v9 =	vmul.f32 v9, v8  }
0x36: {  	v36 =	vld [tilespmem:s2+$0x0]  }
0x37: {  	v11 =	vld [tilespmem:s2+$0x80];
	v9 =	vadd.f32 $2.000000030e-01, v9  }
0x38: {  	v13 =	vld [tilespmem:s2+$0x180];
	s28 =	sor.u32 $0x100, s26  }
0x39: {  	v15 =	vld [tilespmem:s2+$0x280];
	s29 =	sor.u32 s31, s28;
	v9 =	vmul.f32 v9, v8  }
0x3a: {  	v12 =	vld [tilespmem:s29+$0x0];
	s29 =	sor.u32 $0x200, s26  }
0x3b: {  	s0 =	sor.u32 $0x300, s26;
	v17 =	vld [tilespmem:s2+$0x380];
	s1 =	sor.u32 s31, s29;
	v9 =	vadd.f32 $-3.333333430e-01, v9  }
0x3c: {  	v14 =	vld [tilespmem:s1+$0x0];
	s1 =	sor.u32 s31, s0  }
0x3d: {  	v16 =	vld [tilespmem:s1+$0x0];
	s1 =	sor.u32 $0x400, s26;
	v8 =	vmul.f32 v9, v8  }
0x3e: {  	v19 =	vld [tilespmem:s2+$0x480];
	v37 =	vadd.f32 v11, v36;
	s20 =	sor.u32 s31, s1  }
0x3f: {  	v11 =	vsub.f32 v4, v11;
	v18 =	vld [tilespmem:s20+$0x0];
	s20 =	sor.u32 $0x500, s26;
	v10 =	vsub.f32 v3, v36;
	v8 =	vmul.f32 v8, v7  }
0x40: {  	v21 =	vld [tilespmem:s2+$0x580];
	v46 =	vmul.f32 v4, v4;
	v43 =	vadd.f32 v4, v3;
	s22 =	sor.u32 s31, s20  }
0x41: {  	v11 =	vmul.f32 v11, v11;
	v20 =	vld [tilespmem:s22+$0x0];
	s22 =	sor.u32 $0x600, s26;
	v10 =	vmul.f32 v10, v10;
	v7 =	vadd.f32 v8, v7  }
0x42: {  	v23 =	vld [tilespmem:s2+$0x680];
	vm7 =	vlt.f32 v4, $0.0e+00;
	v12 =	vadd.f32 v13, v12;
	v38 =	vadd.f32 v15, v14;
	s19 =	sor.u32 s31, s22  }
0x43: {  	v45 =	vmul.f32 v3, v3;
	v22 =	vld [tilespmem:s19+$0x0];
	v10 =	vadd.f32 v11, v10;
	v44 =	vadd.f32 $7.853981850e-01, v7  }
0x44: {  	vm6 =	vgt.f32 v5, v6;
	v12 =	vadd.f32 v12, v37;
	v39 =	vadd.f32 v17, v16  }
0x45: {  	v47 =	vshra.s32 v10, $0x1;
	v48 =	vmul.f32 $5.000000000e-01, v10;
	v7 =	vsel vm0, v44, v7  }
0x46: {  	v11 =	vadd.f32 v46, v45;
	v13 =	vsub.s32 $0x5F3759DF, v47;
	v49 =	vsub.f32 $1.570796370e+00, v7  }
0x47: {  	v40 =	vadd.f32 v19, v18;
	v41 =	vadd.f32 v21, v20;
	v51 =	vmul.f32 v13, v48  }
0x48: {  	v42 =	vadd.f32 v23, v22;
	v14 =	vshra.s32 v11, $0x1;
	v7 =	vsel vm6, v49, v7  }
0x49: {  	v52 =	vmul.f32 $5.000000000e-01, v11;
	v6 =	vmul.f32 v13, v51;
	v53 =	vsub.f32 $3.141592740e+00, v7  }
0x4a: {  	v50 =	vadd.f32 v41, v40;
	v14 =	vsub.s32 $0x5F3759DF, v14;
	v54 =	vadd.f32 v43, v42  }
0x4b: {  	v55 =	vmul.f32 v14, v52;
	v6 =	vsub.f32 $1.500000000e+00, v6;
	v7 =	vsel vm7, v53, v7  }
0x4c: {  	v9 =	vadd.f32 v39, v38;
	v16 =	vsub.f32 $6.283185480e+00, v7  }
0x4d: {  	vm8 =	vlt.f32 v3, $0.0e+00;
	v3 =	vadd.f32 v54, v50;
	v8 =	vmul.f32 v14, v55  }
0x4e: {  	v56 =	vmul.f32 v13, v6;
	v9 =	vadd.f32 v9, v12;
	v57 =	vsel vm8, v16, v7  }
0x4f: {  	v58 =	vsub.f32 $1.500000000e+00, v8;
	v7 =	vmul.f32 $1.273239490e+00, v57  }
0x50: {  	v59 =	vmul.f32 v56, v48;
	v3 =	vadd.f32 v3, v9  }
0x51: {  	v6 =	vmul.f32 v14, v58;
	v7 =	vtrunc.f32 v7  }
0x52: {  	vm9 =	vlt.f32 v3, $0.0e+00;
	vm1 =	vgt.f32 v3, $0.0e+00;
	v7 =	vcvt.f32.s32 v7  }
0x53: {  	vm0 =	vmor vm1, vm9;
	v3 =	vmul.f32 v6, v52  }
0x54: {  	v8 =	vmul.f32 v59, v56;
	v7 =	vnsel vm0, $0xFFFFFFFF, v7  }
0x55: {  	v3 =	vmul.f32 v3, v6;
	v60 =	vshll.u32 v7, $0x7  }
0x56: {  	v8 =	vsub.f32 $1.500000000e+00, v8;
	vm0 =	vlt.u32 v7, $0x8;
	v61 =	vor.u32 s31, v60  }
0x57: {  	s19 =	sshll.u32 s25, $0x5;
	v3 =	vsub.f32 $1.500000000e+00, v3;
	v7 =	vor.u32 v1, v61  }
0x58: {  	s2 =	sand.u32 $0x3FFFFF80, s19;
	v4 =	vmul.f32 v8, v56  }
0x59: {  	s2 =	sadd.s32 $0x10C00, s2;
	v3 =	vmul.f32 v3, v6  }
0x5a: {  	s19 =	sor.u32 s31, s2;
	v4 =	vmul.f32 v4, v10  }
0x5b: {  	v3 =	vmul.f32 v3, v11;
	[tilespmem:s19+$0x0] =	vst v57  }
0x5c: {  	[tilespmem:v7+s14+$0x0] =	vst.idx.add.f32.msk vm0, v4  }
0x5d: {  	[tilespmem:v7+s15+$0x0] =	vst.idx.add.f32.msk vm0, v3  }
0x5e: {  	s31 =	sor.u32 $0x10, s31;
	[tilespmem:v7+s16+$0x0] =	vst.idx.add.f32.msk vm0, v57  }
0x5f: {  	s30 =	sor.u32 s31, s30;
	[tilespmem:v7+s17+$0x0] =	vst.idx.add.f32.msk vm0, v2  }
0x60: {  	s26 =	sor.u32 s31, s26;
	v3 =	vld [tilespmem:s30+$0x0]  }
0x61: {  	v4 =	vld [tilespmem:s26+$0x780];
	_ =	sdelay $0x4  }
0x62: {  	v62 =	vand.u32 $0x7FFFFFFF, v3;
	v63 =	vand.u32 $0x7FFFFFFF, v4  }
0x63: {  	v20 =	vmax.f32 v62, v63  }
0x64: {  	v21 =	vmul.f32 $4.142135680e-01, v20  }
0x65: {  	v22 =	vmin.f32 v62, v63;
	v23 =	vadd.f32 v63, v62  }
0x66: {  	vm10 =	vgt.f32 v22, v21  }
0x67: {  	v8 =	vsel vm10, v23, v20  }
0x68: {  	v8 =	vmax.f32 v8, $9.999999910e-38  }
0x69: {  	(erf) = vrcp.f32 v8;
	_ =	sdelay $0x6  }
0x6a: {  	v7 =	vsub.f32 v22, v20;
	_ =	sdelay $0x1  }
0x6b: {  	v7 =	vsel vm10, v7, v22;
	v8 =	vpop (erf)  }
0x6c: {  	v7 =	vmul.f32 v8, v7;
	_ =	sdelay $0x1  }
0x6d: {  	v8 =	vmul.f32 v7, v7;
	_ =	sdelay $0x1  }
0x6e: {  	v24 =	vmul.f32 $0.0e+00, v8;
	_ =	sdelay $0x1  }
0x6f: {  	v9 =	vadd.f32 $-9.090909360e-02, v24;
	_ =	sdelay $0x1  }
0x70: {  	v9 =	vmul.f32 v9, v8;
	_ =	sdelay $0x1  }
0x71: {  	v9 =	vadd.f32 $1.111111120e-01, v9;
	_ =	sdelay $0x1  }
0x72: {  	v9 =	vmul.f32 v9, v8;
	_ =	sdelay $0x1  }
0x73: {  	v9 =	vadd.f32 $-1.428571490e-01, v9  }
0x74: {  	v25 =	vld [tilespmem:s26+$0x0]  }
0x75: {  	s28 =	sor.u32 s31, s28;
	v26 =	vld [tilespmem:s26+$0x80];
	v9 =	vmul.f32 v9, v8  }
0x76: {  	v27 =	vld [tilespmem:s28+$0x0]  }
0x77: {  	v28 =	vld [tilespmem:s26+$0x180];
	v9 =	vadd.f32 $2.000000030e-01, v9  }
0x78: {  	s0 =	sor.u32 s31, s0;
	v30 =	vld [tilespmem:s26+$0x280]  }
0x79: {  	v31 =	vld [tilespmem:s0+$0x0];
	v9 =	vmul.f32 v9, v8  }
0x7a: {  	v32 =	vld [tilespmem:s26+$0x380]  }
0x7b: {  	v34 =	vld [tilespmem:s26+$0x480];
	v9 =	vadd.f32 $-3.333333430e-01, v9  }
0x7c: {  	s30 =	sor.u32 s31, s29;
	v36 =	vld [tilespmem:s26+$0x580]  }
0x7d: {  	s28 =	sor.u32 s31, s1;
	v29 =	vld [tilespmem:s30+$0x0];
	v8 =	vmul.f32 v9, v8  }
0x7e: {  	s29 =	sor.u32 s31, s20;
	v33 =	vld [tilespmem:s28+$0x0];
	v12 =	vadd.f32 v28, v27  }
0x7f: {  	v35 =	vld [tilespmem:s29+$0x0];
	v10 =	vsub.f32 v3, v25;
	v11 =	vsub.f32 v4, v26;
	v8 =	vmul.f32 v8, v7  }
0x80: {  	v40 =	vadd.f32 v32, v31;
	v43 =	vadd.f32 v26, v25  }
0x81: {  	v38 =	vld [tilespmem:s26+$0x680];
	s30 =	sor.u32 s31, s22;
	v10 =	vmul.f32 v10, v10;
	v11 =	vmul.f32 v11, v11;
	v7 =	vadd.f32 v8, v7  }
0x82: {  	v37 =	vld [tilespmem:s30+$0x0];
	v45 =	vadd.f32 v4, v3;
	v47 =	vmul.f32 v3, v3;
	v39 =	vadd.f32 v30, v29  }
0x83: {  	v48 =	vmul.f32 v4, v4;
	v10 =	vadd.f32 v11, v10;
	v46 =	vadd.f32 $7.853981850e-01, v7  }
0x84: {  	vm12 =	vlt.f32 v4, $0.0e+00;
	v41 =	vadd.f32 v34, v33;
	v42 =	vadd.f32 v36, v35  }
0x85: {  	v49 =	vshra.s32 v10, $0x1;
	v50 =	vmul.f32 $5.000000000e-01, v10;
	v7 =	vsel vm10, v46, v7  }
0x86: {  	v11 =	vadd.f32 v48, v47;
	v16 =	vsub.s32 $0x5F3759DF, v49;
	v51 =	vsub.f32 $1.570796370e+00, v7  }
0x87: {  	vm11 =	vgt.f32 v62, v63;
	v44 =	vadd.f32 v38, v37;
	v53 =	vmul.f32 v16, v50  }
0x88: {  	v12 =	vadd.f32 v12, v43;
	v13 =	vshra.s32 v11, $0x1;
	v7 =	vsel vm11, v51, v7  }
0x89: {  	v54 =	vmul.f32 $5.000000000e-01, v11;
	v6 =	vmul.f32 v16, v53;
	v55 =	vsub.f32 $3.141592740e+00, v7  }
0x8a: {  	v52 =	vadd.f32 v42, v41;
	v56 =	vadd.f32 v45, v44;
	v13 =	vsub.s32 $0x5F3759DF, v13  }
0x8b: {  	v57 =	vmul.f32 v13, v54;
	v6 =	vsub.f32 $1.500000000e+00, v6;
	v7 =	vsel vm12, v55, v7  }
0x8c: {  	v9 =	vadd.f32 v40, v39;
	v15 =	vsub.f32 $6.283185480e+00, v7  }
0x8d: {  	vm13 =	vlt.f32 v3, $0.0e+00;
	v3 =	vadd.f32 v56, v52;
	v8 =	vmul.f32 v13, v57  }
0x8e: {  	v58 =	vmul.f32 v16, v6;
	v9 =	vadd.f32 v9, v12;
	v59 =	vsel vm13, v15, v7  }
0x8f: {  	v60 =	vsub.f32 $1.500000000e+00, v8;
	v7 =	vmul.f32 $1.273239490e+00, v59  }
0x90: {  	v61 =	vmul.f32 v58, v50;
	v3 =	vadd.f32 v3, v9  }
0x91: {  	v6 =	vmul.f32 v13, v60;
	v7 =	vtrunc.f32 v7  }
0x92: {  	vm14 =	vlt.f32 v3, $0.0e+00;
	vm15 =	vgt.f32 v3, $0.0e+00;
	v7 =	vcvt.f32.s32 v7  }
0x93: {  	vm0 =	vmor vm15, vm14;
	v3 =	vmul.f32 v6, v54  }
0x94: {  	v8 =	vmul.f32 v61, v58;
	v7 =	vnsel vm0, $0xFFFFFFFF, v7  }
0x95: {  	v3 =	vmul.f32 v3, v6;
	v62 =	vshll.u32 v7, $0x7  }
0x96: {  	v8 =	vsub.f32 $1.500000000e+00, v8;
	vm0 =	vlt.u32 v7, $0x8;
	v63 =	vor.u32 s31, v62  }
0x97: {  	v3 =	vsub.f32 $1.500000000e+00, v3;
	v7 =	vor.u32 v1, v63  }
0x98: {  	v4 =	vmul.f32 v8, v58  }
0x99: {  	v3 =	vmul.f32 v3, v6  }
0x9a: {  	p0 =	sne.s32 s25, $0x3F;
	v4 =	vmul.f32 v4, v10;
	s31 =	sor.u32 s31, s2  }
.Ltmp1:
0x9b: {  	v3 =	vmul.f32 v3, v11;
	[tilespmem:s31+$0x0] =	vst v59;
	(pc) =	sbr.rel @p0 .LBB2_4-.Ltmp1, $4  }
0x9c: {  	[tilespmem:v7+s14+$0x0] =	vst.idx.add.f32.msk vm0, v4  }
0x9d: {  	[tilespmem:v7+s15+$0x0] =	vst.idx.add.f32.msk vm0, v3  }
0x9e: {  	[tilespmem:v7+s16+$0x0] =	vst.idx.add.f32.msk vm0, v59  }
0x9f: {  	s24 =	sadd.s32 $0x20, s24;
	s25 =	sadd.s32 $0x1, s25;
	[tilespmem:v7+s17+$0x0] =	vst.idx.add.f32.msk vm0, v2  }
0xa0: {  	_ =	swait.ge [sflag:s18], $0x8000  }
0xa1: {  	[sflag:s18] =	ssyncset.done $0x0  }
0xa2: {  	s24 =	simm.s32 $0x0;
	s25 =	simm.s32 $0x0;
	[sflag:s18] =	ssyncadd.s32 $0xFFFF8000  }
0xa3: {  	[tilespmem:s24], [sflag:$0x1] =	stream.strided.gather [hbm4b:s5+s10], $0x8000, s11, s10, $0x38;
	[tilespmem:$0x13C00] =	vst v63  }
.LBB2_6:
0xa4: {  	s0 =	sshll.u32 s25, $0x9  }
0xa5: {  	s2 =	sand.u32 $0x3FFFF800, s0  }
0xa6: {  	s30 =	sand.u32 $0x60, s24;
	s29 =	sadd.s32 $0x8700, s2  }
0xa7: {  	s26 =	sadd.s32 $0x8000, s2;
	s28 =	sor.u32 s30, s29  }
0xa8: {  	s19 =	sor.u32 s30, s26;
	v3 =	vld [tilespmem:s28+$0x0]  }
0xa9: {  	v4 =	vld [tilespmem:s19+$0x780];
	_ =	sdelay $0x4  }
0xaa: {  	v5 =	vand.u32 $0x7FFFFFFF, v3;
	v6 =	vand.u32 $0x7FFFFFFF, v4  }
0xab: {  	v7 =	vmax.f32 v5, v6  }
0xac: {  	v8 =	vmul.f32 $4.142135680e-01, v7  }
0xad: {  	v9 =	vmin.f32 v5, v6;
	v10 =	vadd.f32 v6, v5  }
0xae: {  	vm0 =	vgt.f32 v9, v8  }
0xaf: {  	v8 =	vsel vm0, v10, v7  }
0xb0: {  	v8 =	vmax.f32 v8, $9.999999910e-38  }
0xb1: {  	(erf) = vrcp.f32 v8;
	_ =	sdelay $0x6  }
0xb2: {  	v7 =	vsub.f32 v9, v7;
	_ =	sdelay $0x1  }
0xb3: {  	v7 =	vsel vm0, v7, v9;
	v8 =	vpop (erf)  }
0xb4: {  	v7 =	vmul.f32 v8, v7;
	_ =	sdelay $0x1  }
0xb5: {  	v8 =	vmul.f32 v7, v7;
	_ =	sdelay $0x1  }
0xb6: {  	v35 =	vmul.f32 $0.0e+00, v8;
	_ =	sdelay $0x1  }
0xb7: {  	v9 =	vadd.f32 $-9.090909360e-02, v35;
	_ =	sdelay $0x1  }
0xb8: {  	v9 =	vmul.f32 v9, v8;
	_ =	sdelay $0x1  }
0xb9: {  	v9 =	vadd.f32 $1.111111120e-01, v9;
	_ =	sdelay $0x1  }
0xba: {  	v9 =	vmul.f32 v9, v8;
	_ =	sdelay $0x1  }
0xbb: {  	v9 =	vadd.f32 $-1.428571490e-01, v9;
	_ =	sdelay $0x1  }
0xbc: {  	v9 =	vmul.f32 v9, v8  }
0xbd: {  	v36 =	vld [tilespmem:s19+$0x0]  }
0xbe: {  	v11 =	vld [tilespmem:s19+$0x80];
	v9 =	vadd.f32 $2.000000030e-01, v9  }
0xbf: {  	s28 =	sadd.s32 $0x8100, s2;
	v13 =	vld [tilespmem:s19+$0x180]  }
0xc0: {  	v15 =	vld [tilespmem:s19+$0x280];
	s31 =	sor.u32 s30, s28;
	v9 =	vmul.f32 v9, v8  }
0xc1: {  	v12 =	vld [tilespmem:s31+$0x0];
	s31 =	sadd.s32 $0x8200, s2  }
0xc2: {  	s0 =	sadd.s32 $0x8300, s2;
	v17 =	vld [tilespmem:s19+$0x380];
	s1 =	sor.u32 s30, s31;
	v9 =	vadd.f32 $-3.333333430e-01, v9  }
0xc3: {  	v14 =	vld [tilespmem:s1+$0x0];
	s1 =	sor.u32 s30, s0  }
0xc4: {  	v16 =	vld [tilespmem:s1+$0x0];
	s1 =	sadd.s32 $0x8400, s2;
	v8 =	vmul.f32 v9, v8  }
0xc5: {  	v19 =	vld [tilespmem:s19+$0x480];
	v37 =	vadd.f32 v11, v36;
	s20 =	sor.u32 s30, s1  }
0xc6: {  	v11 =	vsub.f32 v4, v11;
	v18 =	vld [tilespmem:s20+$0x0];
	s20 =	sadd.s32 $0x8500, s2;
	v10 =	vsub.f32 v3, v36;
	v8 =	vmul.f32 v8, v7  }
0xc7: {  	v21 =	vld [tilespmem:s19+$0x580];
	v43 =	vadd.f32 v4, v3;
	v45 =	vmul.f32 v3, v3;
	s22 =	sor.u32 s30, s20  }
0xc8: {  	v11 =	vmul.f32 v11, v11;
	v20 =	vld [tilespmem:s22+$0x0];
	s22 =	sadd.s32 $0x8600, s2;
	v10 =	vmul.f32 v10, v10;
	v7 =	vadd.f32 v8, v7  }
0xc9: {  	v23 =	vld [tilespmem:s19+$0x680];
	v46 =	vmul.f32 v4, v4;
	v12 =	vadd.f32 v13, v12;
	v38 =	vadd.f32 v15, v14;
	s2 =	sor.u32 s30, s22  }
0xca: {  	vm7 =	vlt.f32 v4, $0.0e+00;
	v22 =	vld [tilespmem:s2+$0x0];
	v10 =	vadd.f32 v11, v10;
	v44 =	vadd.f32 $7.853981850e-01, v7  }
0xcb: {  	vm6 =	vgt.f32 v5, v6;
	v12 =	vadd.f32 v12, v37;
	v39 =	vadd.f32 v17, v16  }
0xcc: {  	v47 =	vshra.s32 v10, $0x1;
	v48 =	vmul.f32 $5.000000000e-01, v10;
	v7 =	vsel vm0, v44, v7  }
0xcd: {  	v11 =	vadd.f32 v46, v45;
	v13 =	vsub.s32 $0x5F3759DF, v47;
	v49 =	vsub.f32 $1.570796370e+00, v7  }
0xce: {  	v40 =	vadd.f32 v19, v18;
	v41 =	vadd.f32 v21, v20;
	v51 =	vmul.f32 v13, v48  }
0xcf: {  	v42 =	vadd.f32 v23, v22;
	v14 =	vshra.s32 v11, $0x1;
	v7 =	vsel vm6, v49, v7  }
0xd0: {  	v52 =	vmul.f32 $5.000000000e-01, v11;
	v6 =	vmul.f32 v13, v51;
	v53 =	vsub.f32 $3.141592740e+00, v7  }
0xd1: {  	v50 =	vadd.f32 v41, v40;
	v14 =	vsub.s32 $0x5F3759DF, v14;
	v54 =	vadd.f32 v43, v42  }
0xd2: {  	v55 =	vmul.f32 v14, v52;
	v6 =	vsub.f32 $1.500000000e+00, v6;
	v7 =	vsel vm7, v53, v7  }
0xd3: {  	v9 =	vadd.f32 v39, v38;
	v16 =	vsub.f32 $6.283185480e+00, v7  }
0xd4: {  	vm8 =	vlt.f32 v3, $0.0e+00;
	v3 =	vadd.f32 v54, v50;
	v8 =	vmul.f32 v14, v55  }
0xd5: {  	v56 =	vmul.f32 v13, v6;
	v9 =	vadd.f32 v9, v12;
	v57 =	vsel vm8, v16, v7  }
0xd6: {  	v58 =	vsub.f32 $1.500000000e+00, v8;
	v7 =	vmul.f32 $1.273239490e+00, v57  }
0xd7: {  	v59 =	vmul.f32 v56, v48;
	v3 =	vadd.f32 v3, v9  }
0xd8: {  	v6 =	vmul.f32 v14, v58;
	v7 =	vtrunc.f32 v7  }
0xd9: {  	vm9 =	vlt.f32 v3, $0.0e+00;
	vm1 =	vgt.f32 v3, $0.0e+00;
	v7 =	vcvt.f32.s32 v7  }
0xda: {  	vm0 =	vmor vm1, vm9;
	v3 =	vmul.f32 v6, v52  }
0xdb: {  	v8 =	vmul.f32 v59, v56;
	v7 =	vnsel vm0, $0xFFFFFFFF, v7  }
0xdc: {  	v3 =	vmul.f32 v3, v6;
	v60 =	vshll.u32 v7, $0x7  }
0xdd: {  	v8 =	vsub.f32 $1.500000000e+00, v8;
	vm0 =	vlt.u32 v7, $0x8;
	v61 =	vor.u32 s30, v60  }
0xde: {  	s19 =	sshll.u32 s25, $0x5;
	v3 =	vsub.f32 $1.500000000e+00, v3;
	v7 =	vor.u32 v1, v61  }
0xdf: {  	s2 =	sand.u32 $0x3FFFFF80, s19;
	v4 =	vmul.f32 v8, v56  }
0xe0: {  	s2 =	sadd.s32 $0x11400, s2;
	v3 =	vmul.f32 v3, v6  }
0xe1: {  	s19 =	sor.u32 s30, s2;
	v4 =	vmul.f32 v4, v10  }
0xe2: {  	v3 =	vmul.f32 v3, v11;
	[tilespmem:s19+$0x0] =	vst v57  }
0xe3: {  	[tilespmem:v7+s14+$0x0] =	vst.idx.add.f32.msk vm0, v4  }
0xe4: {  	[tilespmem:v7+s15+$0x0] =	vst.idx.add.f32.msk vm0, v3  }
0xe5: {  	s30 =	sor.u32 $0x10, s30;
	[tilespmem:v7+s16+$0x0] =	vst.idx.add.f32.msk vm0, v57  }
0xe6: {  	s29 =	sor.u32 s30, s29;
	[tilespmem:v7+s17+$0x0] =	vst.idx.add.f32.msk vm0, v2  }
0xe7: {  	s26 =	sor.u32 s30, s26;
	v3 =	vld [tilespmem:s29+$0x0]  }
0xe8: {  	v4 =	vld [tilespmem:s26+$0x780];
	_ =	sdelay $0x4  }
0xe9: {  	v62 =	vand.u32 $0x7FFFFFFF, v3;
	v63 =	vand.u32 $0x7FFFFFFF, v4  }
0xea: {  	v20 =	vmax.f32 v62, v63  }
0xeb: {  	v21 =	vmul.f32 $4.142135680e-01, v20  }
0xec: {  	v22 =	vmin.f32 v62, v63;
	v23 =	vadd.f32 v63, v62  }
0xed: {  	vm10 =	vgt.f32 v22, v21  }
0xee: {  	v8 =	vsel vm10, v23, v20  }
0xef: {  	v8 =	vmax.f32 v8, $9.999999910e-38  }
0xf0: {  	(erf) = vrcp.f32 v8;
	_ =	sdelay $0x6  }
0xf1: {  	v7 =	vsub.f32 v22, v20;
	_ =	sdelay $0x1  }
0xf2: {  	v7 =	vsel vm10, v7, v22;
	v8 =	vpop (erf)  }
0xf3: {  	v7 =	vmul.f32 v8, v7;
	_ =	sdelay $0x1  }
0xf4: {  	v8 =	vmul.f32 v7, v7;
	_ =	sdelay $0x1  }
0xf5: {  	v24 =	vmul.f32 $0.0e+00, v8;
	_ =	sdelay $0x1  }
0xf6: {  	v9 =	vadd.f32 $-9.090909360e-02, v24;
	_ =	sdelay $0x1  }
0xf7: {  	v9 =	vmul.f32 v9, v8;
	_ =	sdelay $0x1  }
0xf8: {  	v9 =	vadd.f32 $1.111111120e-01, v9;
	_ =	sdelay $0x1  }
0xf9: {  	v9 =	vmul.f32 v9, v8;
	_ =	sdelay $0x1  }
0xfa: {  	v9 =	vadd.f32 $-1.428571490e-01, v9  }
0xfb: {  	v25 =	vld [tilespmem:s26+$0x0]  }
0xfc: {  	s31 =	sor.u32 s30, s31;
	v26 =	vld [tilespmem:s26+$0x80];
	v9 =	vmul.f32 v9, v8  }
0xfd: {  	v29 =	vld [tilespmem:s31+$0x0]  }
0xfe: {  	s0 =	sor.u32 s30, s0;
	v30 =	vld [tilespmem:s26+$0x280];
	v9 =	vadd.f32 $2.000000030e-01, v9  }
0xff: {  	v31 =	vld [tilespmem:s0+$0x0]  }
0x100: {  	s19 =	sor.u32 s30, s1;
	v32 =	vld [tilespmem:s26+$0x380];
	v9 =	vmul.f32 v9, v8  }
0x101: {  	v33 =	vld [tilespmem:s19+$0x0]  }
0x102: {  	v34 =	vld [tilespmem:s26+$0x480];
	v9 =	vadd.f32 $-3.333333430e-01, v9  }
0x103: {  	v28 =	vld [tilespmem:s26+$0x180]  }
0x104: {  	s29 =	sor.u32 s30, s28;
	v36 =	vld [tilespmem:s26+$0x580];
	v8 =	vmul.f32 v9, v8  }
0x105: {  	s28 =	sor.u32 s30, s20;
	v27 =	vld [tilespmem:s29+$0x0];
	v39 =	vadd.f32 v30, v29  }
0x106: {  	v35 =	vld [tilespmem:s28+$0x0];
	v10 =	vsub.f32 v3, v25;
	v11 =	vsub.f32 v4, v26;
	v8 =	vmul.f32 v8, v7  }
0x107: {  	v40 =	vadd.f32 v32, v31;
	v41 =	vadd.f32 v34, v33  }
0x108: {  	v38 =	vld [tilespmem:s26+$0x680];
	s29 =	sor.u32 s30, s22;
	v10 =	vmul.f32 v10, v10;
	v11 =	vmul.f32 v11, v11;
	v7 =	vadd.f32 v8, v7  }
0x109: {  	v37 =	vld [tilespmem:s29+$0x0];
	v43 =	vadd.f32 v26, v25;
	v45 =	vadd.f32 v4, v3;
	v47 =	vmul.f32 v3, v3  }
0x10a: {  	v48 =	vmul.f32 v4, v4;
	v10 =	vadd.f32 v11, v10;
	v46 =	vadd.f32 $7.853981850e-01, v7  }
0x10b: {  	vm12 =	vlt.f32 v4, $0.0e+00;
	v12 =	vadd.f32 v28, v27;
	v42 =	vadd.f32 v36, v35  }
0x10c: {  	v49 =	vshra.s32 v10, $0x1;
	v50 =	vmul.f32 $5.000000000e-01, v10;
	v7 =	vsel vm10, v46, v7  }
0x10d: {  	v11 =	vadd.f32 v48, v47;
	v16 =	vsub.s32 $0x5F3759DF, v49;
	v51 =	vsub.f32 $1.570796370e+00, v7  }
0x10e: {  	vm11 =	vgt.f32 v62, v63;
	v44 =	vadd.f32 v38, v37;
	v53 =	vmul.f32 v16, v50  }
0x10f: {  	v12 =	vadd.f32 v12, v43;
	v13 =	vshra.s32 v11, $0x1;
	v7 =	vsel vm11, v51, v7  }
0x110: {  	v54 =	vmul.f32 $5.000000000e-01, v11;
	v6 =	vmul.f32 v16, v53;
	v55 =	vsub.f32 $3.141592740e+00, v7  }
0x111: {  	v52 =	vadd.f32 v42, v41;
	v56 =	vadd.f32 v45, v44;
	v13 =	vsub.s32 $0x5F3759DF, v13  }
0x112: {  	v57 =	vmul.f32 v13, v54;
	v6 =	vsub.f32 $1.500000000e+00, v6;
	v7 =	vsel vm12, v55, v7  }
0x113: {  	v9 =	vadd.f32 v40, v39;
	v15 =	vsub.f32 $6.283185480e+00, v7  }
0x114: {  	vm13 =	vlt.f32 v3, $0.0e+00;
	v3 =	vadd.f32 v56, v52;
	v8 =	vmul.f32 v13, v57  }
0x115: {  	v58 =	vmul.f32 v16, v6;
	v9 =	vadd.f32 v9, v12;
	v59 =	vsel vm13, v15, v7  }
0x116: {  	v60 =	vsub.f32 $1.500000000e+00, v8;
	v7 =	vmul.f32 $1.273239490e+00, v59  }
0x117: {  	v61 =	vmul.f32 v58, v50;
	v3 =	vadd.f32 v3, v9  }
0x118: {  	v6 =	vmul.f32 v13, v60;
	v7 =	vtrunc.f32 v7  }
0x119: {  	vm14 =	vlt.f32 v3, $0.0e+00;
	vm15 =	vgt.f32 v3, $0.0e+00;
	v7 =	vcvt.f32.s32 v7  }
0x11a: {  	vm0 =	vmor vm15, vm14;
	v3 =	vmul.f32 v6, v54  }
0x11b: {  	v8 =	vmul.f32 v61, v58;
	v7 =	vnsel vm0, $0xFFFFFFFF, v7  }
0x11c: {  	v3 =	vmul.f32 v3, v6;
	v62 =	vshll.u32 v7, $0x7  }
0x11d: {  	v8 =	vsub.f32 $1.500000000e+00, v8;
	vm0 =	vlt.u32 v7, $0x8;
	v63 =	vor.u32 s30, v62  }
0x11e: {  	v3 =	vsub.f32 $1.500000000e+00, v3;
	v7 =	vor.u32 v1, v63  }
0x11f: {  	v4 =	vmul.f32 v8, v58  }
0x120: {  	v3 =	vmul.f32 v3, v6  }
0x121: {  	p0 =	sne.s32 s25, $0x3F;
	s31 =	sor.u32 s30, s2;
	v4 =	vmul.f32 v4, v10  }
.Ltmp2:
0x122: {  	v3 =	vmul.f32 v3, v11;
	[tilespmem:s31+$0x0] =	vst v59;
	(pc) =	sbr.rel @p0 .LBB2_6-.Ltmp2, $4  }
0x123: {  	[tilespmem:v7+s14+$0x0] =	vst.idx.add.f32.msk vm0, v4  }
0x124: {  	[tilespmem:v7+s15+$0x0] =	vst.idx.add.f32.msk vm0, v3  }
0x125: {  	[tilespmem:v7+s16+$0x0] =	vst.idx.add.f32.msk vm0, v59  }
0x126: {  	s24 =	sadd.s32 $0x20, s24;
	s25 =	sadd.s32 $0x1, s25;
	[tilespmem:v7+s17+$0x0] =	vst.idx.add.f32.msk vm0, v2  }
0x127: {  	_ =	swait.ge [sflag:s12], $0x8000  }
0x128: {  	[sflag:s12] =	ssyncset.done $0x0  }
0x129: {  	s24 =	simm.s32 $0x0;
	s25 =	simm.s32 $0x0;
	[sflag:s12] =	ssyncadd.s32 $0xFFFF8000  }
0x12a: {  	[tilespmem:s13], [sflag:$0x2] =	stream.strided.gather [hbm4b:s6+s10], $0x8000, s11, s10, $0x38;
	[tilespmem:$0x13C00] =	vst v63  }
.LBB2_8:
0x12b: {  	s0 =	sshll.u32 s25, $0x9  }
0x12c: {  	s26 =	sand.u32 $0x3FFFF800, s0;
	s0 =	sand.u32 $0x60, s24  }
0x12d: {  	s30 =	sor.u32 $0x700, s26;
	s2 =	sor.u32 s0, s26  }
0x12e: {  	s1 =	sor.u32 s0, s30;
	v4 =	vld [tilespmem:s2+$0x780]  }
0x12f: {  	v3 =	vld [tilespmem:s1+$0x0];
	_ =	sdelay $0x4  }
0x130: {  	v6 =	vand.u32 $0x7FFFFFFF, v4;
	v5 =	vand.u32 $0x7FFFFFFF, v3  }
0x131: {  	v7 =	vmax.f32 v5, v6  }
0x132: {  	v8 =	vmul.f32 $4.142135680e-01, v7  }
0x133: {  	v9 =	vmin.f32 v5, v6;
	v10 =	vadd.f32 v6, v5  }
0x134: {  	vm0 =	vgt.f32 v9, v8  }
0x135: {  	v8 =	vsel vm0, v10, v7  }
0x136: {  	v8 =	vmax.f32 v8, $9.999999910e-38  }
0x137: {  	(erf) = vrcp.f32 v8;
	_ =	sdelay $0x6  }
0x138: {  	v7 =	vsub.f32 v9, v7;
	_ =	sdelay $0x1  }
0x139: {  	v7 =	vsel vm0, v7, v9;
	v8 =	vpop (erf)  }
0x13a: {  	v7 =	vmul.f32 v8, v7;
	_ =	sdelay $0x1  }
0x13b: {  	v8 =	vmul.f32 v7, v7;
	_ =	sdelay $0x1  }
0x13c: {  	v35 =	vmul.f32 $0.0e+00, v8;
	_ =	sdelay $0x1  }
0x13d: {  	v9 =	vadd.f32 $-9.090909360e-02, v35;
	_ =	sdelay $0x1  }
0x13e: {  	v9 =	vmul.f32 v9, v8;
	_ =	sdelay $0x1  }
0x13f: {  	v9 =	vadd.f32 $1.111111120e-01, v9;
	_ =	sdelay $0x1  }
0x140: {  	v9 =	vmul.f32 v9, v8;
	_ =	sdelay $0x1  }
0x141: {  	v9 =	vadd.f32 $-1.428571490e-01, v9;
	_ =	sdelay $0x1  }
0x142: {  	v9 =	vmul.f32 v9, v8  }
0x143: {  	v36 =	vld [tilespmem:s2+$0x0]  }
0x144: {  	v11 =	vld [tilespmem:s2+$0x80];
	v9 =	vadd.f32 $2.000000030e-01, v9  }
0x145: {  	v13 =	vld [tilespmem:s2+$0x180]  }
0x146: {  	s28 =	sor.u32 $0x100, s26;
	v15 =	vld [tilespmem:s2+$0x280];
	v9 =	vmul.f32 v9, v8  }
0x147: {  	s31 =	sor.u32 s0, s28;
	v17 =	vld [tilespmem:s2+$0x380]  }
0x148: {  	s29 =	sor.u32 $0x200, s26;
	v12 =	vld [tilespmem:s31+$0x0];
	v9 =	vadd.f32 $-3.333333430e-01, v9  }
0x149: {  	s19 =	sor.u32 s0, s29;
	v19 =	vld [tilespmem:s2+$0x480];
	s31 =	sor.u32 $0x300, s26  }
0x14a: {  	v14 =	vld [tilespmem:s19+$0x0];
	s1 =	sor.u32 $0x400, s26;
	s20 =	sor.u32 s0, s31;
	v8 =	vmul.f32 v9, v8  }
0x14b: {  	s19 =	sor.u32 s0, s1;
	v16 =	vld [tilespmem:s20+$0x0];
	v37 =	vadd.f32 v11, v36  }
0x14c: {  	v18 =	vld [tilespmem:s19+$0x0];
	s20 =	sor.u32 $0x500, s26;
	v11 =	vsub.f32 v4, v11;
	v10 =	vsub.f32 v3, v36;
	v8 =	vmul.f32 v8, v7  }
0x14d: {  	v21 =	vld [tilespmem:s2+$0x580];
	s22 =	sor.u32 s0, s20;
	v46 =	vmul.f32 v4, v4;
	v12 =	vadd.f32 v13, v12  }
0x14e: {  	v20 =	vld [tilespmem:s22+$0x0];
	s22 =	sor.u32 $0x600, s26;
	v11 =	vmul.f32 v11, v11;
	v10 =	vmul.f32 v10, v10;
	v7 =	vadd.f32 v8, v7  }
0x14f: {  	v23 =	vld [tilespmem:s2+$0x680];
	vm7 =	vlt.f32 v4, $0.0e+00;
	s19 =	sor.u32 s0, s22;
	v38 =	vadd.f32 v15, v14;
	v43 =	vadd.f32 v4, v3  }
0x150: {  	v45 =	vmul.f32 v3, v3;
	v22 =	vld [tilespmem:s19+$0x0];
	v10 =	vadd.f32 v11, v10;
	v44 =	vadd.f32 $7.853981850e-01, v7  }
0x151: {  	vm6 =	vgt.f32 v5, v6;
	v39 =	vadd.f32 v17, v16;
	v40 =	vadd.f32 v19, v18  }
0x152: {  	v47 =	vshra.s32 v10, $0x1;
	v48 =	vmul.f32 $5.000000000e-01, v10;
	v7 =	vsel vm0, v44, v7  }
0x153: {  	v11 =	vadd.f32 v46, v45;
	v13 =	vsub.s32 $0x5F3759DF, v47;
	v49 =	vsub.f32 $1.570796370e+00, v7  }
0x154: {  	v12 =	vadd.f32 v12, v37;
	v41 =	vadd.f32 v21, v20;
	v51 =	vmul.f32 v13, v48  }
0x155: {  	v42 =	vadd.f32 v23, v22;
	v14 =	vshra.s32 v11, $0x1;
	v7 =	vsel vm6, v49, v7  }
0x156: {  	v52 =	vmul.f32 $5.000000000e-01, v11;
	v6 =	vmul.f32 v13, v51;
	v53 =	vsub.f32 $3.141592740e+00, v7  }
0x157: {  	v50 =	vadd.f32 v41, v40;
	v54 =	vadd.f32 v43, v42;
	v14 =	vsub.s32 $0x5F3759DF, v14  }
0x158: {  	v55 =	vmul.f32 v14, v52;
	v6 =	vsub.f32 $1.500000000e+00, v6;
	v7 =	vsel vm7, v53, v7  }
0x159: {  	v9 =	vadd.f32 v39, v38;
	v16 =	vsub.f32 $6.283185480e+00, v7  }
0x15a: {  	vm8 =	vlt.f32 v3, $0.0e+00;
	v3 =	vadd.f32 v54, v50;
	v8 =	vmul.f32 v14, v55  }
0x15b: {  	v56 =	vmul.f32 v13, v6;
	v9 =	vadd.f32 v9, v12;
	v57 =	vsel vm8, v16, v7  }
0x15c: {  	v58 =	vsub.f32 $1.500000000e+00, v8;
	v7 =	vmul.f32 $1.273239490e+00, v57  }
0x15d: {  	v59 =	vmul.f32 v56, v48;
	v3 =	vadd.f32 v3, v9  }
0x15e: {  	v6 =	vmul.f32 v14, v58;
	v7 =	vtrunc.f32 v7  }
0x15f: {  	vm9 =	vlt.f32 v3, $0.0e+00;
	vm1 =	vgt.f32 v3, $0.0e+00;
	v7 =	vcvt.f32.s32 v7  }
0x160: {  	vm0 =	vmor vm1, vm9;
	v3 =	vmul.f32 v6, v52  }
0x161: {  	v8 =	vmul.f32 v59, v56;
	v7 =	vnsel vm0, $0xFFFFFFFF, v7  }
0x162: {  	v3 =	vmul.f32 v3, v6;
	v60 =	vshll.u32 v7, $0x7  }
0x163: {  	v8 =	vsub.f32 $1.500000000e+00, v8;
	vm0 =	vlt.u32 v7, $0x8;
	v61 =	vor.u32 s0, v60  }
0x164: {  	s19 =	sshll.u32 s25, $0x5;
	v3 =	vsub.f32 $1.500000000e+00, v3;
	v7 =	vor.u32 v1, v61  }
0x165: {  	s2 =	sand.u32 $0x3FFFFF80, s19;
	v4 =	vmul.f32 v8, v56  }
0x166: {  	s2 =	sadd.s32 $0x11C00, s2;
	v3 =	vmul.f32 v3, v6  }
0x167: {  	s19 =	sor.u32 s0, s2;
	v4 =	vmul.f32 v4, v10  }
0x168: {  	v3 =	vmul.f32 v3, v11;
	[tilespmem:s19+$0x0] =	vst v57  }
0x169: {  	[tilespmem:v7+s14+$0x0] =	vst.idx.add.f32.msk vm0, v4  }
0x16a: {  	[tilespmem:v7+s15+$0x0] =	vst.idx.add.f32.msk vm0, v3  }
0x16b: {  	s0 =	sor.u32 $0x10, s0;
	[tilespmem:v7+s16+$0x0] =	vst.idx.add.f32.msk vm0, v57  }
0x16c: {  	s30 =	sor.u32 s0, s30;
	[tilespmem:v7+s17+$0x0] =	vst.idx.add.f32.msk vm0, v2  }
0x16d: {  	s26 =	sor.u32 s0, s26;
	v3 =	vld [tilespmem:s30+$0x0]  }
0x16e: {  	v4 =	vld [tilespmem:s26+$0x780];
	_ =	sdelay $0x4  }
0x16f: {  	v62 =	vand.u32 $0x7FFFFFFF, v3;
	v63 =	vand.u32 $0x7FFFFFFF, v4  }
0x170: {  	v20 =	vmax.f32 v62, v63  }
0x171: {  	v21 =	vmul.f32 $4.142135680e-01, v20  }
0x172: {  	v22 =	vmin.f32 v62, v63;
	v23 =	vadd.f32 v63, v62  }
0x173: {  	vm10 =	vgt.f32 v22, v21  }
0x174: {  	v8 =	vsel vm10, v23, v20  }
0x175: {  	v8 =	vmax.f32 v8, $9.999999910e-38  }
0x176: {  	(erf) = vrcp.f32 v8;
	_ =	sdelay $0x6  }
0x177: {  	v7 =	vsub.f32 v22, v20;
	_ =	sdelay $0x1  }
0x178: {  	v7 =	vsel vm10, v7, v22;
	v8 =	vpop (erf)  }
0x179: {  	v7 =	vmul.f32 v8, v7;
	_ =	sdelay $0x1  }
0x17a: {  	v8 =	vmul.f32 v7, v7;
	_ =	sdelay $0x1  }
0x17b: {  	v24 =	vmul.f32 $0.0e+00, v8;
	_ =	sdelay $0x1  }
0x17c: {  	v9 =	vadd.f32 $-9.090909360e-02, v24;
	_ =	sdelay $0x1  }
0x17d: {  	v9 =	vmul.f32 v9, v8;
	_ =	sdelay $0x1  }
0x17e: {  	v9 =	vadd.f32 $1.111111120e-01, v9;
	_ =	sdelay $0x1  }
0x17f: {  	v9 =	vmul.f32 v9, v8;
	_ =	sdelay $0x1  }
0x180: {  	v9 =	vadd.f32 $-1.428571490e-01, v9  }
0x181: {  	v25 =	vld [tilespmem:s26+$0x0]  }
0x182: {  	v26 =	vld [tilespmem:s26+$0x80];
	v9 =	vmul.f32 v9, v8  }
0x183: {  	v28 =	vld [tilespmem:s26+$0x180]  }
0x184: {  	s1 =	sor.u32 s0, s1;
	v30 =	vld [tilespmem:s26+$0x280];
	v9 =	vadd.f32 $2.000000030e-01, v9  }
0x185: {  	v33 =	vld [tilespmem:s1+$0x0]  }
0x186: {  	v34 =	vld [tilespmem:s26+$0x480];
	v9 =	vmul.f32 v9, v8  }
0x187: {  	v32 =	vld [tilespmem:s26+$0x380]  }
0x188: {  	s30 =	sor.u32 s0, s28;
	v38 =	vld [tilespmem:s26+$0x680];
	v9 =	vadd.f32 $-3.333333430e-01, v9  }
0x189: {  	s28 =	sor.u32 s0, s29;
	v27 =	vld [tilespmem:s30+$0x0]  }
0x18a: {  	s29 =	sor.u32 s0, s31;
	v29 =	vld [tilespmem:s28+$0x0];
	v8 =	vmul.f32 v9, v8  }
0x18b: {  	s31 =	sor.u32 s0, s22;
	v31 =	vld [tilespmem:s29+$0x0];
	v41 =	vadd.f32 v34, v33  }
0x18c: {  	v37 =	vld [tilespmem:s31+$0x0];
	v10 =	vsub.f32 v3, v25;
	v11 =	vsub.f32 v4, v26;
	v8 =	vmul.f32 v8, v7  }
0x18d: {  	v43 =	vadd.f32 v26, v25;
	v45 =	vadd.f32 v4, v3  }
0x18e: {  	v36 =	vld [tilespmem:s26+$0x580];
	s30 =	sor.u32 s0, s20;
	v10 =	vmul.f32 v10, v10;
	v11 =	vmul.f32 v11, v11;
	v7 =	vadd.f32 v8, v7  }
0x18f: {  	v35 =	vld [tilespmem:s30+$0x0];
	v47 =	vmul.f32 v3, v3;
	v12 =	vadd.f32 v28, v27;
	v39 =	vadd.f32 v30, v29  }
0x190: {  	v48 =	vmul.f32 v4, v4;
	v10 =	vadd.f32 v11, v10;
	v46 =	vadd.f32 $7.853981850e-01, v7  }
0x191: {  	vm12 =	vlt.f32 v4, $0.0e+00;
	v40 =	vadd.f32 v32, v31;
	v44 =	vadd.f32 v38, v37  }
0x192: {  	v49 =	vshra.s32 v10, $0x1;
	v50 =	vmul.f32 $5.000000000e-01, v10;
	v7 =	vsel vm10, v46, v7  }
0x193: {  	v11 =	vadd.f32 v48, v47;
	v16 =	vsub.s32 $0x5F3759DF, v49;
	v51 =	vsub.f32 $1.570796370e+00, v7  }
0x194: {  	vm11 =	vgt.f32 v62, v63;
	v42 =	vadd.f32 v36, v35;
	v53 =	vmul.f32 v16, v50  }
0x195: {  	v12 =	vadd.f32 v12, v43;
	v13 =	vshra.s32 v11, $0x1;
	v7 =	vsel vm11, v51, v7  }
0x196: {  	v54 =	vmul.f32 $5.000000000e-01, v11;
	v6 =	vmul.f32 v16, v53;
	v55 =	vsub.f32 $3.141592740e+00, v7  }
0x197: {  	v56 =	vadd.f32 v45, v44;
	v52 =	vadd.f32 v42, v41;
	v13 =	vsub.s32 $0x5F3759DF, v13  }
0x198: {  	v57 =	vmul.f32 v13, v54;
	v6 =	vsub.f32 $1.500000000e+00, v6;
	v7 =	vsel vm12, v55, v7  }
0x199: {  	v9 =	vadd.f32 v40, v39;
	v15 =	vsub.f32 $6.283185480e+00, v7  }
0x19a: {  	vm13 =	vlt.f32 v3, $0.0e+00;
	v3 =	vadd.f32 v56, v52;
	v8 =	vmul.f32 v13, v57  }
0x19b: {  	v58 =	vmul.f32 v16, v6;
	v9 =	vadd.f32 v9, v12;
	v59 =	vsel vm13, v15, v7  }
0x19c: {  	v60 =	vsub.f32 $1.500000000e+00, v8;
	v7 =	vmul.f32 $1.273239490e+00, v59  }
0x19d: {  	v61 =	vmul.f32 v58, v50;
	v3 =	vadd.f32 v3, v9  }
0x19e: {  	v6 =	vmul.f32 v13, v60;
	v7 =	vtrunc.f32 v7  }
0x19f: {  	vm14 =	vlt.f32 v3, $0.0e+00;
	vm15 =	vgt.f32 v3, $0.0e+00;
	v7 =	vcvt.f32.s32 v7  }
0x1a0: {  	vm0 =	vmor vm15, vm14;
	v3 =	vmul.f32 v6, v54  }
0x1a1: {  	v8 =	vmul.f32 v61, v58;
	v7 =	vnsel vm0, $0xFFFFFFFF, v7  }
0x1a2: {  	v3 =	vmul.f32 v3, v6;
	v62 =	vshll.u32 v7, $0x7  }
0x1a3: {  	v8 =	vsub.f32 $1.500000000e+00, v8;
	vm0 =	vlt.u32 v7, $0x8;
	v63 =	vor.u32 s0, v62  }
0x1a4: {  	v3 =	vsub.f32 $1.500000000e+00, v3;
	v7 =	vor.u32 v1, v63  }
0x1a5: {  	v4 =	vmul.f32 v8, v58  }
0x1a6: {  	v3 =	vmul.f32 v3, v6  }
0x1a7: {  	p0 =	sne.s32 s25, $0x3F;
	v4 =	vmul.f32 v4, v10;
	s0 =	sor.u32 s0, s2  }
.Ltmp3:
0x1a8: {  	v3 =	vmul.f32 v3, v11;
	[tilespmem:s0+$0x0] =	vst v59;
	(pc) =	sbr.rel @p0 .LBB2_8-.Ltmp3, $4  }
0x1a9: {  	[tilespmem:v7+s14+$0x0] =	vst.idx.add.f32.msk vm0, v4  }
0x1aa: {  	[tilespmem:v7+s15+$0x0] =	vst.idx.add.f32.msk vm0, v3  }
0x1ab: {  	[tilespmem:v7+s16+$0x0] =	vst.idx.add.f32.msk vm0, v59  }
0x1ac: {  	s24 =	sadd.s32 $0x20, s24;
	s25 =	sadd.s32 $0x1, s25;
	[tilespmem:v7+s17+$0x0] =	vst.idx.add.f32.msk vm0, v2  }
0x1ad: {  	_ =	swait.ge [sflag:s18], $0x8000  }
0x1ae: {  	[sflag:s18] =	ssyncset.done $0x0  }
0x1af: {  	s24 =	simm.s32 $0x0;
	s25 =	simm.s32 $0x0;
	[sflag:s18] =	ssyncadd.s32 $0xFFFF8000  }
.LBB2_10:
0x1b0: {  	s0 =	sshll.u32 s25, $0x9  }
0x1b1: {  	s2 =	sand.u32 $0x3FFFF800, s0  }
0x1b2: {  	s30 =	sand.u32 $0x60, s24;
	s29 =	sadd.s32 $0x8700, s2  }
0x1b3: {  	s26 =	sadd.s32 $0x8000, s2;
	s28 =	sor.u32 s30, s29  }
0x1b4: {  	s19 =	sor.u32 s30, s26;
	v3 =	vld [tilespmem:s28+$0x0]  }
0x1b5: {  	v4 =	vld [tilespmem:s19+$0x780];
	_ =	sdelay $0x4  }
0x1b6: {  	v5 =	vand.u32 $0x7FFFFFFF, v3;
	v6 =	vand.u32 $0x7FFFFFFF, v4  }
0x1b7: {  	v7 =	vmax.f32 v5, v6  }
0x1b8: {  	v8 =	vmul.f32 $4.142135680e-01, v7  }
0x1b9: {  	v9 =	vmin.f32 v5, v6;
	v10 =	vadd.f32 v6, v5  }
0x1ba: {  	vm0 =	vgt.f32 v9, v8  }
0x1bb: {  	v8 =	vsel vm0, v10, v7  }
0x1bc: {  	v8 =	vmax.f32 v8, $9.999999910e-38  }
0x1bd: {  	(erf) = vrcp.f32 v8;
	_ =	sdelay $0x6  }
0x1be: {  	v7 =	vsub.f32 v9, v7;
	_ =	sdelay $0x1  }
0x1bf: {  	v7 =	vsel vm0, v7, v9;
	v8 =	vpop (erf)  }
0x1c0: {  	v7 =	vmul.f32 v8, v7;
	_ =	sdelay $0x1  }
0x1c1: {  	v8 =	vmul.f32 v7, v7;
	_ =	sdelay $0x1  }
0x1c2: {  	v35 =	vmul.f32 $0.0e+00, v8;
	_ =	sdelay $0x1  }
0x1c3: {  	v9 =	vadd.f32 $-9.090909360e-02, v35;
	_ =	sdelay $0x1  }
0x1c4: {  	v9 =	vmul.f32 v9, v8;
	_ =	sdelay $0x1  }
0x1c5: {  	v9 =	vadd.f32 $1.111111120e-01, v9;
	_ =	sdelay $0x1  }
0x1c6: {  	v9 =	vmul.f32 v9, v8;
	_ =	sdelay $0x1  }
0x1c7: {  	v9 =	vadd.f32 $-1.428571490e-01, v9;
	_ =	sdelay $0x1  }
0x1c8: {  	v9 =	vmul.f32 v9, v8  }
0x1c9: {  	v36 =	vld [tilespmem:s19+$0x0]  }
0x1ca: {  	v11 =	vld [tilespmem:s19+$0x80];
	v9 =	vadd.f32 $2.000000030e-01, v9  }
0x1cb: {  	s28 =	sadd.s32 $0x8100, s2;
	v13 =	vld [tilespmem:s19+$0x180]  }
0x1cc: {  	v15 =	vld [tilespmem:s19+$0x280];
	s31 =	sor.u32 s30, s28;
	v9 =	vmul.f32 v9, v8  }
0x1cd: {  	v12 =	vld [tilespmem:s31+$0x0];
	s31 =	sadd.s32 $0x8200, s2  }
0x1ce: {  	s0 =	sadd.s32 $0x8300, s2;
	v17 =	vld [tilespmem:s19+$0x380];
	s1 =	sor.u32 s30, s31;
	v9 =	vadd.f32 $-3.333333430e-01, v9  }
0x1cf: {  	v14 =	vld [tilespmem:s1+$0x0];
	s1 =	sor.u32 s30, s0  }
0x1d0: {  	v16 =	vld [tilespmem:s1+$0x0];
	s1 =	sadd.s32 $0x8400, s2;
	v8 =	vmul.f32 v9, v8  }
0x1d1: {  	v19 =	vld [tilespmem:s19+$0x480];
	v37 =	vadd.f32 v11, v36;
	s20 =	sor.u32 s30, s1  }
0x1d2: {  	v11 =	vsub.f32 v4, v11;
	v18 =	vld [tilespmem:s20+$0x0];
	s20 =	sadd.s32 $0x8500, s2;
	v10 =	vsub.f32 v3, v36;
	v8 =	vmul.f32 v8, v7  }
0x1d3: {  	v21 =	vld [tilespmem:s19+$0x580];
	v43 =	vadd.f32 v4, v3;
	v45 =	vmul.f32 v3, v3;
	s22 =	sor.u32 s30, s20  }
0x1d4: {  	v11 =	vmul.f32 v11, v11;
	v20 =	vld [tilespmem:s22+$0x0];
	s22 =	sadd.s32 $0x8600, s2;
	v10 =	vmul.f32 v10, v10;
	v7 =	vadd.f32 v8, v7  }
0x1d5: {  	v23 =	vld [tilespmem:s19+$0x680];
	v46 =	vmul.f32 v4, v4;
	v12 =	vadd.f32 v13, v12;
	v38 =	vadd.f32 v15, v14;
	s2 =	sor.u32 s30, s22  }
0x1d6: {  	vm7 =	vlt.f32 v4, $0.0e+00;
	v22 =	vld [tilespmem:s2+$0x0];
	v10 =	vadd.f32 v11, v10;
	v44 =	vadd.f32 $7.853981850e-01, v7  }
0x1d7: {  	vm6 =	vgt.f32 v5, v6;
	v12 =	vadd.f32 v12, v37;
	v39 =	vadd.f32 v17, v16  }
0x1d8: {  	v47 =	vshra.s32 v10, $0x1;
	v48 =	vmul.f32 $5.000000000e-01, v10;
	v7 =	vsel vm0, v44, v7  }
0x1d9: {  	v11 =	vadd.f32 v46, v45;
	v13 =	vsub.s32 $0x5F3759DF, v47;
	v49 =	vsub.f32 $1.570796370e+00, v7  }
0x1da: {  	v40 =	vadd.f32 v19, v18;
	v41 =	vadd.f32 v21, v20;
	v51 =	vmul.f32 v13, v48  }
0x1db: {  	v42 =	vadd.f32 v23, v22;
	v14 =	vshra.s32 v11, $0x1;
	v7 =	vsel vm6, v49, v7  }
0x1dc: {  	v52 =	vmul.f32 $5.000000000e-01, v11;
	v6 =	vmul.f32 v13, v51;
	v53 =	vsub.f32 $3.141592740e+00, v7  }
0x1dd: {  	v50 =	vadd.f32 v41, v40;
	v14 =	vsub.s32 $0x5F3759DF, v14;
	v54 =	vadd.f32 v43, v42  }
0x1de: {  	v55 =	vmul.f32 v14, v52;
	v6 =	vsub.f32 $1.500000000e+00, v6;
	v7 =	vsel vm7, v53, v7  }
0x1df: {  	v9 =	vadd.f32 v39, v38;
	v16 =	vsub.f32 $6.283185480e+00, v7  }
0x1e0: {  	vm8 =	vlt.f32 v3, $0.0e+00;
	v3 =	vadd.f32 v54, v50;
	v8 =	vmul.f32 v14, v55  }
0x1e1: {  	v56 =	vmul.f32 v13, v6;
	v9 =	vadd.f32 v9, v12;
	v57 =	vsel vm8, v16, v7  }
0x1e2: {  	v58 =	vsub.f32 $1.500000000e+00, v8;
	v7 =	vmul.f32 $1.273239490e+00, v57  }
0x1e3: {  	v59 =	vmul.f32 v56, v48;
	v3 =	vadd.f32 v3, v9  }
0x1e4: {  	v6 =	vmul.f32 v14, v58;
	v7 =	vtrunc.f32 v7  }
0x1e5: {  	vm9 =	vlt.f32 v3, $0.0e+00;
	vm1 =	vgt.f32 v3, $0.0e+00;
	v7 =	vcvt.f32.s32 v7  }
0x1e6: {  	vm0 =	vmor vm1, vm9;
	v3 =	vmul.f32 v6, v52  }
0x1e7: {  	v8 =	vmul.f32 v59, v56;
	v7 =	vnsel vm0, $0xFFFFFFFF, v7  }
0x1e8: {  	v3 =	vmul.f32 v3, v6;
	v60 =	vshll.u32 v7, $0x7  }
0x1e9: {  	v8 =	vsub.f32 $1.500000000e+00, v8;
	vm0 =	vlt.u32 v7, $0x8;
	v61 =	vor.u32 s30, v60  }
0x1ea: {  	s19 =	sshll.u32 s25, $0x5;
	v3 =	vsub.f32 $1.500000000e+00, v3;
	v7 =	vor.u32 v1, v61  }
0x1eb: {  	s2 =	sand.u32 $0x3FFFFF80, s19;
	v4 =	vmul.f32 v8, v56  }
0x1ec: {  	s2 =	sadd.s32 $0x12400, s2;
	v3 =	vmul.f32 v3, v6  }
0x1ed: {  	s19 =	sor.u32 s30, s2;
	v4 =	vmul.f32 v4, v10  }
0x1ee: {  	v3 =	vmul.f32 v3, v11;
	[tilespmem:s19+$0x0] =	vst v57  }
0x1ef: {  	[tilespmem:v7+s14+$0x0] =	vst.idx.add.f32.msk vm0, v4  }
0x1f0: {  	[tilespmem:v7+s15+$0x0] =	vst.idx.add.f32.msk vm0, v3  }
0x1f1: {  	s30 =	sor.u32 $0x10, s30;
	[tilespmem:v7+s16+$0x0] =	vst.idx.add.f32.msk vm0, v57  }
0x1f2: {  	s29 =	sor.u32 s30, s29;
	[tilespmem:v7+s17+$0x0] =	vst.idx.add.f32.msk vm0, v2  }
0x1f3: {  	s26 =	sor.u32 s30, s26;
	v3 =	vld [tilespmem:s29+$0x0]  }
0x1f4: {  	v4 =	vld [tilespmem:s26+$0x780];
	_ =	sdelay $0x4  }
0x1f5: {  	v62 =	vand.u32 $0x7FFFFFFF, v3;
	v63 =	vand.u32 $0x7FFFFFFF, v4  }
0x1f6: {  	v20 =	vmax.f32 v62, v63  }
0x1f7: {  	v21 =	vmul.f32 $4.142135680e-01, v20  }
0x1f8: {  	v22 =	vmin.f32 v62, v63;
	v23 =	vadd.f32 v63, v62  }
0x1f9: {  	vm10 =	vgt.f32 v22, v21  }
0x1fa: {  	v8 =	vsel vm10, v23, v20  }
0x1fb: {  	v8 =	vmax.f32 v8, $9.999999910e-38  }
0x1fc: {  	(erf) = vrcp.f32 v8;
	_ =	sdelay $0x6  }
0x1fd: {  	v7 =	vsub.f32 v22, v20;
	_ =	sdelay $0x1  }
0x1fe: {  	v7 =	vsel vm10, v7, v22;
	v8 =	vpop (erf)  }
0x1ff: {  	v7 =	vmul.f32 v8, v7;
	_ =	sdelay $0x1  }
0x200: {  	v8 =	vmul.f32 v7, v7;
	_ =	sdelay $0x1  }
0x201: {  	v24 =	vmul.f32 $0.0e+00, v8;
	_ =	sdelay $0x1  }
0x202: {  	v9 =	vadd.f32 $-9.090909360e-02, v24;
	_ =	sdelay $0x1  }
0x203: {  	v9 =	vmul.f32 v9, v8;
	_ =	sdelay $0x1  }
0x204: {  	v9 =	vadd.f32 $1.111111120e-01, v9;
	_ =	sdelay $0x1  }
0x205: {  	v9 =	vmul.f32 v9, v8;
	_ =	sdelay $0x1  }
0x206: {  	v9 =	vadd.f32 $-1.428571490e-01, v9  }
0x207: {  	v25 =	vld [tilespmem:s26+$0x0]  }
0x208: {  	s31 =	sor.u32 s30, s31;
	v26 =	vld [tilespmem:s26+$0x80];
	v9 =	vmul.f32 v9, v8  }
0x209: {  	v29 =	vld [tilespmem:s31+$0x0]  }
0x20a: {  	s0 =	sor.u32 s30, s0;
	v30 =	vld [tilespmem:s26+$0x280];
	v9 =	vadd.f32 $2.000000030e-01, v9  }
0x20b: {  	v31 =	vld [tilespmem:s0+$0x0]  }
0x20c: {  	s19 =	sor.u32 s30, s1;
	v32 =	vld [tilespmem:s26+$0x380];
	v9 =	vmul.f32 v9, v8  }
0x20d: {  	v33 =	vld [tilespmem:s19+$0x0]  }
0x20e: {  	v34 =	vld [tilespmem:s26+$0x480];
	v9 =	vadd.f32 $-3.333333430e-01, v9  }
0x20f: {  	v28 =	vld [tilespmem:s26+$0x180]  }
0x210: {  	s29 =	sor.u32 s30, s28;
	v36 =	vld [tilespmem:s26+$0x580];
	v8 =	vmul.f32 v9, v8  }
0x211: {  	s28 =	sor.u32 s30, s20;
	v27 =	vld [tilespmem:s29+$0x0];
	v39 =	vadd.f32 v30, v29  }
0x212: {  	v35 =	vld [tilespmem:s28+$0x0];
	v10 =	vsub.f32 v3, v25;
	v11 =	vsub.f32 v4, v26;
	v8 =	vmul.f32 v8, v7  }
0x213: {  	v40 =	vadd.f32 v32, v31;
	v41 =	vadd.f32 v34, v33  }
0x214: {  	v38 =	vld [tilespmem:s26+$0x680];
	s29 =	sor.u32 s30, s22;
	v10 =	vmul.f32 v10, v10;
	v11 =	vmul.f32 v11, v11;
	v7 =	vadd.f32 v8, v7  }
0x215: {  	v37 =	vld [tilespmem:s29+$0x0];
	v43 =	vadd.f32 v26, v25;
	v45 =	vadd.f32 v4, v3;
	v47 =	vmul.f32 v3, v3  }
0x216: {  	v48 =	vmul.f32 v4, v4;
	v10 =	vadd.f32 v11, v10;
	v46 =	vadd.f32 $7.853981850e-01, v7  }
0x217: {  	vm12 =	vlt.f32 v4, $0.0e+00;
	v12 =	vadd.f32 v28, v27;
	v42 =	vadd.f32 v36, v35  }
0x218: {  	v49 =	vshra.s32 v10, $0x1;
	v50 =	vmul.f32 $5.000000000e-01, v10;
	v7 =	vsel vm10, v46, v7  }
0x219: {  	v11 =	vadd.f32 v48, v47;
	v16 =	vsub.s32 $0x5F3759DF, v49;
	v51 =	vsub.f32 $1.570796370e+00, v7  }
0x21a: {  	vm11 =	vgt.f32 v62, v63;
	v44 =	vadd.f32 v38, v37;
	v53 =	vmul.f32 v16, v50  }
0x21b: {  	v12 =	vadd.f32 v12, v43;
	v13 =	vshra.s32 v11, $0x1;
	v7 =	vsel vm11, v51, v7  }
0x21c: {  	v54 =	vmul.f32 $5.000000000e-01, v11;
	v6 =	vmul.f32 v16, v53;
	v55 =	vsub.f32 $3.141592740e+00, v7  }
0x21d: {  	v52 =	vadd.f32 v42, v41;
	v56 =	vadd.f32 v45, v44;
	v13 =	vsub.s32 $0x5F3759DF, v13  }
0x21e: {  	v57 =	vmul.f32 v13, v54;
	v6 =	vsub.f32 $1.500000000e+00, v6;
	v7 =	vsel vm12, v55, v7  }
0x21f: {  	v9 =	vadd.f32 v40, v39;
	v15 =	vsub.f32 $6.283185480e+00, v7  }
0x220: {  	vm13 =	vlt.f32 v3, $0.0e+00;
	v3 =	vadd.f32 v56, v52;
	v8 =	vmul.f32 v13, v57  }
0x221: {  	v58 =	vmul.f32 v16, v6;
	v9 =	vadd.f32 v9, v12;
	v59 =	vsel vm13, v15, v7  }
0x222: {  	v60 =	vsub.f32 $1.500000000e+00, v8;
	v7 =	vmul.f32 $1.273239490e+00, v59  }
0x223: {  	v61 =	vmul.f32 v58, v50;
	v3 =	vadd.f32 v3, v9  }
0x224: {  	v6 =	vmul.f32 v13, v60;
	v7 =	vtrunc.f32 v7  }
0x225: {  	vm14 =	vlt.f32 v3, $0.0e+00;
	vm15 =	vgt.f32 v3, $0.0e+00;
	v7 =	vcvt.f32.s32 v7  }
0x226: {  	vm0 =	vmor vm15, vm14;
	v3 =	vmul.f32 v6, v54  }
0x227: {  	v8 =	vmul.f32 v61, v58;
	v7 =	vnsel vm0, $0xFFFFFFFF, v7  }
0x228: {  	v3 =	vmul.f32 v3, v6;
	v62 =	vshll.u32 v7, $0x7  }
0x229: {  	v8 =	vsub.f32 $1.500000000e+00, v8;
	vm0 =	vlt.u32 v7, $0x8;
	v63 =	vor.u32 s30, v62  }
0x22a: {  	v3 =	vsub.f32 $1.500000000e+00, v3;
	v7 =	vor.u32 v1, v63  }
0x22b: {  	v4 =	vmul.f32 v8, v58  }
0x22c: {  	v3 =	vmul.f32 v3, v6  }
0x22d: {  	p0 =	sne.s32 s25, $0x3F;
	s31 =	sor.u32 s30, s2;
	v4 =	vmul.f32 v4, v10  }
.Ltmp4:
0x22e: {  	v3 =	vmul.f32 v3, v11;
	[tilespmem:s31+$0x0] =	vst v59;
	(pc) =	sbr.rel @p0 .LBB2_10-.Ltmp4, $4  }
0x22f: {  	[tilespmem:v7+s14+$0x0] =	vst.idx.add.f32.msk vm0, v4  }
0x230: {  	[tilespmem:v7+s15+$0x0] =	vst.idx.add.f32.msk vm0, v3  }
0x231: {  	[tilespmem:v7+s16+$0x0] =	vst.idx.add.f32.msk vm0, v59  }
0x232: {  	s24 =	sadd.s32 $0x20, s24;
	s25 =	sadd.s32 $0x1, s25;
	[tilespmem:v7+s17+$0x0] =	vst.idx.add.f32.msk vm0, v2  }
0x233: {  	s24 =	simm.s32 $0xFFFFFF80  }
0x234: {  	v3 =	vld [tilespmem:s24+$0x13C00]  }
0x235: {  	v4 =	vld [tilespmem:s24+$0x13880];
	_ =	sdelay $0x3  }
0x236: {  	v3 =	vadd.f32 $9.999999740e-05, v3  }
0x237: {  	v5 =	vld [tilespmem:s24+$0x13900];
	v4 =	vadd.f32 $9.999999740e-05, v4  }
0x238: {  	(erf) = vrcp.f32 v3  }
0x239: {  	(erf) = vrcp.f32 v4;
	_ =	sdelay $0x2  }
0x23a: {  	v6 =	vld [tilespmem:s24+$0x13980];
	v3 =	vadd.f32 $9.999999740e-05, v5  }
0x23b: {  	v7 =	vld [tilespmem:s24+$0x13A00]  }
0x23c: {  	v4 =	vld [tilespmem:s24+$0x13080];
	(erf) = vrcp.f32 v3  }
0x23d: {  	v8 =	vld [tilespmem:s24+$0x13A80]  }
0x23e: {  	v9 =	vld [tilespmem:s24+$0x13B00]  }
0x23f: {  	v10 =	vld [tilespmem:s24+$0x13B80];
	v3 =	vpop (erf)  }
0x240: {  	v11 =	vld [tilespmem:s24+$0x12C80];
	v19 =	vpop (erf)  }
0x241: {  	v6 =	vadd.f32 $9.999999740e-05, v6;
	v5 =	vld [tilespmem:s24+$0x13100];
	v4 =	vmul.f32 v4, v19  }
0x242: {  	v12 =	vld [tilespmem:s24+$0x13480]  }
0x243: {  	v13 =	vld [tilespmem:s24+$0x12D00];
	(erf) = vrcp.f32 v6  }
0x244: {  	v15 =	vld [tilespmem:s24+$0x13500]  }
0x245: {  	v14 =	vld [tilespmem:s24+$0x13800];
	[tilespmem:s24+$0x10480] =	vst v4;
	v4 =	vpop (erf)  }
0x246: {  	v16 =	vld [tilespmem:s24+$0x12D80];
	v7 =	vadd.f32 $9.999999740e-05, v7;
	v5 =	vmul.f32 v5, v4  }
0x247: {  	v17 =	vld [tilespmem:s24+$0x13180]  }
0x248: {  	v18 =	vld [tilespmem:s24+$0x13580];
	(erf) = vrcp.f32 v7;
	v6 =	vmul.f32 v12, v19;
	[tilespmem:s24+$0x10500] =	vst v5;
	v5 =	vadd.f32 $9.999999740e-05, v8  }
0x249: {  	v20 =	vld [tilespmem:s24+$0x12E00];
	v7 =	vadd.f32 $9.999999740e-05, v9;
	v13 =	vmul.f32 v4, v13;
	v4 =	vmul.f32 v15, v4  }
0x24a: {  	v21 =	vld [tilespmem:s24+$0x13200];
	(erf) = vrcp.f32 v5  }
0x24b: {  	v62 =	vld [tilespmem:s24+$0x13280];
	[tilespmem:s24+$0x10900] =	vst v4;
	v4 =	vadd.f32 $9.999999740e-05, v10;
	(erf) = vrcp.f32 v7  }
0x24c: {  	v9 =	vld [tilespmem:s24+$0x13300];
	v11 =	vmul.f32 v19, v11;
	[tilespmem:s24+$0x10880] =	vst v6;
	v6 =	vpop (erf)  }
0x24d: {  	v12 =	vld [tilespmem:s24+$0x12E80];
	v8 =	vmul.f32 v6, v16;
	(erf) = vrcp.f32 v4  }
0x24e: {  	[tilespmem:s24+$0x10080] =	vst v11;
	v11 =	vld [tilespmem:s24+$0x13600]  }
0x24f: {  	v15 =	vld [tilespmem:s24+$0x12F00];
	[tilespmem:s24+$0x10100] =	vst v13;
	v5 =	vmul.f32 v17, v6  }
0x250: {  	v13 =	vld [tilespmem:s24+$0x13680];
	[tilespmem:s24+$0x10180] =	vst v8;
	v4 =	vmul.f32 v18, v6  }
0x251: {  	v14 =	vmul.f32 v14, v3;
	v16 =	vld [tilespmem:s24+$0x13700];
	[tilespmem:s24+$0x10580] =	vst v5;
	v8 =	vpop (erf)  }
0x252: {  	v5 =	vld [tilespmem:s24+$0x12F80];
	v7 =	vmul.f32 v8, v20;
	[tilespmem:s24+$0x10980] =	vst v4;
	v4 =	vmul.f32 v21, v8  }
0x253: {  	[tilespmem:s24+$0x10C00] =	vst v14;
	v6 =	vld [tilespmem:s24+$0x13380];
	v17 =	vmul.f32 v11, v8;
	v10 =	vpop (erf)  }
0x254: {  	[tilespmem:s24+$0x10200] =	vst v7;
	v7 =	vld [tilespmem:s24+$0x13780];
	v63 =	vpop (erf);
	v14 =	vmul.f32 v10, v12;
	v11 =	vmul.f32 v62, v10  }
0x255: {  	v8 =	vld [tilespmem:s24+$0x13000];
	[tilespmem:s24+$0x10A00] =	vst v17;
	v12 =	vmul.f32 v13, v10;
	v10 =	vmul.f32 v63, v15  }
0x256: {  	s25 =	simm.s32 $0xFFFFFF90;
	s26 =	simm.s32 $0xFFFFFE80;
	[tilespmem:s24+$0x10600] =	vst v4;
	v4 =	vpop (erf);
	v13 =	vmul.f32 v9, v63;
	v15 =	vmul.f32 v16, v63;
	v9 =	vld [tilespmem:s24+$0x13400]  }
.LBB2_12:
0x257: {  	p0 =	sne.s32 s26, $0xFFFFFFC0;
	v16 =	vld [tilespmem:s25+$0x13C00];
	[tilespmem:s24+$0x10280] =	vst v14;
	v5 =	vmul.f32 v4, v5  }
0x258: {  	v14 =	vld [tilespmem:s25+$0x13880];
	[tilespmem:s24+$0x10680] =	vst v11;
	v6 =	vmul.f32 v6, v4  }
0x259: {  	v11 =	vld [tilespmem:s25+$0x13900];
	[tilespmem:s24+$0x10A80] =	vst v12;
	v4 =	vmul.f32 v7, v4  }
0x25a: {  	v7 =	vld [tilespmem:s25+$0x13980];
	[tilespmem:s24+$0x10300] =	vst v10;
	v8 =	vmul.f32 v3, v8  }
0x25b: {  	v10 =	vld [tilespmem:s25+$0x13A00];
	[tilespmem:s24+$0x10700] =	vst v13;
	v3 =	vmul.f32 v9, v3  }
0x25c: {  	v9 =	vld [tilespmem:s25+$0x13A80];
	v12 =	vadd.f32 $9.999999740e-05, v16;
	[tilespmem:s24+$0x10B00] =	vst v15  }
0x25d: {  	v13 =	vadd.f32 $9.999999740e-05, v14;
	v14 =	vld [tilespmem:s25+$0x13B00];
	[tilespmem:s24+$0x10380] =	vst v5  }
0x25e: {  	v5 =	vadd.f32 $9.999999740e-05, v11;
	v11 =	vld [tilespmem:s25+$0x13B80];
	(erf) = vrcp.f32 v12;
	[tilespmem:s24+$0x10780] =	vst v6  }
0x25f: {  	v6 =	vld [tilespmem:s25+$0x12C80];
	v7 =	vadd.f32 $9.999999740e-05, v7;
	(erf) = vrcp.f32 v13;
	[tilespmem:s24+$0x10B80] =	vst v4  }
0x260: {  	v4 =	vld [tilespmem:s25+$0x13080];
	v10 =	vadd.f32 $9.999999740e-05, v10;
	(erf) = vrcp.f32 v5;
	[tilespmem:s24+$0x10400] =	vst v8  }
0x261: {  	v5 =	vld [tilespmem:s25+$0x13480];
	v8 =	vadd.f32 $9.999999740e-05, v9;
	(erf) = vrcp.f32 v7;
	[tilespmem:s24+$0x10800] =	vst v3;
	s24 =	smov.u32 s25  }
0x262: {  	v7 =	vld [tilespmem:s24+$0x12D00];
	v3 =	vadd.f32 $9.999999740e-05, v14;
	(erf) = vrcp.f32 v10  }
0x263: {  	v9 =	vadd.f32 $9.999999740e-05, v11;
	v10 =	vld [tilespmem:s24+$0x13800];
	(erf) = vrcp.f32 v8  }
0x264: {  	v8 =	vld [tilespmem:s24+$0x13100];
	(erf) = vrcp.f32 v3  }
0x265: {  	v11 =	vld [tilespmem:s24+$0x13500];
	(erf) = vrcp.f32 v9  }
0x266: {  	v9 =	vld [tilespmem:s24+$0x12D80]  }
0x267: {  	v12 =	vld [tilespmem:s24+$0x13180];
	v3 =	vpop (erf)  }
0x268: {  	v13 =	vld [tilespmem:s24+$0x13580];
	v17 =	vmul.f32 v10, v3;
	v14 =	vpop (erf)  }
0x269: {  	v6 =	vmul.f32 v14, v6;
	v4 =	vmul.f32 v4, v14;
	v15 =	vld [tilespmem:s24+$0x12E00];
	v16 =	vpop (erf)  }
0x26a: {  	v5 =	vmul.f32 v5, v14;
	v7 =	vmul.f32 v16, v7;
	v14 =	vld [tilespmem:s24+$0x13200];
	[tilespmem:s24+$0x10C00] =	vst v17;
	v10 =	vpop (erf)  }
0x26b: {  	[tilespmem:s24+$0x10080] =	vst v6;
	v6 =	vmul.f32 v8, v16;
	v8 =	vmul.f32 v11, v16;
	v11 =	vld [tilespmem:s24+$0x13600];
	v16 =	vpop (erf)  }
0x26c: {  	v9 =	vmul.f32 v10, v9;
	[tilespmem:s24+$0x10480] =	vst v4;
	v12 =	vmul.f32 v12, v10;
	v17 =	vld [tilespmem:s24+$0x12E80];
	v18 =	vpop (erf)  }
0x26d: {  	[tilespmem:s24+$0x10880] =	vst v5;
	v10 =	vmul.f32 v13, v10;
	v5 =	vld [tilespmem:s24+$0x13280];
	v19 =	vpop (erf)  }
0x26e: {  	[tilespmem:s24+$0x10100] =	vst v7;
	v7 =	vmul.f32 v16, v15;
	v13 =	vld [tilespmem:s24+$0x13680];
	v4 =	vpop (erf)  }
0x26f: {  	[tilespmem:s24+$0x10500] =	vst v6;
	v15 =	vmul.f32 v14, v16;
	v20 =	vld [tilespmem:s24+$0x12F00]  }
0x270: {  	[tilespmem:s24+$0x10900] =	vst v8;
	v16 =	vmul.f32 v11, v16;
	v8 =	vld [tilespmem:s24+$0x13300]  }
0x271: {  	[tilespmem:s24+$0x10180] =	vst v9;
	v14 =	vmul.f32 v18, v17;
	v9 =	vld [tilespmem:s24+$0x13700]  }
.Ltmp5:
0x272: {  	[tilespmem:s24+$0x10580] =	vst v12;
	v11 =	vmul.f32 v5, v18;
	v5 =	vld [tilespmem:s24+$0x12F80];
	(pc) =	sbr.rel @p0 .LBB2_12-.Ltmp5, $4  }
0x273: {  	[tilespmem:s24+$0x10980] =	vst v10;
	v12 =	vmul.f32 v13, v18;
	v6 =	vld [tilespmem:s24+$0x13380]  }
0x274: {  	[tilespmem:s24+$0x10200] =	vst v7;
	v10 =	vmul.f32 v19, v20;
	v7 =	vld [tilespmem:s24+$0x13780]  }
0x275: {  	[tilespmem:s24+$0x10600] =	vst v15;
	v13 =	vmul.f32 v8, v19;
	v8 =	vld [tilespmem:s24+$0x13000]  }
0x276: {  	s25 =	sshra.s32 s26, $0x2;
	s26 =	sadd.s32 $0x40, s26;
	[tilespmem:s24+$0x10A00] =	vst v16;
	v15 =	vmul.f32 v9, v19;
	v9 =	vld [tilespmem:s24+$0x13400]  }
0x277: {  	v16 =	vld [tilespmem:s25+$0x13C00];
	_ =	sdelay $0x3  }
0x278: {  	[tilespmem:s24+$0x10280] =	vst v14  }
0x279: {  	v14 =	vld [tilespmem:s25+$0x13880];
	[tilespmem:s24+$0x10680] =	vst v11;
	v26 =	vadd.f32 $9.999999740e-05, v16  }
0x27a: {  	v11 =	vld [tilespmem:s25+$0x13900];
	[tilespmem:s24+$0x10A80] =	vst v12  }
0x27b: {  	v12 =	vld [tilespmem:s25+$0x13980];
	[tilespmem:s24+$0x10300] =	vst v10;
	(erf) = vrcp.f32 v26  }
0x27c: {  	v5 =	vmul.f32 v4, v5;
	v10 =	vld [tilespmem:s25+$0x13A00];
	[tilespmem:s24+$0x10700] =	vst v13  }
0x27d: {  	v6 =	vmul.f32 v6, v4;
	v13 =	vld [tilespmem:s25+$0x13A80];
	[tilespmem:s24+$0x10B00] =	vst v15  }
0x27e: {  	v24 =	vmul.f32 v7, v4;
	v15 =	vld [tilespmem:s25+$0x13B00];
	[tilespmem:s24+$0x10380] =	vst v5  }
0x27f: {  	v25 =	vmul.f32 v3, v8;
	v27 =	vadd.f32 $9.999999740e-05, v14;
	v5 =	vld [tilespmem:s25+$0x13B80];
	[tilespmem:s24+$0x10780] =	vst v6  }
0x280: {  	v3 =	vmul.f32 v9, v3;
	v6 =	vld [tilespmem:s25+$0x12C80];
	[tilespmem:s24+$0x10B80] =	vst v24  }
0x281: {  	v30 =	vadd.f32 $9.999999740e-05, v11;
	(erf) = vrcp.f32 v27;
	v28 =	vld [tilespmem:s25+$0x13080];
	[tilespmem:s24+$0x10400] =	vst v25  }
0x282: {  	v12 =	vadd.f32 $9.999999740e-05, v12;
	v29 =	vld [tilespmem:s25+$0x13480];
	[tilespmem:s24+$0x10800] =	vst v3  }
0x283: {  	(erf) = vrcp.f32 v30;
	v7 =	vld [tilespmem:s25+$0x13800]  }
0x284: {  	v54 =	vld [tilespmem:s25+$0x13000];
	v17 =	vpop (erf);
	(erf) = vrcp.f32 v12  }
0x285: {  	v55 =	vld [tilespmem:s25+$0x13400];
	_ =	sdelay $0x2  }
0x286: {  	v10 =	vadd.f32 $9.999999740e-05, v10;
	v3 =	vld [tilespmem:s25+$0x12D00];
	v7 =	vmul.f32 v7, v17  }
0x287: {  	v31 =	vld [tilespmem:s25+$0x13100];
	v62 =	vmul.f32 v17, v54  }
0x288: {  	v32 =	vld [tilespmem:s25+$0x13500];
	v19 =	vpop (erf);
	(erf) = vrcp.f32 v10;
	v63 =	vmul.f32 v55, v17;
	[tilespmem:s25+$0x10C00] =	vst v7  }
0x289: {  	v42 =	vadd.f32 $9.999999740e-05, v13;
	v33 =	vld [tilespmem:s25+$0x12D80];
	v6 =	vmul.f32 v19, v6;
	[tilespmem:s25+$0x10400] =	vst v62  }
0x28a: {  	v34 =	vld [tilespmem:s25+$0x13180];
	v35 =	vmul.f32 v28, v19;
	v37 =	vpop (erf);
	[tilespmem:s25+$0x10800] =	vst v63  }
0x28b: {  	v18 =	vld [tilespmem:s25+$0x13580];
	v4 =	vmul.f32 v29, v19;
	[tilespmem:s25+$0x10080] =	vst v6;
	v40 =	vpop (erf);
	(erf) = vrcp.f32 v42  }
0x28c: {  	v20 =	vld [tilespmem:s25+$0x12E00];
	v45 =	vadd.f32 $9.999999740e-05, v15;
	v3 =	vmul.f32 v37, v3;
	[tilespmem:s25+$0x10480] =	vst v35  }
0x28d: {  	v21 =	vld [tilespmem:s25+$0x13200];
	v9 =	vmul.f32 v31, v37;
	[tilespmem:s25+$0x10880] =	vst v4  }
0x28e: {  	v36 =	vld [tilespmem:s25+$0x13600];
	v7 =	vmul.f32 v32, v37;
	[tilespmem:s25+$0x10100] =	vst v3;
	(erf) = vrcp.f32 v45  }
0x28f: {  	v38 =	vld [tilespmem:s25+$0x12E80];
	v5 =	vadd.f32 $9.999999740e-05, v5;
	[tilespmem:s25+$0x10500] =	vst v9;
	v8 =	vmul.f32 v40, v33  }
0x290: {  	v39 =	vld [tilespmem:s25+$0x13280];
	[tilespmem:s25+$0x10900] =	vst v7;
	v44 =	vmul.f32 v34, v40  }
0x291: {  	v3 =	vld [tilespmem:s25+$0x13680];
	v9 =	vmul.f32 v18, v40;
	v47 =	vpop (erf);
	(erf) = vrcp.f32 v5;
	[tilespmem:s25+$0x10180] =	vst v8  }
0x292: {  	v49 =	vmul.f32 v47, v20;
	[tilespmem:s25+$0x10580] =	vst v44  }
0x293: {  	v41 =	vld [tilespmem:s25+$0x12F00];
	v51 =	vmul.f32 v21, v47;
	[tilespmem:s25+$0x10980] =	vst v9  }
0x294: {  	v43 =	vld [tilespmem:s25+$0x13300];
	v6 =	vmul.f32 v36, v47;
	[tilespmem:s25+$0x10200] =	vst v49;
	v53 =	vpop (erf)  }
0x295: {  	v46 =	vld [tilespmem:s25+$0x13700];
	[tilespmem:s25+$0x10600] =	vst v51;
	v12 =	vmul.f32 v53, v38  }
0x296: {  	v48 =	vld [tilespmem:s25+$0x12F80];
	[tilespmem:s25+$0x10A00] =	vst v6;
	v4 =	vmul.f32 v39, v53;
	v3 =	vmul.f32 v3, v53  }
0x297: {  	v50 =	vld [tilespmem:s25+$0x13380];
	v56 =	vpop (erf);
	[tilespmem:s25+$0x10280] =	vst v12  }
0x298: {  	v52 =	vld [tilespmem:s25+$0x13780];
	v57 =	vmul.f32 v56, v41;
	[tilespmem:s25+$0x10680] =	vst v4  }
0x299: {  	v58 =	vmul.f32 v43, v56;
	[tilespmem:s25+$0x10A80] =	vst v3  }
0x29a: {  	v59 =	vmul.f32 v46, v56;
	[tilespmem:s25+$0x10300] =	vst v57;
	v3 =	vpop (erf)  }
0x29b: {  	[tilespmem:s25+$0x10700] =	vst v58;
	v60 =	vmul.f32 v3, v48  }
0x29c: {  	[tilespmem:s25+$0x10B00] =	vst v59;
	v61 =	vmul.f32 v50, v3  }
0x29d: {  	v3 =	vmul.f32 v52, v3;
	[tilespmem:s25+$0x10380] =	vst v60  }
0x29e: {  	[tilespmem:s25+$0x10780] =	vst v61  }
0x29f: {  	s0 =	simm.s32 $0x400;
	s1 =	simm.s32 $0x10000;
	[tilespmem:s25+$0x10B80] =	vst v3  }
0x2a0: {  	[hbm4b:s7+s0] =	stream.strided.scatter [tilespmem:s1], [sflag:$0x3], $0xC00, s13, s0, $0x38;
	[tilespmem:$0x13C00] =	vst v63  }
0x2a1: {  	s23 =	sadd.s32 $0x1, s23;
	_ =	swait.ge [sflag:s21], $0xC00  }
0x2a2: {  	p0 =	sne.s32 s23, s9;
	[sflag:s21] =	ssyncset.done $0x0  }
.Ltmp6:
0x2a3: {  	s31 =	simm.s32 $0x10C00;
	[sflag:s21] =	ssyncadd.s32 $0xFFFFF400;
	(pc) =	sbr.rel @p0 .LBB2_1-.Ltmp6, $4  }
0x2a4: {  	[hbm4b:s8+s0] =	stream.strided.scatter [tilespmem:s31], [sflag:$0x3], $0x2000, s13, s0, $0x38;
	[tilespmem:$0x13C00] =	vst v63  }
0x2a5: {  	_ =	swait.ge [sflag:s21], $0x2000  }
0x2a6: {  	[sflag:s21] =	ssyncset.done $0x0  }
0x2a7: {  	[sflag:s21] =	ssyncadd.s32 $0xFFFFE000  }
0x2a8: {  	_ =	sfence.sel $0x180000  }
0x2a9: {  	[bflag:$0x0] =	sbarrier.arrive $0xFFFF  }
0x2aa: {  	_ =	strace $0x90000047  }
0x2ab: {  	s0 =	stileid.u32;
	[bflag:$0x2] =	sbarrier.arrive $0xFFFF  }
0x2ac: {  	p0 =	sne.s32 s0, $0x0;
	s0 =	rddreg [dreg:$0x3]  }
0x2ad: {  	s0 =	sadd.s32 @!p0 $0x100000, s0  }
0x2ae: {  	[sflag:s0] =	ssyncadd.tile.s32 @!p0 $0x1;
	_ =	shalt  }
.Lfunc_end2:
_tile_overlayer_lowered:
.L_overlay_start_2:
0x2af: {  	(tag) =	ssettag $0x2  }
0x2b0: {  	s0 =	rddreg [dreg:$0x0];
	s2 =	stileid.u32  }
0x2b1: {  	s1 =	rddreg [dreg:$0x1];
	p0 =	sne.s32 s2, $0x0  }
0x2b2: {  	s3 =	rddreg [dreg:$0x2];
	[bflag:$0x3] =	sbarrier.arrive $0xFFFF;
	s2 =	simm.s32 @!p0 $0x1C03  }
0x2b3: {  	[timem:s3], [sflag:s2] =	dma.local @!p0 [hbm:s0], s1  }
0x2b4: {  	s0 =	simm.s32 @!p0 $0x3  }
0x2b5: {  	_ =	swait.ge @!p0 [sflag:s0], s1  }
0x2b6: {  	s1 =	ssub.s32 @!p0 $0x0, s1;
	[sflag:s0] =	ssyncset.done @!p0 $0x0  }
0x2b7: {  	[sflag:s0] =	ssyncadd.s32 @!p0 s1  }
0x2b8: {  	[bflag:$0x3] =	sbarrier.arrive $0xFFFF  }
0x2b9: {  	_ =	shalt  }

</sc_bundles>
